<compile_context>
chip_gen: v7x
topology: tpu7x:2x2x1
jax: 0.10.2.dev20260603
libtpu: 0.0.44.dev20260713+nightly
codegen_flags: <defaults>
</compile_context>

<pallas_src>
import functools

import jax
import jax.numpy as jnp
from jax import lax
from jax.experimental import pallas as pl
from jax.experimental.pallas import tpu as pltpu
from jax.experimental.pallas import tpu_sc as plsc

N_TOK = 2048
D_IN = 1024
D_OUT = 1024
N_HEADS_K = 8
BT = 256

_SC_INFO = plsc.get_sparse_core_info()
NC = _SC_INFO.num_cores
NS = _SC_INFO.num_subcores
L = _SC_INFO.num_lanes
NW = NC * NS
TPW = N_TOK // NW

_MESH = plsc.VectorSubcoreMesh(core_axis_name="c", subcore_axis_name="s")


def _route_body(idx_hbm, x_hbm, xs_hbm, pos_hbm, off_hbm,
                idx_v, idxall_v, run_v, pos_a, pos_b, stage_v,
                xrows_a, xrows_b, sem_la, sem_lb, sem_sa, sem_sb):
    wid = lax.axis_index("s") * NC + lax.axis_index("c")
    base = wid * TPW
    half = TPW // 2
    lanes = lax.iota(jnp.int32, L)

    ld_a = pltpu.async_copy(x_hbm.at[pl.ds(base, half)], xrows_a, sem_la)
    ld_b = pltpu.async_copy(x_hbm.at[pl.ds(base + half, half)], xrows_b, sem_lb)

    pltpu.sync_copy(idx_hbm.at[pl.ds(base, TPW)], idx_v)
    pltpu.sync_copy(idx_hbm, idxall_v)

    wid4 = wid * (TPW // L)

    def scan_vreg(vi, carry):
        accs, mines = carry
        v = idxall_v[pl.ds(vi * L, L)]
        pre = jnp.full((L,), vi, jnp.int32) < wid4
        new_accs = []
        new_mines = []
        for h in range(N_HEADS_K):
            mi = jnp.where(v == h, 1, 0)
            new_accs.append(accs[h] + mi)
            new_mines.append(mines[h] + jnp.where(pre, mi, 0))
        return tuple(new_accs), tuple(new_mines)

    zeros8 = tuple(jnp.zeros((L,), jnp.int32) for _ in range(N_HEADS_K))
    acc, mineacc = lax.fori_loop(0, N_TOK // L, scan_vreg, (zeros8, zeros8))
    total = jnp.zeros((L,), jnp.int32)
    mine = jnp.zeros((L,), jnp.int32)
    for h in range(N_HEADS_K):
        total = total + jnp.where(lanes == h, jnp.sum(acc[h]), 0)
        mine = mine + jnp.where(lanes == h, jnp.sum(mineacc[h]), 0)
    excl = plsc.cumsum(total) - total
    base_vec = excl + mine

    @pl.when(wid == 0)
    def _():
        stage_v[...] = excl
        pltpu.sync_copy(stage_v, off_hbm)

    run_v[...] = base_vec
    hv = TPW // L // 2
    for i in range(TPW // L):
        v = idx_v[pl.ds(i * L, L)]
        b = plsc.load_gather(run_v, [v])
        rank = jnp.zeros((L,), jnp.int32)
        addv = jnp.zeros((L,), jnp.int32)
        for h in range(N_HEADS_K):
            m = v == h
            mi = jnp.where(m, 1, 0)
            rank = rank + jnp.where(m, plsc.cumsum(mi) - 1, 0)
            addv = addv + jnp.where(lanes == h, jnp.sum(mi), 0)
        if i < hv:
            pos_a[pl.ds(i * L, L)] = b + rank
        else:
            pos_b[pl.ds((i - hv) * L, L)] = b + rank
        run_v[...] = run_v[...] + addv
    pltpu.sync_copy(pos_a, pos_hbm.at[pl.ds(base, half)])
    pltpu.sync_copy(pos_b, pos_hbm.at[pl.ds(base + half, half)])

    ld_a.wait()
    sc_a = pltpu.async_copy(xrows_a, xs_hbm.at[pos_a], sem_sa)
    ld_b.wait()
    sc_b = pltpu.async_copy(xrows_b, xs_hbm.at[pos_b], sem_sb)
    sc_a.wait()
    sc_b.wait()


_route = pl.kernel(
    _route_body,
    mesh=_MESH,
    out_type=[
        jax.ShapeDtypeStruct((N_TOK, D_IN), jnp.float32),
        jax.ShapeDtypeStruct((N_TOK,), jnp.int32),
        jax.ShapeDtypeStruct((L,), jnp.int32),
    ],
    scratch_types=[
        pltpu.VMEM((TPW,), jnp.int32),
        pltpu.VMEM((N_TOK,), jnp.int32),
        pltpu.VMEM((L,), jnp.int32),
        pltpu.VMEM((TPW // 2,), jnp.int32),
        pltpu.VMEM((TPW // 2,), jnp.int32),
        pltpu.VMEM((L,), jnp.int32),
        pltpu.VMEM((TPW // 2, D_IN), jnp.float32),
        pltpu.VMEM((TPW // 2, D_IN), jnp.float32),
        pltpu.SemaphoreType.DMA,
        pltpu.SemaphoreType.DMA,
        pltpu.SemaphoreType.DMA,
        pltpu.SemaphoreType.DMA,
    ],
    compiler_params=pltpu.CompilerParams(needs_layout_passes=False),
)


def _unsort_body(ys_hbm, pos_hbm, out_hbm, pos_a, pos_b, rows_a, rows_b,
                 sem_ga, sem_gb, sem_sa, sem_sb):
    wid = lax.axis_index("s") * NC + lax.axis_index("c")
    base = wid * TPW
    half = TPW // 2
    pltpu.sync_copy(pos_hbm.at[pl.ds(base, half)], pos_a)
    pltpu.sync_copy(pos_hbm.at[pl.ds(base + half, half)], pos_b)
    g_a = pltpu.async_copy(ys_hbm.at[pos_a], rows_a, sem_ga)
    g_b = pltpu.async_copy(ys_hbm.at[pos_b], rows_b, sem_gb)
    g_a.wait()
    s_a = pltpu.async_copy(rows_a, out_hbm.at[pl.ds(base, half)], sem_sa)
    g_b.wait()
    s_b = pltpu.async_copy(rows_b, out_hbm.at[pl.ds(base + half, half)], sem_sb)
    s_a.wait()
    s_b.wait()


_unsort = pl.kernel(
    _unsort_body,
    mesh=_MESH,
    out_type=jax.ShapeDtypeStruct((N_TOK, D_OUT), jnp.float32),
    scratch_types=[
        pltpu.VMEM((TPW // 2,), jnp.int32),
        pltpu.VMEM((TPW // 2,), jnp.int32),
        pltpu.VMEM((TPW // 2, D_OUT), jnp.float32),
        pltpu.VMEM((TPW // 2, D_OUT), jnp.float32),
        pltpu.SemaphoreType.DMA,
        pltpu.SemaphoreType.DMA,
        pltpu.SemaphoreType.DMA,
        pltpu.SemaphoreType.DMA,
    ],
    compiler_params=pltpu.CompilerParams(needs_layout_passes=False),
)


def _gemm_body(off_ref, xs_ref, w_ref, b_ref, out_ref):
    h = pl.program_id(0)
    start = off_ref[h]
    end = lax.select(h + 1 < N_HEADS_K, off_ref[h + 1], N_TOK)
    a_start = jnp.bitwise_and(start, -8)
    nb = lax.select(end > start, (end - a_start + BT - 1) // BT, 0)

    def chunk(c, carry):
        cs = jnp.minimum(a_start + c * BT, N_TOK - BT)
        cs = pl.multiple_of(cs, 8)
        x = xs_ref[pl.ds(cs, BT), :]
        y = jnp.dot(x, w_ref[0], preferred_element_type=jnp.float32)
        y = y + b_ref[0]
        interior = (cs >= start) & (cs + BT <= end)

        @pl.when(interior)
        def _():
            out_ref[pl.ds(cs, BT), :] = y

        @pl.when(jnp.logical_not(interior))
        def _():
            rows = cs + lax.broadcasted_iota(jnp.int32, (BT, 1), 0)
            mask = (rows >= start) & (rows < end)
            cur = out_ref[pl.ds(cs, BT), :]
            out_ref[pl.ds(cs, BT), :] = jnp.where(mask, y, cur)

        return carry

    lax.fori_loop(0, nb, chunk, 0)


def _grouped_gemm(offsets, xs, weight, bias):
    grid_spec = pltpu.PrefetchScalarGridSpec(
        num_scalar_prefetch=1,
        grid=(N_HEADS_K,),
        in_specs=[
            pl.BlockSpec((N_TOK, D_IN), lambda h, off: (0, 0)),
            pl.BlockSpec((1, D_IN, D_OUT), lambda h, off: (h, 0, 0)),
            pl.BlockSpec((1, 1, D_OUT), lambda h, off: (h, 0, 0)),
        ],
        out_specs=pl.BlockSpec((N_TOK, D_OUT), lambda h, off: (0, 0)),
    )
    return pl.pallas_call(
        _gemm_body,
        grid_spec=grid_spec,
        out_shape=jax.ShapeDtypeStruct((N_TOK, D_OUT), jnp.float32),
        compiler_params=pltpu.CompilerParams(
            dimension_semantics=("arbitrary",)),
    )(offsets, xs, weight, bias.reshape(N_HEADS_K, 1, D_OUT))


def kernel(X, X_head_idx, weight, bias):
    idx = X_head_idx.astype(jnp.int32)
    xs, pos, offsets = _route(idx, X)
    ys = _grouped_gemm(offsets, xs, weight, bias)
    out = _unsort(ys, pos)
    return (out, X_head_idx)

# --- scband reference (transcript-rebuilt; emitter-appended) ---
"""Pipeline reference for scband-selective-linear-781684048387 (READ-ONLY COPY).

The authoritative reference and input builder live on the scoring server;
editing this copy changes nothing except your own understanding.
"""

import jax, jax.numpy as jnp
import numpy as np

N_HEADS = 8
IN_FEATURES = 1024
OUT_FEATURES = 1024
N_TOKENS = 2048


def setup_inputs(seed: int = 0) -> dict:
    key = jax.random.key(seed)
    k1, k2, k3, k4 = jax.random.split(key, 4)
    X = jax.random.normal(k1, (N_TOKENS, IN_FEATURES), dtype=jnp.float32)
    X_head_idx = jax.random.randint(k2, (N_TOKENS,), 0, N_HEADS)
    # kaiming_uniform(a=sqrt(5)) on [H, in, out] -> bound ~ 1/sqrt(fan_in)
    bound_w = 1.0 / np.sqrt(IN_FEATURES)
    weight = jax.random.uniform(k3, (N_HEADS, IN_FEATURES, OUT_FEATURES), minval=-bound_w, maxval=bound_w, dtype=jnp.float32)
    bound_b = 1.0 / np.sqrt(IN_FEATURES)
    bias = jax.random.uniform(k4, (N_HEADS, OUT_FEATURES), minval=-bound_b, maxval=bound_b, dtype=jnp.float32)
    return {"X": X, "X_head_idx": X_head_idx, "weight": weight, "bias": bias}


def reference(X, X_head_idx, weight, bias):
    # Original torch: weight_stack = stack([weight[i] for i in idx]);
    # out = einsum('ij,ijk->ik', X, weight_stack) + bias[idx].
    # Equivalent without materializing N copies of [in, out]:
    # compute all heads densely then select per-token head.
    all_out = jnp.einsum('ni,hio->nho', X, weight)  # [N, H, out]
    out = jnp.take_along_axis(all_out, X_head_idx[:, None, None], axis=1)[:, 0, :]
    out = out + jnp.take(bias, X_head_idx, axis=0)
    return (out, X_head_idx)

if __name__ == "__main__":
    import jax
    _d = setup_inputs()
    print(jax.jit(kernel)(*tuple(_d.values())))

</pallas_src>

<mosaic_0001>
#map = affine_map<(d0, d1) -> (0)>
#map1 = affine_map<(d0, d1) -> (0, 0)>
module attributes {stable_mosaic.version = 14 : i64} {
  func.func @_route_body(%arg0: i32, %arg1: i32, %arg2: memref<2048xi32, #tpu.memory_space<hbm>>, %arg3: memref<2048x1024xf32, #tpu.memory_space<hbm>>, %arg4: memref<2048x1024xf32, #tpu.memory_space<hbm>>, %arg5: memref<2048xi32, #tpu.memory_space<hbm>>, %arg6: memref<16xi32, #tpu.memory_space<hbm>>, %arg7: memref<64xi32, #tpu.memory_space<vmem>>, %arg8: memref<2048xi32, #tpu.memory_space<vmem>>, %arg9: memref<16xi32, #tpu.memory_space<vmem>>, %arg10: memref<32xi32, #tpu.memory_space<vmem>>, %arg11: memref<32xi32, #tpu.memory_space<vmem>>, %arg12: memref<16xi32, #tpu.memory_space<vmem>>, %arg13: memref<32x1024xf32, #tpu.memory_space<vmem>>, %arg14: memref<32x1024xf32, #tpu.memory_space<vmem>>, %arg15: memref<!tpu.dma_semaphore, #tpu.memory_space<semaphore_mem>>, %arg16: memref<!tpu.dma_semaphore, #tpu.memory_space<semaphore_mem>>, %arg17: memref<!tpu.dma_semaphore, #tpu.memory_space<semaphore_mem>>, %arg18: memref<!tpu.dma_semaphore, #tpu.memory_space<semaphore_mem>>) attributes {dimension_semantics = [#tpu.dimension_semantics<core_parallel>, #tpu.dimension_semantics<subcore_parallel>], iteration_bounds = array<i64: 2, 16>, scalar_prefetch = 0 : i64, scratch_operands = 12 : i64, tpu.core_type = #tpu.core_type<sc_vector_subcore>, window_params = [{transform_indices = #map}, {transform_indices = #map1}, {transform_indices = #map1}, {transform_indices = #map}, {transform_indices = #map}]} {
    %mul3A = arith.constant 2 : i32
    %mul3A_0 = arith.muli %arg1, %mul3A : i32
    %add3A = arith.addi %mul3A_0, %arg0 : i32
    %mul3A_1 = arith.constant 64 : i32
    %mul3A_2 = arith.muli %add3A, %mul3A_1 : i32
    %iota3A = tpu.iota {dimensions = array<i32: 0>} : vector<16xi32>
    %dma_start3A = arith.constant 0 : i32
    %dma_start3A_3 = tpu.memref_slice %arg3[%mul3A_2, %dma_start3A] : memref<2048x1024xf32, #tpu.memory_space<hbm>> -> memref<32x1024xf32, #tpu.memory_space<hbm>>
    %dma_start3A_4 = arith.constant 0 : i32
    %dma_start3A_5 = tpu.memref_slice %arg3[%mul3A_2, %dma_start3A_4] : memref<2048x1024xf32, #tpu.memory_space<hbm>> -> memref<32x1024xf32, #tpu.memory_space<hbm>>
    tpu.enqueue_dma source(%dma_start3A_5 : memref<32x1024xf32, #tpu.memory_space<hbm>>) target(%arg13 : memref<32x1024xf32, #tpu.memory_space<vmem>>) target_semaphore(%arg15 : memref<!tpu.dma_semaphore, #tpu.memory_space<semaphore_mem>>)
    %add3A_6 = arith.constant 32 : i32
    %add3A_7 = arith.addi %mul3A_2, %add3A_6 : i32
    %dma_start3A_8 = arith.constant 0 : i32
    %dma_start3A_9 = tpu.memref_slice %arg3[%add3A_7, %dma_start3A_8] : memref<2048x1024xf32, #tpu.memory_space<hbm>> -> memref<32x1024xf32, #tpu.memory_space<hbm>>
    %dma_start3A_10 = arith.constant 0 : i32
    %dma_start3A_11 = tpu.memref_slice %arg3[%add3A_7, %dma_start3A_10] : memref<2048x1024xf32, #tpu.memory_space<hbm>> -> memref<32x1024xf32, #tpu.memory_space<hbm>>
    tpu.enqueue_dma source(%dma_start3A_11 : memref<32x1024xf32, #tpu.memory_space<hbm>>) target(%arg14 : memref<32x1024xf32, #tpu.memory_space<vmem>>) target_semaphore(%arg16 : memref<!tpu.dma_semaphore, #tpu.memory_space<semaphore_mem>>)
    "tpu.region"() ({
      %run_scoped3A = tpu.sem_alloc : memref<!tpu.dma_semaphore, #tpu.memory_space<semaphore_mem>>
      %dma_start3A_1272 = tpu.memref_slice %arg2[%mul3A_2] : memref<2048xi32, #tpu.memory_space<hbm>> -> memref<64xi32, #tpu.memory_space<hbm>>
      %dma_start3A_1273 = tpu.memref_slice %arg2[%mul3A_2] : memref<2048xi32, #tpu.memory_space<hbm>> -> memref<64xi32, #tpu.memory_space<hbm>>
      tpu.enqueue_dma source(%dma_start3A_1273 : memref<64xi32, #tpu.memory_space<hbm>>) target(%arg7 : memref<64xi32, #tpu.memory_space<vmem>>) target_semaphore(%run_scoped3A : memref<!tpu.dma_semaphore, #tpu.memory_space<semaphore_mem>>)
      %dma_wait3A_1274 = tpu.memref_slice %arg2[%mul3A_2] : memref<2048xi32, #tpu.memory_space<hbm>> -> memref<64xi32, #tpu.memory_space<hbm>>
      %dma_wait3A_1275 = tpu.memref_slice %arg2[%mul3A_2] : memref<2048xi32, #tpu.memory_space<hbm>> -> memref<64xi32, #tpu.memory_space<hbm>>
      tpu.wait_dma2 semaphore(%run_scoped3A : memref<!tpu.dma_semaphore, #tpu.memory_space<semaphore_mem>>) src(%dma_wait3A_1275 : memref<64xi32, #tpu.memory_space<hbm>>) dst(%arg7 : memref<64xi32, #tpu.memory_space<vmem>>)
      tpu.yield
    }) : () -> ()
    "tpu.region"() ({
      %run_scoped3A = tpu.sem_alloc : memref<!tpu.dma_semaphore, #tpu.memory_space<semaphore_mem>>
      tpu.enqueue_dma source(%arg2 : memref<2048xi32, #tpu.memory_space<hbm>>) target(%arg8 : memref<2048xi32, #tpu.memory_space<vmem>>) target_semaphore(%run_scoped3A : memref<!tpu.dma_semaphore, #tpu.memory_space<semaphore_mem>>)
      tpu.wait_dma2 semaphore(%run_scoped3A : memref<!tpu.dma_semaphore, #tpu.memory_space<semaphore_mem>>) src(%arg2 : memref<2048xi32, #tpu.memory_space<hbm>>) dst(%arg8 : memref<2048xi32, #tpu.memory_space<vmem>>)
      tpu.yield
    }) : () -> ()
    %mul3A_12 = arith.constant 4 : i32
    %mul3A_13 = arith.muli %add3A, %mul3A_12 : i32
    %broadcast_in_dim3A = arith.constant 0 : i32
    %broadcast_in_dim3A_14 = vector.broadcast %broadcast_in_dim3A : i32 to vector<16xi32>
    %broadcast_in_dim3A_15 = arith.constant 0 : i32
    %broadcast_in_dim3A_16 = vector.broadcast %broadcast_in_dim3A_15 : i32 to vector<16xi32>
    %broadcast_in_dim3A_17 = arith.constant 0 : i32
    %broadcast_in_dim3A_18 = vector.broadcast %broadcast_in_dim3A_17 : i32 to vector<16xi32>
    %broadcast_in_dim3A_19 = arith.constant 0 : i32
    %broadcast_in_dim3A_20 = vector.broadcast %broadcast_in_dim3A_19 : i32 to vector<16xi32>
    %broadcast_in_dim3A_21 = arith.constant 0 : i32
    %broadcast_in_dim3A_22 = vector.broadcast %broadcast_in_dim3A_21 : i32 to vector<16xi32>
    %broadcast_in_dim3A_23 = arith.constant 0 : i32
    %broadcast_in_dim3A_24 = vector.broadcast %broadcast_in_dim3A_23 : i32 to vector<16xi32>
    %broadcast_in_dim3A_25 = arith.constant 0 : i32
    %broadcast_in_dim3A_26 = vector.broadcast %broadcast_in_dim3A_25 : i32 to vector<16xi32>
    %broadcast_in_dim3A_27 = arith.constant 0 : i32
    %broadcast_in_dim3A_28 = vector.broadcast %broadcast_in_dim3A_27 : i32 to vector<16xi32>
    %scan3A = arith.constant 0 : i32
    %scan3A_29 = arith.constant 128 : i32
    %scan3A_30 = arith.addi %scan3A, %scan3A_29 : i32
    %scan3A_31 = arith.constant 1 : i32
    %scan3A_32:16 = scf.for %scan3A_1272 = %scan3A to %scan3A_30 step %scan3A_31 iter_args(%scan3A_1273 = %broadcast_in_dim3A_14, %scan3A_1274 = %broadcast_in_dim3A_16, %scan3A_1275 = %broadcast_in_dim3A_18, %scan3A_1276 = %broadcast_in_dim3A_20, %scan3A_1277 = %broadcast_in_dim3A_22, %scan3A_1278 = %broadcast_in_dim3A_24, %scan3A_1279 = %broadcast_in_dim3A_26, %scan3A_1280 = %broadcast_in_dim3A_28, %scan3A_1281 = %broadcast_in_dim3A_14, %scan3A_1282 = %broadcast_in_dim3A_16, %scan3A_1283 = %broadcast_in_dim3A_18, %scan3A_1284 = %broadcast_in_dim3A_20, %scan3A_1285 = %broadcast_in_dim3A_22, %scan3A_1286 = %broadcast_in_dim3A_24, %scan3A_1287 = %broadcast_in_dim3A_26, %scan3A_1288 = %broadcast_in_dim3A_28) -> (vector<16xi32>, vector<16xi32>, vector<16xi32>, vector<16xi32>, vector<16xi32>, vector<16xi32>, vector<16xi32>, vector<16xi32>, vector<16xi32>, vector<16xi32>, vector<16xi32>, vector<16xi32>, vector<16xi32>, vector<16xi32>, vector<16xi32>, vector<16xi32>)  : i32 {
      %mul3A_1289 = arith.constant 16 : i32
      %mul3A_1290 = arith.muli %scan3A_1272, %mul3A_1289 : i32
      %get3A_1291 = arith.index_cast %mul3A_1290 : i32 to index
      %get3A_1292 = tpu.vector_load %arg8[%get3A_1291] {strides = array<i32>} : memref<2048xi32, #tpu.memory_space<vmem>>, vector<16xi32>,
      %broadcast_in_dim3A_1293 = vector.broadcast %scan3A_1272 : i32 to vector<16xi32>
      %lt3A = vector.broadcast %mul3A_13 : i32 to vector<16xi32>
      %lt3A_1294 = arith.cmpi slt, %broadcast_in_dim3A_1293, %lt3A : vector<16xi32>
      %eq3A_1295 = arith.constant 0 : i32
      %eq3A_1296 = vector.broadcast %eq3A_1295 : i32 to vector<16xi32>
      %eq3A_1297 = arith.cmpi eq, %get3A_1292, %eq3A_1296 : vector<16xi32>
      %jit3A_1298 = arith.constant 1 : i32
      %jit3A_1299 = arith.constant 0 : i32
      %broadcast_in_dim3A_1300 = vector.broadcast %jit3A_1298 : i32 to vector<16xi32>
      %broadcast_in_dim3A_1301 = vector.broadcast %jit3A_1299 : i32 to vector<16xi32>
      %select_n3A_1302 = arith.select %eq3A_1297, %broadcast_in_dim3A_1300, %broadcast_in_dim3A_1301 : vector<16xi1>, vector<16xi32>
      %add3A_1303 = arith.addi %scan3A_1273, %select_n3A_1302 : vector<16xi32>
      %jit3A_1304 = arith.constant 0 : i32
      %broadcast_in_dim3A_1305 = vector.broadcast %jit3A_1304 : i32 to vector<16xi32>
      %select_n3A_1306 = arith.select %lt3A_1294, %select_n3A_1302, %broadcast_in_dim3A_1305 : vector<16xi1>, vector<16xi32>
      %add3A_1307 = arith.addi %scan3A_1281, %select_n3A_1306 : vector<16xi32>
      %eq3A_1308 = arith.constant 1 : i32
      %eq3A_1309 = vector.broadcast %eq3A_1308 : i32 to vector<16xi32>
      %eq3A_1310 = arith.cmpi eq, %get3A_1292, %eq3A_1309 : vector<16xi32>
      %jit3A_1311 = arith.constant 1 : i32
      %jit3A_1312 = arith.constant 0 : i32
      %broadcast_in_dim3A_1313 = vector.broadcast %jit3A_1311 : i32 to vector<16xi32>
      %broadcast_in_dim3A_1314 = vector.broadcast %jit3A_1312 : i32 to vector<16xi32>
      %select_n3A_1315 = arith.select %eq3A_1310, %broadcast_in_dim3A_1313, %broadcast_in_dim3A_1314 : vector<16xi1>, vector<16xi32>
      %add3A_1316 = arith.addi %scan3A_1274, %select_n3A_1315 : vector<16xi32>
      %jit3A_1317 = arith.constant 0 : i32
      %broadcast_in_dim3A_1318 = vector.broadcast %jit3A_1317 : i32 to vector<16xi32>
      %select_n3A_1319 = arith.select %lt3A_1294, %select_n3A_1315, %broadcast_in_dim3A_1318 : vector<16xi1>, vector<16xi32>
      %add3A_1320 = arith.addi %scan3A_1282, %select_n3A_1319 : vector<16xi32>
      %eq3A_1321 = arith.constant 2 : i32
      %eq3A_1322 = vector.broadcast %eq3A_1321 : i32 to vector<16xi32>
      %eq3A_1323 = arith.cmpi eq, %get3A_1292, %eq3A_1322 : vector<16xi32>
      %jit3A_1324 = arith.constant 1 : i32
      %jit3A_1325 = arith.constant 0 : i32
      %broadcast_in_dim3A_1326 = vector.broadcast %jit3A_1324 : i32 to vector<16xi32>
      %broadcast_in_dim3A_1327 = vector.broadcast %jit3A_1325 : i32 to vector<16xi32>
      %select_n3A_1328 = arith.select %eq3A_1323, %broadcast_in_dim3A_1326, %broadcast_in_dim3A_1327 : vector<16xi1>, vector<16xi32>
      %add3A_1329 = arith.addi %scan3A_1275, %select_n3A_1328 : vector<16xi32>
      %jit3A_1330 = arith.constant 0 : i32
      %broadcast_in_dim3A_1331 = vector.broadcast %jit3A_1330 : i32 to vector<16xi32>
      %select_n3A_1332 = arith.select %lt3A_1294, %select_n3A_1328, %broadcast_in_dim3A_1331 : vector<16xi1>, vector<16xi32>
      %add3A_1333 = arith.addi %scan3A_1283, %select_n3A_1332 : vector<16xi32>
      %eq3A_1334 = arith.constant 3 : i32
      %eq3A_1335 = vector.broadcast %eq3A_1334 : i32 to vector<16xi32>
      %eq3A_1336 = arith.cmpi eq, %get3A_1292, %eq3A_1335 : vector<16xi32>
      %jit3A_1337 = arith.constant 1 : i32
      %jit3A_1338 = arith.constant 0 : i32
      %broadcast_in_dim3A_1339 = vector.broadcast %jit3A_1337 : i32 to vector<16xi32>
      %broadcast_in_dim3A_1340 = vector.broadcast %jit3A_1338 : i32 to vector<16xi32>
      %select_n3A_1341 = arith.select %eq3A_1336, %broadcast_in_dim3A_1339, %broadcast_in_dim3A_1340 : vector<16xi1>, vector<16xi32>
      %add3A_1342 = arith.addi %scan3A_1276, %select_n3A_1341 : vector<16xi32>
      %jit3A_1343 = arith.constant 0 : i32
      %broadcast_in_dim3A_1344 = vector.broadcast %jit3A_1343 : i32 to vector<16xi32>
      %select_n3A_1345 = arith.select %lt3A_1294, %select_n3A_1341, %broadcast_in_dim3A_1344 : vector<16xi1>, vector<16xi32>
      %add3A_1346 = arith.addi %scan3A_1284, %select_n3A_1345 : vector<16xi32>
      %eq3A_1347 = arith.constant 4 : i32
      %eq3A_1348 = vector.broadcast %eq3A_1347 : i32 to vector<16xi32>
      %eq3A_1349 = arith.cmpi eq, %get3A_1292, %eq3A_1348 : vector<16xi32>
      %jit3A_1350 = arith.constant 1 : i32
      %jit3A_1351 = arith.constant 0 : i32
      %broadcast_in_dim3A_1352 = vector.broadcast %jit3A_1350 : i32 to vector<16xi32>
      %broadcast_in_dim3A_1353 = vector.broadcast %jit3A_1351 : i32 to vector<16xi32>
      %select_n3A_1354 = arith.select %eq3A_1349, %broadcast_in_dim3A_1352, %broadcast_in_dim3A_1353 : vector<16xi1>, vector<16xi32>
      %add3A_1355 = arith.addi %scan3A_1277, %select_n3A_1354 : vector<16xi32>
      %jit3A_1356 = arith.constant 0 : i32
      %broadcast_in_dim3A_1357 = vector.broadcast %jit3A_1356 : i32 to vector<16xi32>
      %select_n3A_1358 = arith.select %lt3A_1294, %select_n3A_1354, %broadcast_in_dim3A_1357 : vector<16xi1>, vector<16xi32>
      %add3A_1359 = arith.addi %scan3A_1285, %select_n3A_1358 : vector<16xi32>
      %eq3A_1360 = arith.constant 5 : i32
      %eq3A_1361 = vector.broadcast %eq3A_1360 : i32 to vector<16xi32>
      %eq3A_1362 = arith.cmpi eq, %get3A_1292, %eq3A_1361 : vector<16xi32>
      %jit3A_1363 = arith.constant 1 : i32
      %jit3A_1364 = arith.constant 0 : i32
      %broadcast_in_dim3A_1365 = vector.broadcast %jit3A_1363 : i32 to vector<16xi32>
      %broadcast_in_dim3A_1366 = vector.broadcast %jit3A_1364 : i32 to vector<16xi32>
      %select_n3A_1367 = arith.select %eq3A_1362, %broadcast_in_dim3A_1365, %broadcast_in_dim3A_1366 : vector<16xi1>, vector<16xi32>
      %add3A_1368 = arith.addi %scan3A_1278, %select_n3A_1367 : vector<16xi32>
      %jit3A_1369 = arith.constant 0 : i32
      %broadcast_in_dim3A_1370 = vector.broadcast %jit3A_1369 : i32 to vector<16xi32>
      %select_n3A_1371 = arith.select %lt3A_1294, %select_n3A_1367, %broadcast_in_dim3A_1370 : vector<16xi1>, vector<16xi32>
      %add3A_1372 = arith.addi %scan3A_1286, %select_n3A_1371 : vector<16xi32>
      %eq3A_1373 = arith.constant 6 : i32
      %eq3A_1374 = vector.broadcast %eq3A_1373 : i32 to vector<16xi32>
      %eq3A_1375 = arith.cmpi eq, %get3A_1292, %eq3A_1374 : vector<16xi32>
      %jit3A_1376 = arith.constant 1 : i32
      %jit3A_1377 = arith.constant 0 : i32
      %broadcast_in_dim3A_1378 = vector.broadcast %jit3A_1376 : i32 to vector<16xi32>
      %broadcast_in_dim3A_1379 = vector.broadcast %jit3A_1377 : i32 to vector<16xi32>
      %select_n3A_1380 = arith.select %eq3A_1375, %broadcast_in_dim3A_1378, %broadcast_in_dim3A_1379 : vector<16xi1>, vector<16xi32>
      %add3A_1381 = arith.addi %scan3A_1279, %select_n3A_1380 : vector<16xi32>
      %jit3A_1382 = arith.constant 0 : i32
      %broadcast_in_dim3A_1383 = vector.broadcast %jit3A_1382 : i32 to vector<16xi32>
      %select_n3A_1384 = arith.select %lt3A_1294, %select_n3A_1380, %broadcast_in_dim3A_1383 : vector<16xi1>, vector<16xi32>
      %add3A_1385 = arith.addi %scan3A_1287, %select_n3A_1384 : vector<16xi32>
      %eq3A_1386 = arith.constant 7 : i32
      %eq3A_1387 = vector.broadcast %eq3A_1386 : i32 to vector<16xi32>
      %eq3A_1388 = arith.cmpi eq, %get3A_1292, %eq3A_1387 : vector<16xi32>
      %jit3A_1389 = arith.constant 1 : i32
      %jit3A_1390 = arith.constant 0 : i32
      %broadcast_in_dim3A_1391 = vector.broadcast %jit3A_1389 : i32 to vector<16xi32>
      %broadcast_in_dim3A_1392 = vector.broadcast %jit3A_1390 : i32 to vector<16xi32>
      %select_n3A_1393 = arith.select %eq3A_1388, %broadcast_in_dim3A_1391, %broadcast_in_dim3A_1392 : vector<16xi1>, vector<16xi32>
      %add3A_1394 = arith.addi %scan3A_1280, %select_n3A_1393 : vector<16xi32>
      %jit3A_1395 = arith.constant 0 : i32
      %broadcast_in_dim3A_1396 = vector.broadcast %jit3A_1395 : i32 to vector<16xi32>
      %select_n3A_1397 = arith.select %lt3A_1294, %select_n3A_1393, %broadcast_in_dim3A_1396 : vector<16xi1>, vector<16xi32>
      %add3A_1398 = arith.addi %scan3A_1288, %select_n3A_1397 : vector<16xi32>
      scf.yield %add3A_1303, %add3A_1316, %add3A_1329, %add3A_1342, %add3A_1355, %add3A_1368, %add3A_1381, %add3A_1394, %add3A_1307, %add3A_1320, %add3A_1333, %add3A_1346, %add3A_1359, %add3A_1372, %add3A_1385, %add3A_1398 : vector<16xi32>, vector<16xi32>, vector<16xi32>, vector<16xi32>, vector<16xi32>, vector<16xi32>, vector<16xi32>, vector<16xi32>, vector<16xi32>, vector<16xi32>, vector<16xi32>, vector<16xi32>, vector<16xi32>, vector<16xi32>, vector<16xi32>, vector<16xi32>
    }
    %scan3A_33 = arith.constant 128 : i32
    %broadcast_in_dim3A_34 = arith.constant 0 : i32
    %broadcast_in_dim3A_35 = vector.broadcast %broadcast_in_dim3A_34 : i32 to vector<16xi32>
    %broadcast_in_dim3A_36 = arith.constant 0 : i32
    %broadcast_in_dim3A_37 = vector.broadcast %broadcast_in_dim3A_36 : i32 to vector<16xi32>
    %eq3A = arith.constant 0 : i32
    %eq3A_38 = vector.broadcast %eq3A : i32 to vector<16xi32>
    %eq3A_39 = arith.cmpi eq, %iota3A, %eq3A_38 : vector<16xi32>
    %reduce_sum3A = arith.constant true
    %reduce_sum3A_40 = vector.broadcast %reduce_sum3A : i1 to vector<16xi1>
    %reduce_sum3A_41 = tpu.scan <sum>, %scan3A_32#0 masked %reduce_sum3A_40 : vector<16xi32>, vector<16xi1> -> vector<16xi32>
    %reduce_sum3A_42 = vector.extract %reduce_sum3A_41[15] : i32 from vector<16xi32>
    %jit3A = arith.constant 0 : i32
    %broadcast_in_dim3A_43 = vector.broadcast %reduce_sum3A_42 : i32 to vector<16xi32>
    %broadcast_in_dim3A_44 = vector.broadcast %jit3A : i32 to vector<16xi32>
    %select_n3A = arith.select %eq3A_39, %broadcast_in_dim3A_43, %broadcast_in_dim3A_44 : vector<16xi1>, vector<16xi32>
    %add3A_45 = arith.addi %broadcast_in_dim3A_35, %select_n3A : vector<16xi32>
    %eq3A_46 = arith.constant 0 : i32
    %eq3A_47 = vector.broadcast %eq3A_46 : i32 to vector<16xi32>
    %eq3A_48 = arith.cmpi eq, %iota3A, %eq3A_47 : vector<16xi32>
    %reduce_sum3A_49 = arith.constant true
    %reduce_sum3A_50 = vector.broadcast %reduce_sum3A_49 : i1 to vector<16xi1>
    %reduce_sum3A_51 = tpu.scan <sum>, %scan3A_32#8 masked %reduce_sum3A_50 : vector<16xi32>, vector<16xi1> -> vector<16xi32>
    %reduce_sum3A_52 = vector.extract %reduce_sum3A_51[15] : i32 from vector<16xi32>
    %jit3A_53 = arith.constant 0 : i32
    %broadcast_in_dim3A_54 = vector.broadcast %reduce_sum3A_52 : i32 to vector<16xi32>
    %broadcast_in_dim3A_55 = vector.broadcast %jit3A_53 : i32 to vector<16xi32>
    %select_n3A_56 = arith.select %eq3A_48, %broadcast_in_dim3A_54, %broadcast_in_dim3A_55 : vector<16xi1>, vector<16xi32>
    %add3A_57 = arith.addi %broadcast_in_dim3A_37, %select_n3A_56 : vector<16xi32>
    %eq3A_58 = arith.constant 1 : i32
    %eq3A_59 = vector.broadcast %eq3A_58 : i32 to vector<16xi32>
    %eq3A_60 = arith.cmpi eq, %iota3A, %eq3A_59 : vector<16xi32>
    %reduce_sum3A_61 = arith.constant true
    %reduce_sum3A_62 = vector.broadcast %reduce_sum3A_61 : i1 to vector<16xi1>
    %reduce_sum3A_63 = tpu.scan <sum>, %scan3A_32#1 masked %reduce_sum3A_62 : vector<16xi32>, vector<16xi1> -> vector<16xi32>
    %reduce_sum3A_64 = vector.extract %reduce_sum3A_63[15] : i32 from vector<16xi32>
    %jit3A_65 = arith.constant 0 : i32
    %broadcast_in_dim3A_66 = vector.broadcast %reduce_sum3A_64 : i32 to vector<16xi32>
    %broadcast_in_dim3A_67 = vector.broadcast %jit3A_65 : i32 to vector<16xi32>
    %select_n3A_68 = arith.select %eq3A_60, %broadcast_in_dim3A_66, %broadcast_in_dim3A_67 : vector<16xi1>, vector<16xi32>
    %add3A_69 = arith.addi %add3A_45, %select_n3A_68 : vector<16xi32>
    %eq3A_70 = arith.constant 1 : i32
    %eq3A_71 = vector.broadcast %eq3A_70 : i32 to vector<16xi32>
    %eq3A_72 = arith.cmpi eq, %iota3A, %eq3A_71 : vector<16xi32>
    %reduce_sum3A_73 = arith.constant true
    %reduce_sum3A_74 = vector.broadcast %reduce_sum3A_73 : i1 to vector<16xi1>
    %reduce_sum3A_75 = tpu.scan <sum>, %scan3A_32#9 masked %reduce_sum3A_74 : vector<16xi32>, vector<16xi1> -> vector<16xi32>
    %reduce_sum3A_76 = vector.extract %reduce_sum3A_75[15] : i32 from vector<16xi32>
    %jit3A_77 = arith.constant 0 : i32
    %broadcast_in_dim3A_78 = vector.broadcast %reduce_sum3A_76 : i32 to vector<16xi32>
    %broadcast_in_dim3A_79 = vector.broadcast %jit3A_77 : i32 to vector<16xi32>
    %select_n3A_80 = arith.select %eq3A_72, %broadcast_in_dim3A_78, %broadcast_in_dim3A_79 : vector<16xi1>, vector<16xi32>
    %add3A_81 = arith.addi %add3A_57, %select_n3A_80 : vector<16xi32>
    %eq3A_82 = arith.constant 2 : i32
    %eq3A_83 = vector.broadcast %eq3A_82 : i32 to vector<16xi32>
    %eq3A_84 = arith.cmpi eq, %iota3A, %eq3A_83 : vector<16xi32>
    %reduce_sum3A_85 = arith.constant true
    %reduce_sum3A_86 = vector.broadcast %reduce_sum3A_85 : i1 to vector<16xi1>
    %reduce_sum3A_87 = tpu.scan <sum>, %scan3A_32#2 masked %reduce_sum3A_86 : vector<16xi32>, vector<16xi1> -> vector<16xi32>
    %reduce_sum3A_88 = vector.extract %reduce_sum3A_87[15] : i32 from vector<16xi32>
    %jit3A_89 = arith.constant 0 : i32
    %broadcast_in_dim3A_90 = vector.broadcast %reduce_sum3A_88 : i32 to vector<16xi32>
    %broadcast_in_dim3A_91 = vector.broadcast %jit3A_89 : i32 to vector<16xi32>
    %select_n3A_92 = arith.select %eq3A_84, %broadcast_in_dim3A_90, %broadcast_in_dim3A_91 : vector<16xi1>, vector<16xi32>
    %add3A_93 = arith.addi %add3A_69, %select_n3A_92 : vector<16xi32>
    %eq3A_94 = arith.constant 2 : i32
    %eq3A_95 = vector.broadcast %eq3A_94 : i32 to vector<16xi32>
    %eq3A_96 = arith.cmpi eq, %iota3A, %eq3A_95 : vector<16xi32>
    %reduce_sum3A_97 = arith.constant true
    %reduce_sum3A_98 = vector.broadcast %reduce_sum3A_97 : i1 to vector<16xi1>
    %reduce_sum3A_99 = tpu.scan <sum>, %scan3A_32#10 masked %reduce_sum3A_98 : vector<16xi32>, vector<16xi1> -> vector<16xi32>
    %reduce_sum3A_100 = vector.extract %reduce_sum3A_99[15] : i32 from vector<16xi32>
    %jit3A_101 = arith.constant 0 : i32
    %broadcast_in_dim3A_102 = vector.broadcast %reduce_sum3A_100 : i32 to vector<16xi32>
    %broadcast_in_dim3A_103 = vector.broadcast %jit3A_101 : i32 to vector<16xi32>
    %select_n3A_104 = arith.select %eq3A_96, %broadcast_in_dim3A_102, %broadcast_in_dim3A_103 : vector<16xi1>, vector<16xi32>
    %add3A_105 = arith.addi %add3A_81, %select_n3A_104 : vector<16xi32>
    %eq3A_106 = arith.constant 3 : i32
    %eq3A_107 = vector.broadcast %eq3A_106 : i32 to vector<16xi32>
    %eq3A_108 = arith.cmpi eq, %iota3A, %eq3A_107 : vector<16xi32>
    %reduce_sum3A_109 = arith.constant true
    %reduce_sum3A_110 = vector.broadcast %reduce_sum3A_109 : i1 to vector<16xi1>
    %reduce_sum3A_111 = tpu.scan <sum>, %scan3A_32#3 masked %reduce_sum3A_110 : vector<16xi32>, vector<16xi1> -> vector<16xi32>
    %reduce_sum3A_112 = vector.extract %reduce_sum3A_111[15] : i32 from vector<16xi32>
    %jit3A_113 = arith.constant 0 : i32
    %broadcast_in_dim3A_114 = vector.broadcast %reduce_sum3A_112 : i32 to vector<16xi32>
    %broadcast_in_dim3A_115 = vector.broadcast %jit3A_113 : i32 to vector<16xi32>
    %select_n3A_116 = arith.select %eq3A_108, %broadcast_in_dim3A_114, %broadcast_in_dim3A_115 : vector<16xi1>, vector<16xi32>
    %add3A_117 = arith.addi %add3A_93, %select_n3A_116 : vector<16xi32>
    %eq3A_118 = arith.constant 3 : i32
    %eq3A_119 = vector.broadcast %eq3A_118 : i32 to vector<16xi32>
    %eq3A_120 = arith.cmpi eq, %iota3A, %eq3A_119 : vector<16xi32>
    %reduce_sum3A_121 = arith.constant true
    %reduce_sum3A_122 = vector.broadcast %reduce_sum3A_121 : i1 to vector<16xi1>
    %reduce_sum3A_123 = tpu.scan <sum>, %scan3A_32#11 masked %reduce_sum3A_122 : vector<16xi32>, vector<16xi1> -> vector<16xi32>
    %reduce_sum3A_124 = vector.extract %reduce_sum3A_123[15] : i32 from vector<16xi32>
    %jit3A_125 = arith.constant 0 : i32
    %broadcast_in_dim3A_126 = vector.broadcast %reduce_sum3A_124 : i32 to vector<16xi32>
    %broadcast_in_dim3A_127 = vector.broadcast %jit3A_125 : i32 to vector<16xi32>
    %select_n3A_128 = arith.select %eq3A_120, %broadcast_in_dim3A_126, %broadcast_in_dim3A_127 : vector<16xi1>, vector<16xi32>
    %add3A_129 = arith.addi %add3A_105, %select_n3A_128 : vector<16xi32>
    %eq3A_130 = arith.constant 4 : i32
    %eq3A_131 = vector.broadcast %eq3A_130 : i32 to vector<16xi32>
    %eq3A_132 = arith.cmpi eq, %iota3A, %eq3A_131 : vector<16xi32>
    %reduce_sum3A_133 = arith.constant true
    %reduce_sum3A_134 = vector.broadcast %reduce_sum3A_133 : i1 to vector<16xi1>
    %reduce_sum3A_135 = tpu.scan <sum>, %scan3A_32#4 masked %reduce_sum3A_134 : vector<16xi32>, vector<16xi1> -> vector<16xi32>
    %reduce_sum3A_136 = vector.extract %reduce_sum3A_135[15] : i32 from vector<16xi32>
    %jit3A_137 = arith.constant 0 : i32
    %broadcast_in_dim3A_138 = vector.broadcast %reduce_sum3A_136 : i32 to vector<16xi32>
    %broadcast_in_dim3A_139 = vector.broadcast %jit3A_137 : i32 to vector<16xi32>
    %select_n3A_140 = arith.select %eq3A_132, %broadcast_in_dim3A_138, %broadcast_in_dim3A_139 : vector<16xi1>, vector<16xi32>
    %add3A_141 = arith.addi %add3A_117, %select_n3A_140 : vector<16xi32>
    %eq3A_142 = arith.constant 4 : i32
    %eq3A_143 = vector.broadcast %eq3A_142 : i32 to vector<16xi32>
    %eq3A_144 = arith.cmpi eq, %iota3A, %eq3A_143 : vector<16xi32>
    %reduce_sum3A_145 = arith.constant true
    %reduce_sum3A_146 = vector.broadcast %reduce_sum3A_145 : i1 to vector<16xi1>
    %reduce_sum3A_147 = tpu.scan <sum>, %scan3A_32#12 masked %reduce_sum3A_146 : vector<16xi32>, vector<16xi1> -> vector<16xi32>
    %reduce_sum3A_148 = vector.extract %reduce_sum3A_147[15] : i32 from vector<16xi32>
    %jit3A_149 = arith.constant 0 : i32
    %broadcast_in_dim3A_150 = vector.broadcast %reduce_sum3A_148 : i32 to vector<16xi32>
    %broadcast_in_dim3A_151 = vector.broadcast %jit3A_149 : i32 to vector<16xi32>
    %select_n3A_152 = arith.select %eq3A_144, %broadcast_in_dim3A_150, %broadcast_in_dim3A_151 : vector<16xi1>, vector<16xi32>
    %add3A_153 = arith.addi %add3A_129, %select_n3A_152 : vector<16xi32>
    %eq3A_154 = arith.constant 5 : i32
    %eq3A_155 = vector.broadcast %eq3A_154 : i32 to vector<16xi32>
    %eq3A_156 = arith.cmpi eq, %iota3A, %eq3A_155 : vector<16xi32>
    %reduce_sum3A_157 = arith.constant true
    %reduce_sum3A_158 = vector.broadcast %reduce_sum3A_157 : i1 to vector<16xi1>
    %reduce_sum3A_159 = tpu.scan <sum>, %scan3A_32#5 masked %reduce_sum3A_158 : vector<16xi32>, vector<16xi1> -> vector<16xi32>
    %reduce_sum3A_160 = vector.extract %reduce_sum3A_159[15] : i32 from vector<16xi32>
    %jit3A_161 = arith.constant 0 : i32
    %broadcast_in_dim3A_162 = vector.broadcast %reduce_sum3A_160 : i32 to vector<16xi32>
    %broadcast_in_dim3A_163 = vector.broadcast %jit3A_161 : i32 to vector<16xi32>
    %select_n3A_164 = arith.select %eq3A_156, %broadcast_in_dim3A_162, %broadcast_in_dim3A_163 : vector<16xi1>, vector<16xi32>
    %add3A_165 = arith.addi %add3A_141, %select_n3A_164 : vector<16xi32>
    %eq3A_166 = arith.constant 5 : i32
    %eq3A_167 = vector.broadcast %eq3A_166 : i32 to vector<16xi32>
    %eq3A_168 = arith.cmpi eq, %iota3A, %eq3A_167 : vector<16xi32>
    %reduce_sum3A_169 = arith.constant true
    %reduce_sum3A_170 = vector.broadcast %reduce_sum3A_169 : i1 to vector<16xi1>
    %reduce_sum3A_171 = tpu.scan <sum>, %scan3A_32#13 masked %reduce_sum3A_170 : vector<16xi32>, vector<16xi1> -> vector<16xi32>
    %reduce_sum3A_172 = vector.extract %reduce_sum3A_171[15] : i32 from vector<16xi32>
    %jit3A_173 = arith.constant 0 : i32
    %broadcast_in_dim3A_174 = vector.broadcast %reduce_sum3A_172 : i32 to vector<16xi32>
    %broadcast_in_dim3A_175 = vector.broadcast %jit3A_173 : i32 to vector<16xi32>
    %select_n3A_176 = arith.select %eq3A_168, %broadcast_in_dim3A_174, %broadcast_in_dim3A_175 : vector<16xi1>, vector<16xi32>
    %add3A_177 = arith.addi %add3A_153, %select_n3A_176 : vector<16xi32>
    %eq3A_178 = arith.constant 6 : i32
    %eq3A_179 = vector.broadcast %eq3A_178 : i32 to vector<16xi32>
    %eq3A_180 = arith.cmpi eq, %iota3A, %eq3A_179 : vector<16xi32>
    %reduce_sum3A_181 = arith.constant true
    %reduce_sum3A_182 = vector.broadcast %reduce_sum3A_181 : i1 to vector<16xi1>
    %reduce_sum3A_183 = tpu.scan <sum>, %scan3A_32#6 masked %reduce_sum3A_182 : vector<16xi32>, vector<16xi1> -> vector<16xi32>
    %reduce_sum3A_184 = vector.extract %reduce_sum3A_183[15] : i32 from vector<16xi32>
    %jit3A_185 = arith.constant 0 : i32
    %broadcast_in_dim3A_186 = vector.broadcast %reduce_sum3A_184 : i32 to vector<16xi32>
    %broadcast_in_dim3A_187 = vector.broadcast %jit3A_185 : i32 to vector<16xi32>
    %select_n3A_188 = arith.select %eq3A_180, %broadcast_in_dim3A_186, %broadcast_in_dim3A_187 : vector<16xi1>, vector<16xi32>
    %add3A_189 = arith.addi %add3A_165, %select_n3A_188 : vector<16xi32>
    %eq3A_190 = arith.constant 6 : i32
    %eq3A_191 = vector.broadcast %eq3A_190 : i32 to vector<16xi32>
    %eq3A_192 = arith.cmpi eq, %iota3A, %eq3A_191 : vector<16xi32>
    %reduce_sum3A_193 = arith.constant true
    %reduce_sum3A_194 = vector.broadcast %reduce_sum3A_193 : i1 to vector<16xi1>
    %reduce_sum3A_195 = tpu.scan <sum>, %scan3A_32#14 masked %reduce_sum3A_194 : vector<16xi32>, vector<16xi1> -> vector<16xi32>
    %reduce_sum3A_196 = vector.extract %reduce_sum3A_195[15] : i32 from vector<16xi32>
    %jit3A_197 = arith.constant 0 : i32
    %broadcast_in_dim3A_198 = vector.broadcast %reduce_sum3A_196 : i32 to vector<16xi32>
    %broadcast_in_dim3A_199 = vector.broadcast %jit3A_197 : i32 to vector<16xi32>
    %select_n3A_200 = arith.select %eq3A_192, %broadcast_in_dim3A_198, %broadcast_in_dim3A_199 : vector<16xi1>, vector<16xi32>
    %add3A_201 = arith.addi %add3A_177, %select_n3A_200 : vector<16xi32>
    %eq3A_202 = arith.constant 7 : i32
    %eq3A_203 = vector.broadcast %eq3A_202 : i32 to vector<16xi32>
    %eq3A_204 = arith.cmpi eq, %iota3A, %eq3A_203 : vector<16xi32>
    %reduce_sum3A_205 = arith.constant true
    %reduce_sum3A_206 = vector.broadcast %reduce_sum3A_205 : i1 to vector<16xi1>
    %reduce_sum3A_207 = tpu.scan <sum>, %scan3A_32#7 masked %reduce_sum3A_206 : vector<16xi32>, vector<16xi1> -> vector<16xi32>
    %reduce_sum3A_208 = vector.extract %reduce_sum3A_207[15] : i32 from vector<16xi32>
    %jit3A_209 = arith.constant 0 : i32
    %broadcast_in_dim3A_210 = vector.broadcast %reduce_sum3A_208 : i32 to vector<16xi32>
    %broadcast_in_dim3A_211 = vector.broadcast %jit3A_209 : i32 to vector<16xi32>
    %select_n3A_212 = arith.select %eq3A_204, %broadcast_in_dim3A_210, %broadcast_in_dim3A_211 : vector<16xi1>, vector<16xi32>
    %add3A_213 = arith.addi %add3A_189, %select_n3A_212 : vector<16xi32>
    %eq3A_214 = arith.constant 7 : i32
    %eq3A_215 = vector.broadcast %eq3A_214 : i32 to vector<16xi32>
    %eq3A_216 = arith.cmpi eq, %iota3A, %eq3A_215 : vector<16xi32>
    %reduce_sum3A_217 = arith.constant true
    %reduce_sum3A_218 = vector.broadcast %reduce_sum3A_217 : i1 to vector<16xi1>
    %reduce_sum3A_219 = tpu.scan <sum>, %scan3A_32#15 masked %reduce_sum3A_218 : vector<16xi32>, vector<16xi1> -> vector<16xi32>
    %reduce_sum3A_220 = vector.extract %reduce_sum3A_219[15] : i32 from vector<16xi32>
    %jit3A_221 = arith.constant 0 : i32
    %broadcast_in_dim3A_222 = vector.broadcast %reduce_sum3A_220 : i32 to vector<16xi32>
    %broadcast_in_dim3A_223 = vector.broadcast %jit3A_221 : i32 to vector<16xi32>
    %select_n3A_224 = arith.select %eq3A_216, %broadcast_in_dim3A_222, %broadcast_in_dim3A_223 : vector<16xi1>, vector<16xi32>
    %add3A_225 = arith.addi %add3A_201, %select_n3A_224 : vector<16xi32>
    %broadcast_in_dim3A_226 = arith.constant true
    %broadcast_in_dim3A_227 = vector.broadcast %broadcast_in_dim3A_226 : i1 to vector<16xi1>
    %masked_cumsum3A = tpu.scan <sum>, %add3A_213 masked %broadcast_in_dim3A_227 : vector<16xi32>, vector<16xi1> -> vector<16xi32>
    %sub3A = arith.subi %masked_cumsum3A, %add3A_213 : vector<16xi32>
    %add3A_228 = arith.addi %sub3A, %add3A_225 : vector<16xi32>
    %eq3A_229 = arith.constant 0 : i32
    %eq3A_230 = arith.cmpi eq, %add3A, %eq3A_229 : i32
    %convert_element_type3A = arith.extui %eq3A_230 : i1 to i32
    %cond3A = arith.constant 0 : i32
    %cond3A_231 = arith.cmpi ne, %convert_element_type3A, %cond3A : i32
    scf.if %cond3A_231 {
      %swap3A_1272 = arith.constant 0 : index
      %swap3A_1273 = tpu.vector_load %arg12[%swap3A_1272] {strides = array<i32>} : memref<16xi32, #tpu.memory_space<vmem>>, vector<16xi32>,
      tpu.vector_store %arg12[%swap3A_1272], %sub3A {strides = array<i32>} : memref<16xi32, #tpu.memory_space<vmem>>, vector<16xi32>,
      "tpu.region"() ({
        %run_scoped3A = tpu.sem_alloc : memref<!tpu.dma_semaphore, #tpu.memory_space<semaphore_mem>>
        tpu.enqueue_dma source(%arg12 : memref<16xi32, #tpu.memory_space<vmem>>) target(%arg6 : memref<16xi32, #tpu.memory_space<hbm>>) target_semaphore(%run_scoped3A : memref<!tpu.dma_semaphore, #tpu.memory_space<semaphore_mem>>)
        tpu.wait_dma2 semaphore(%run_scoped3A : memref<!tpu.dma_semaphore, #tpu.memory_space<semaphore_mem>>) src(%arg12 : memref<16xi32, #tpu.memory_space<vmem>>) dst(%arg6 : memref<16xi32, #tpu.memory_space<hbm>>)
        tpu.yield
      }) : () -> ()
    } else {
    }
    %swap3A = arith.constant 0 : index
    %swap3A_232 = tpu.vector_load %arg9[%swap3A] {strides = array<i32>} : memref<16xi32, #tpu.memory_space<vmem>>, vector<16xi32>,
    tpu.vector_store %arg9[%swap3A], %add3A_228 {strides = array<i32>} : memref<16xi32, #tpu.memory_space<vmem>>, vector<16xi32>,
    %get3A = arith.constant 0 : index
    %get3A_233 = tpu.vector_load %arg7[%get3A] {strides = array<i32>} : memref<64xi32, #tpu.memory_space<vmem>>, vector<16xi32>,
    %gather3A = tpu.vector_load_idx %arg9[%get3A_233] : memref<16xi32, #tpu.memory_space<vmem>>[vector<16xi32>], vector<16xi32>,
    %broadcast_in_dim3A_234 = arith.constant 0 : i32
    %broadcast_in_dim3A_235 = vector.broadcast %broadcast_in_dim3A_234 : i32 to vector<16xi32>
    %broadcast_in_dim3A_236 = arith.constant 0 : i32
    %broadcast_in_dim3A_237 = vector.broadcast %broadcast_in_dim3A_236 : i32 to vector<16xi32>
    %eq3A_238 = arith.constant 0 : i32
    %eq3A_239 = vector.broadcast %eq3A_238 : i32 to vector<16xi32>
    %eq3A_240 = arith.cmpi eq, %get3A_233, %eq3A_239 : vector<16xi32>
    %jit3A_241 = arith.constant 1 : i32
    %jit3A_242 = arith.constant 0 : i32
    %broadcast_in_dim3A_243 = vector.broadcast %jit3A_241 : i32 to vector<16xi32>
    %broadcast_in_dim3A_244 = vector.broadcast %jit3A_242 : i32 to vector<16xi32>
    %select_n3A_245 = arith.select %eq3A_240, %broadcast_in_dim3A_243, %broadcast_in_dim3A_244 : vector<16xi1>, vector<16xi32>
    %broadcast_in_dim3A_246 = arith.constant true
    %broadcast_in_dim3A_247 = vector.broadcast %broadcast_in_dim3A_246 : i1 to vector<16xi1>
    %masked_cumsum3A_248 = tpu.scan <sum>, %select_n3A_245 masked %broadcast_in_dim3A_247 : vector<16xi32>, vector<16xi1> -> vector<16xi32>
    %sub3A_249 = arith.constant 1 : i32
    %sub3A_250 = vector.broadcast %sub3A_249 : i32 to vector<16xi32>
    %sub3A_251 = arith.subi %masked_cumsum3A_248, %sub3A_250 : vector<16xi32>
    %jit3A_252 = arith.constant 0 : i32
    %broadcast_in_dim3A_253 = vector.broadcast %jit3A_252 : i32 to vector<16xi32>
    %select_n3A_254 = arith.select %eq3A_240, %sub3A_251, %broadcast_in_dim3A_253 : vector<16xi1>, vector<16xi32>
    %add3A_255 = arith.addi %broadcast_in_dim3A_235, %select_n3A_254 : vector<16xi32>
    %eq3A_256 = arith.constant 0 : i32
    %eq3A_257 = vector.broadcast %eq3A_256 : i32 to vector<16xi32>
    %eq3A_258 = arith.cmpi eq, %iota3A, %eq3A_257 : vector<16xi32>
    %reduce_sum3A_259 = arith.constant true
    %reduce_sum3A_260 = vector.broadcast %reduce_sum3A_259 : i1 to vector<16xi1>
    %reduce_sum3A_261 = tpu.scan <sum>, %select_n3A_245 masked %reduce_sum3A_260 : vector<16xi32>, vector<16xi1> -> vector<16xi32>
    %reduce_sum3A_262 = vector.extract %reduce_sum3A_261[15] : i32 from vector<16xi32>
    %jit3A_263 = arith.constant 0 : i32
    %broadcast_in_dim3A_264 = vector.broadcast %reduce_sum3A_262 : i32 to vector<16xi32>
    %broadcast_in_dim3A_265 = vector.broadcast %jit3A_263 : i32 to vector<16xi32>
    %select_n3A_266 = arith.select %eq3A_258, %broadcast_in_dim3A_264, %broadcast_in_dim3A_265 : vector<16xi1>, vector<16xi32>
    %add3A_267 = arith.addi %broadcast_in_dim3A_237, %select_n3A_266 : vector<16xi32>
    %eq3A_268 = arith.constant 1 : i32
    %eq3A_269 = vector.broadcast %eq3A_268 : i32 to vector<16xi32>
    %eq3A_270 = arith.cmpi eq, %get3A_233, %eq3A_269 : vector<16xi32>
    %jit3A_271 = arith.constant 1 : i32
    %jit3A_272 = arith.constant 0 : i32
    %broadcast_in_dim3A_273 = vector.broadcast %jit3A_271 : i32 to vector<16xi32>
    %broadcast_in_dim3A_274 = vector.broadcast %jit3A_272 : i32 to vector<16xi32>
    %select_n3A_275 = arith.select %eq3A_270, %broadcast_in_dim3A_273, %broadcast_in_dim3A_274 : vector<16xi1>, vector<16xi32>
    %broadcast_in_dim3A_276 = arith.constant true
    %broadcast_in_dim3A_277 = vector.broadcast %broadcast_in_dim3A_276 : i1 to vector<16xi1>
    %masked_cumsum3A_278 = tpu.scan <sum>, %select_n3A_275 masked %broadcast_in_dim3A_277 : vector<16xi32>, vector<16xi1> -> vector<16xi32>
    %sub3A_279 = arith.constant 1 : i32
    %sub3A_280 = vector.broadcast %sub3A_279 : i32 to vector<16xi32>
    %sub3A_281 = arith.subi %masked_cumsum3A_278, %sub3A_280 : vector<16xi32>
    %jit3A_282 = arith.constant 0 : i32
    %broadcast_in_dim3A_283 = vector.broadcast %jit3A_282 : i32 to vector<16xi32>
    %select_n3A_284 = arith.select %eq3A_270, %sub3A_281, %broadcast_in_dim3A_283 : vector<16xi1>, vector<16xi32>
    %add3A_285 = arith.addi %add3A_255, %select_n3A_284 : vector<16xi32>
    %eq3A_286 = arith.constant 1 : i32
    %eq3A_287 = vector.broadcast %eq3A_286 : i32 to vector<16xi32>
    %eq3A_288 = arith.cmpi eq, %iota3A, %eq3A_287 : vector<16xi32>
    %reduce_sum3A_289 = arith.constant true
    %reduce_sum3A_290 = vector.broadcast %reduce_sum3A_289 : i1 to vector<16xi1>
    %reduce_sum3A_291 = tpu.scan <sum>, %select_n3A_275 masked %reduce_sum3A_290 : vector<16xi32>, vector<16xi1> -> vector<16xi32>
    %reduce_sum3A_292 = vector.extract %reduce_sum3A_291[15] : i32 from vector<16xi32>
    %jit3A_293 = arith.constant 0 : i32
    %broadcast_in_dim3A_294 = vector.broadcast %reduce_sum3A_292 : i32 to vector<16xi32>
    %broadcast_in_dim3A_295 = vector.broadcast %jit3A_293 : i32 to vector<16xi32>
    %select_n3A_296 = arith.select %eq3A_288, %broadcast_in_dim3A_294, %broadcast_in_dim3A_295 : vector<16xi1>, vector<16xi32>
    %add3A_297 = arith.addi %add3A_267, %select_n3A_296 : vector<16xi32>
    %eq3A_298 = arith.constant 2 : i32
    %eq3A_299 = vector.broadcast %eq3A_298 : i32 to vector<16xi32>
    %eq3A_300 = arith.cmpi eq, %get3A_233, %eq3A_299 : vector<16xi32>
    %jit3A_301 = arith.constant 1 : i32
    %jit3A_302 = arith.constant 0 : i32
    %broadcast_in_dim3A_303 = vector.broadcast %jit3A_301 : i32 to vector<16xi32>
    %broadcast_in_dim3A_304 = vector.broadcast %jit3A_302 : i32 to vector<16xi32>
    %select_n3A_305 = arith.select %eq3A_300, %broadcast_in_dim3A_303, %broadcast_in_dim3A_304 : vector<16xi1>, vector<16xi32>
    %broadcast_in_dim3A_306 = arith.constant true
    %broadcast_in_dim3A_307 = vector.broadcast %broadcast_in_dim3A_306 : i1 to vector<16xi1>
    %masked_cumsum3A_308 = tpu.scan <sum>, %select_n3A_305 masked %broadcast_in_dim3A_307 : vector<16xi32>, vector<16xi1> -> vector<16xi32>
    %sub3A_309 = arith.constant 1 : i32
    %sub3A_310 = vector.broadcast %sub3A_309 : i32 to vector<16xi32>
    %sub3A_311 = arith.subi %masked_cumsum3A_308, %sub3A_310 : vector<16xi32>
    %jit3A_312 = arith.constant 0 : i32
    %broadcast_in_dim3A_313 = vector.broadcast %jit3A_312 : i32 to vector<16xi32>
    %select_n3A_314 = arith.select %eq3A_300, %sub3A_311, %broadcast_in_dim3A_313 : vector<16xi1>, vector<16xi32>
    %add3A_315 = arith.addi %add3A_285, %select_n3A_314 : vector<16xi32>
    %eq3A_316 = arith.constant 2 : i32
    %eq3A_317 = vector.broadcast %eq3A_316 : i32 to vector<16xi32>
    %eq3A_318 = arith.cmpi eq, %iota3A, %eq3A_317 : vector<16xi32>
    %reduce_sum3A_319 = arith.constant true
    %reduce_sum3A_320 = vector.broadcast %reduce_sum3A_319 : i1 to vector<16xi1>
    %reduce_sum3A_321 = tpu.scan <sum>, %select_n3A_305 masked %reduce_sum3A_320 : vector<16xi32>, vector<16xi1> -> vector<16xi32>
    %reduce_sum3A_322 = vector.extract %reduce_sum3A_321[15] : i32 from vector<16xi32>
    %jit3A_323 = arith.constant 0 : i32
    %broadcast_in_dim3A_324 = vector.broadcast %reduce_sum3A_322 : i32 to vector<16xi32>
    %broadcast_in_dim3A_325 = vector.broadcast %jit3A_323 : i32 to vector<16xi32>
    %select_n3A_326 = arith.select %eq3A_318, %broadcast_in_dim3A_324, %broadcast_in_dim3A_325 : vector<16xi1>, vector<16xi32>
    %add3A_327 = arith.addi %add3A_297, %select_n3A_326 : vector<16xi32>
    %eq3A_328 = arith.constant 3 : i32
    %eq3A_329 = vector.broadcast %eq3A_328 : i32 to vector<16xi32>
    %eq3A_330 = arith.cmpi eq, %get3A_233, %eq3A_329 : vector<16xi32>
    %jit3A_331 = arith.constant 1 : i32
    %jit3A_332 = arith.constant 0 : i32
    %broadcast_in_dim3A_333 = vector.broadcast %jit3A_331 : i32 to vector<16xi32>
    %broadcast_in_dim3A_334 = vector.broadcast %jit3A_332 : i32 to vector<16xi32>
    %select_n3A_335 = arith.select %eq3A_330, %broadcast_in_dim3A_333, %broadcast_in_dim3A_334 : vector<16xi1>, vector<16xi32>
    %broadcast_in_dim3A_336 = arith.constant true
    %broadcast_in_dim3A_337 = vector.broadcast %broadcast_in_dim3A_336 : i1 to vector<16xi1>
    %masked_cumsum3A_338 = tpu.scan <sum>, %select_n3A_335 masked %broadcast_in_dim3A_337 : vector<16xi32>, vector<16xi1> -> vector<16xi32>
    %sub3A_339 = arith.constant 1 : i32
    %sub3A_340 = vector.broadcast %sub3A_339 : i32 to vector<16xi32>
    %sub3A_341 = arith.subi %masked_cumsum3A_338, %sub3A_340 : vector<16xi32>
    %jit3A_342 = arith.constant 0 : i32
    %broadcast_in_dim3A_343 = vector.broadcast %jit3A_342 : i32 to vector<16xi32>
    %select_n3A_344 = arith.select %eq3A_330, %sub3A_341, %broadcast_in_dim3A_343 : vector<16xi1>, vector<16xi32>
    %add3A_345 = arith.addi %add3A_315, %select_n3A_344 : vector<16xi32>
    %eq3A_346 = arith.constant 3 : i32
    %eq3A_347 = vector.broadcast %eq3A_346 : i32 to vector<16xi32>
    %eq3A_348 = arith.cmpi eq, %iota3A, %eq3A_347 : vector<16xi32>
    %reduce_sum3A_349 = arith.constant true
    %reduce_sum3A_350 = vector.broadcast %reduce_sum3A_349 : i1 to vector<16xi1>
    %reduce_sum3A_351 = tpu.scan <sum>, %select_n3A_335 masked %reduce_sum3A_350 : vector<16xi32>, vector<16xi1> -> vector<16xi32>
    %reduce_sum3A_352 = vector.extract %reduce_sum3A_351[15] : i32 from vector<16xi32>
    %jit3A_353 = arith.constant 0 : i32
    %broadcast_in_dim3A_354 = vector.broadcast %reduce_sum3A_352 : i32 to vector<16xi32>
    %broadcast_in_dim3A_355 = vector.broadcast %jit3A_353 : i32 to vector<16xi32>
    %select_n3A_356 = arith.select %eq3A_348, %broadcast_in_dim3A_354, %broadcast_in_dim3A_355 : vector<16xi1>, vector<16xi32>
    %add3A_357 = arith.addi %add3A_327, %select_n3A_356 : vector<16xi32>
    %eq3A_358 = arith.constant 4 : i32
    %eq3A_359 = vector.broadcast %eq3A_358 : i32 to vector<16xi32>
    %eq3A_360 = arith.cmpi eq, %get3A_233, %eq3A_359 : vector<16xi32>
    %jit3A_361 = arith.constant 1 : i32
    %jit3A_362 = arith.constant 0 : i32
    %broadcast_in_dim3A_363 = vector.broadcast %jit3A_361 : i32 to vector<16xi32>
    %broadcast_in_dim3A_364 = vector.broadcast %jit3A_362 : i32 to vector<16xi32>
    %select_n3A_365 = arith.select %eq3A_360, %broadcast_in_dim3A_363, %broadcast_in_dim3A_364 : vector<16xi1>, vector<16xi32>
    %broadcast_in_dim3A_366 = arith.constant true
    %broadcast_in_dim3A_367 = vector.broadcast %broadcast_in_dim3A_366 : i1 to vector<16xi1>
    %masked_cumsum3A_368 = tpu.scan <sum>, %select_n3A_365 masked %broadcast_in_dim3A_367 : vector<16xi32>, vector<16xi1> -> vector<16xi32>
    %sub3A_369 = arith.constant 1 : i32
    %sub3A_370 = vector.broadcast %sub3A_369 : i32 to vector<16xi32>
    %sub3A_371 = arith.subi %masked_cumsum3A_368, %sub3A_370 : vector<16xi32>
    %jit3A_372 = arith.constant 0 : i32
    %broadcast_in_dim3A_373 = vector.broadcast %jit3A_372 : i32 to vector<16xi32>
    %select_n3A_374 = arith.select %eq3A_360, %sub3A_371, %broadcast_in_dim3A_373 : vector<16xi1>, vector<16xi32>
    %add3A_375 = arith.addi %add3A_345, %select_n3A_374 : vector<16xi32>
    %eq3A_376 = arith.constant 4 : i32
    %eq3A_377 = vector.broadcast %eq3A_376 : i32 to vector<16xi32>
    %eq3A_378 = arith.cmpi eq, %iota3A, %eq3A_377 : vector<16xi32>
    %reduce_sum3A_379 = arith.constant true
    %reduce_sum3A_380 = vector.broadcast %reduce_sum3A_379 : i1 to vector<16xi1>
    %reduce_sum3A_381 = tpu.scan <sum>, %select_n3A_365 masked %reduce_sum3A_380 : vector<16xi32>, vector<16xi1> -> vector<16xi32>
    %reduce_sum3A_382 = vector.extract %reduce_sum3A_381[15] : i32 from vector<16xi32>
    %jit3A_383 = arith.constant 0 : i32
    %broadcast_in_dim3A_384 = vector.broadcast %reduce_sum3A_382 : i32 to vector<16xi32>
    %broadcast_in_dim3A_385 = vector.broadcast %jit3A_383 : i32 to vector<16xi32>
    %select_n3A_386 = arith.select %eq3A_378, %broadcast_in_dim3A_384, %broadcast_in_dim3A_385 : vector<16xi1>, vector<16xi32>
    %add3A_387 = arith.addi %add3A_357, %select_n3A_386 : vector<16xi32>
    %eq3A_388 = arith.constant 5 : i32
    %eq3A_389 = vector.broadcast %eq3A_388 : i32 to vector<16xi32>
    %eq3A_390 = arith.cmpi eq, %get3A_233, %eq3A_389 : vector<16xi32>
    %jit3A_391 = arith.constant 1 : i32
    %jit3A_392 = arith.constant 0 : i32
    %broadcast_in_dim3A_393 = vector.broadcast %jit3A_391 : i32 to vector<16xi32>
    %broadcast_in_dim3A_394 = vector.broadcast %jit3A_392 : i32 to vector<16xi32>
    %select_n3A_395 = arith.select %eq3A_390, %broadcast_in_dim3A_393, %broadcast_in_dim3A_394 : vector<16xi1>, vector<16xi32>
    %broadcast_in_dim3A_396 = arith.constant true
    %broadcast_in_dim3A_397 = vector.broadcast %broadcast_in_dim3A_396 : i1 to vector<16xi1>
    %masked_cumsum3A_398 = tpu.scan <sum>, %select_n3A_395 masked %broadcast_in_dim3A_397 : vector<16xi32>, vector<16xi1> -> vector<16xi32>
    %sub3A_399 = arith.constant 1 : i32
    %sub3A_400 = vector.broadcast %sub3A_399 : i32 to vector<16xi32>
    %sub3A_401 = arith.subi %masked_cumsum3A_398, %sub3A_400 : vector<16xi32>
    %jit3A_402 = arith.constant 0 : i32
    %broadcast_in_dim3A_403 = vector.broadcast %jit3A_402 : i32 to vector<16xi32>
    %select_n3A_404 = arith.select %eq3A_390, %sub3A_401, %broadcast_in_dim3A_403 : vector<16xi1>, vector<16xi32>
    %add3A_405 = arith.addi %add3A_375, %select_n3A_404 : vector<16xi32>
    %eq3A_406 = arith.constant 5 : i32
    %eq3A_407 = vector.broadcast %eq3A_406 : i32 to vector<16xi32>
    %eq3A_408 = arith.cmpi eq, %iota3A, %eq3A_407 : vector<16xi32>
    %reduce_sum3A_409 = arith.constant true
    %reduce_sum3A_410 = vector.broadcast %reduce_sum3A_409 : i1 to vector<16xi1>
    %reduce_sum3A_411 = tpu.scan <sum>, %select_n3A_395 masked %reduce_sum3A_410 : vector<16xi32>, vector<16xi1> -> vector<16xi32>
    %reduce_sum3A_412 = vector.extract %reduce_sum3A_411[15] : i32 from vector<16xi32>
    %jit3A_413 = arith.constant 0 : i32
    %broadcast_in_dim3A_414 = vector.broadcast %reduce_sum3A_412 : i32 to vector<16xi32>
    %broadcast_in_dim3A_415 = vector.broadcast %jit3A_413 : i32 to vector<16xi32>
    %select_n3A_416 = arith.select %eq3A_408, %broadcast_in_dim3A_414, %broadcast_in_dim3A_415 : vector<16xi1>, vector<16xi32>
    %add3A_417 = arith.addi %add3A_387, %select_n3A_416 : vector<16xi32>
    %eq3A_418 = arith.constant 6 : i32
    %eq3A_419 = vector.broadcast %eq3A_418 : i32 to vector<16xi32>
    %eq3A_420 = arith.cmpi eq, %get3A_233, %eq3A_419 : vector<16xi32>
    %jit3A_421 = arith.constant 1 : i32
    %jit3A_422 = arith.constant 0 : i32
    %broadcast_in_dim3A_423 = vector.broadcast %jit3A_421 : i32 to vector<16xi32>
    %broadcast_in_dim3A_424 = vector.broadcast %jit3A_422 : i32 to vector<16xi32>
    %select_n3A_425 = arith.select %eq3A_420, %broadcast_in_dim3A_423, %broadcast_in_dim3A_424 : vector<16xi1>, vector<16xi32>
    %broadcast_in_dim3A_426 = arith.constant true
    %broadcast_in_dim3A_427 = vector.broadcast %broadcast_in_dim3A_426 : i1 to vector<16xi1>
    %masked_cumsum3A_428 = tpu.scan <sum>, %select_n3A_425 masked %broadcast_in_dim3A_427 : vector<16xi32>, vector<16xi1> -> vector<16xi32>
    %sub3A_429 = arith.constant 1 : i32
    %sub3A_430 = vector.broadcast %sub3A_429 : i32 to vector<16xi32>
    %sub3A_431 = arith.subi %masked_cumsum3A_428, %sub3A_430 : vector<16xi32>
    %jit3A_432 = arith.constant 0 : i32
    %broadcast_in_dim3A_433 = vector.broadcast %jit3A_432 : i32 to vector<16xi32>
    %select_n3A_434 = arith.select %eq3A_420, %sub3A_431, %broadcast_in_dim3A_433 : vector<16xi1>, vector<16xi32>
    %add3A_435 = arith.addi %add3A_405, %select_n3A_434 : vector<16xi32>
    %eq3A_436 = arith.constant 6 : i32
    %eq3A_437 = vector.broadcast %eq3A_436 : i32 to vector<16xi32>
    %eq3A_438 = arith.cmpi eq, %iota3A, %eq3A_437 : vector<16xi32>
    %reduce_sum3A_439 = arith.constant true
    %reduce_sum3A_440 = vector.broadcast %reduce_sum3A_439 : i1 to vector<16xi1>
    %reduce_sum3A_441 = tpu.scan <sum>, %select_n3A_425 masked %reduce_sum3A_440 : vector<16xi32>, vector<16xi1> -> vector<16xi32>
    %reduce_sum3A_442 = vector.extract %reduce_sum3A_441[15] : i32 from vector<16xi32>
    %jit3A_443 = arith.constant 0 : i32
    %broadcast_in_dim3A_444 = vector.broadcast %reduce_sum3A_442 : i32 to vector<16xi32>
    %broadcast_in_dim3A_445 = vector.broadcast %jit3A_443 : i32 to vector<16xi32>
    %select_n3A_446 = arith.select %eq3A_438, %broadcast_in_dim3A_444, %broadcast_in_dim3A_445 : vector<16xi1>, vector<16xi32>
    %add3A_447 = arith.addi %add3A_417, %select_n3A_446 : vector<16xi32>
    %eq3A_448 = arith.constant 7 : i32
    %eq3A_449 = vector.broadcast %eq3A_448 : i32 to vector<16xi32>
    %eq3A_450 = arith.cmpi eq, %get3A_233, %eq3A_449 : vector<16xi32>
    %jit3A_451 = arith.constant 1 : i32
    %jit3A_452 = arith.constant 0 : i32
    %broadcast_in_dim3A_453 = vector.broadcast %jit3A_451 : i32 to vector<16xi32>
    %broadcast_in_dim3A_454 = vector.broadcast %jit3A_452 : i32 to vector<16xi32>
    %select_n3A_455 = arith.select %eq3A_450, %broadcast_in_dim3A_453, %broadcast_in_dim3A_454 : vector<16xi1>, vector<16xi32>
    %broadcast_in_dim3A_456 = arith.constant true
    %broadcast_in_dim3A_457 = vector.broadcast %broadcast_in_dim3A_456 : i1 to vector<16xi1>
    %masked_cumsum3A_458 = tpu.scan <sum>, %select_n3A_455 masked %broadcast_in_dim3A_457 : vector<16xi32>, vector<16xi1> -> vector<16xi32>
    %sub3A_459 = arith.constant 1 : i32
    %sub3A_460 = vector.broadcast %sub3A_459 : i32 to vector<16xi32>
    %sub3A_461 = arith.subi %masked_cumsum3A_458, %sub3A_460 : vector<16xi32>
    %jit3A_462 = arith.constant 0 : i32
    %broadcast_in_dim3A_463 = vector.broadcast %jit3A_462 : i32 to vector<16xi32>
    %select_n3A_464 = arith.select %eq3A_450, %sub3A_461, %broadcast_in_dim3A_463 : vector<16xi1>, vector<16xi32>
    %add3A_465 = arith.addi %add3A_435, %select_n3A_464 : vector<16xi32>
    %eq3A_466 = arith.constant 7 : i32
    %eq3A_467 = vector.broadcast %eq3A_466 : i32 to vector<16xi32>
    %eq3A_468 = arith.cmpi eq, %iota3A, %eq3A_467 : vector<16xi32>
    %reduce_sum3A_469 = arith.constant true
    %reduce_sum3A_470 = vector.broadcast %reduce_sum3A_469 : i1 to vector<16xi1>
    %reduce_sum3A_471 = tpu.scan <sum>, %select_n3A_455 masked %reduce_sum3A_470 : vector<16xi32>, vector<16xi1> -> vector<16xi32>
    %reduce_sum3A_472 = vector.extract %reduce_sum3A_471[15] : i32 from vector<16xi32>
    %jit3A_473 = arith.constant 0 : i32
    %broadcast_in_dim3A_474 = vector.broadcast %reduce_sum3A_472 : i32 to vector<16xi32>
    %broadcast_in_dim3A_475 = vector.broadcast %jit3A_473 : i32 to vector<16xi32>
    %select_n3A_476 = arith.select %eq3A_468, %broadcast_in_dim3A_474, %broadcast_in_dim3A_475 : vector<16xi1>, vector<16xi32>
    %add3A_477 = arith.addi %add3A_447, %select_n3A_476 : vector<16xi32>
    %add3A_478 = arith.addi %gather3A, %add3A_465 : vector<16xi32>
    %swap3A_479 = arith.constant 0 : index
    %swap3A_480 = tpu.vector_load %arg10[%swap3A_479] {strides = array<i32>} : memref<32xi32, #tpu.memory_space<vmem>>, vector<16xi32>,
    tpu.vector_store %arg10[%swap3A_479], %add3A_478 {strides = array<i32>} : memref<32xi32, #tpu.memory_space<vmem>>, vector<16xi32>,
    %get3A_481 = arith.constant 0 : index
    %get3A_482 = tpu.vector_load %arg9[%get3A_481] {strides = array<i32>} : memref<16xi32, #tpu.memory_space<vmem>>, vector<16xi32>,
    %add3A_483 = arith.addi %get3A_482, %add3A_477 : vector<16xi32>
    %swap3A_484 = arith.constant 0 : index
    %swap3A_485 = tpu.vector_load %arg9[%swap3A_484] {strides = array<i32>} : memref<16xi32, #tpu.memory_space<vmem>>, vector<16xi32>,
    tpu.vector_store %arg9[%swap3A_484], %add3A_483 {strides = array<i32>} : memref<16xi32, #tpu.memory_space<vmem>>, vector<16xi32>,
    %get3A_486 = arith.constant 16 : index
    %get3A_487 = tpu.vector_load %arg7[%get3A_486] {strides = array<i32>} : memref<64xi32, #tpu.memory_space<vmem>>, vector<16xi32>,
    %gather3A_488 = tpu.vector_load_idx %arg9[%get3A_487] : memref<16xi32, #tpu.memory_space<vmem>>[vector<16xi32>], vector<16xi32>,
    %broadcast_in_dim3A_489 = arith.constant 0 : i32
    %broadcast_in_dim3A_490 = vector.broadcast %broadcast_in_dim3A_489 : i32 to vector<16xi32>
    %broadcast_in_dim3A_491 = arith.constant 0 : i32
    %broadcast_in_dim3A_492 = vector.broadcast %broadcast_in_dim3A_491 : i32 to vector<16xi32>
    %eq3A_493 = arith.constant 0 : i32
    %eq3A_494 = vector.broadcast %eq3A_493 : i32 to vector<16xi32>
    %eq3A_495 = arith.cmpi eq, %get3A_487, %eq3A_494 : vector<16xi32>
    %jit3A_496 = arith.constant 1 : i32
    %jit3A_497 = arith.constant 0 : i32
    %broadcast_in_dim3A_498 = vector.broadcast %jit3A_496 : i32 to vector<16xi32>
    %broadcast_in_dim3A_499 = vector.broadcast %jit3A_497 : i32 to vector<16xi32>
    %select_n3A_500 = arith.select %eq3A_495, %broadcast_in_dim3A_498, %broadcast_in_dim3A_499 : vector<16xi1>, vector<16xi32>
    %broadcast_in_dim3A_501 = arith.constant true
    %broadcast_in_dim3A_502 = vector.broadcast %broadcast_in_dim3A_501 : i1 to vector<16xi1>
    %masked_cumsum3A_503 = tpu.scan <sum>, %select_n3A_500 masked %broadcast_in_dim3A_502 : vector<16xi32>, vector<16xi1> -> vector<16xi32>
    %sub3A_504 = arith.constant 1 : i32
    %sub3A_505 = vector.broadcast %sub3A_504 : i32 to vector<16xi32>
    %sub3A_506 = arith.subi %masked_cumsum3A_503, %sub3A_505 : vector<16xi32>
    %jit3A_507 = arith.constant 0 : i32
    %broadcast_in_dim3A_508 = vector.broadcast %jit3A_507 : i32 to vector<16xi32>
    %select_n3A_509 = arith.select %eq3A_495, %sub3A_506, %broadcast_in_dim3A_508 : vector<16xi1>, vector<16xi32>
    %add3A_510 = arith.addi %broadcast_in_dim3A_490, %select_n3A_509 : vector<16xi32>
    %eq3A_511 = arith.constant 0 : i32
    %eq3A_512 = vector.broadcast %eq3A_511 : i32 to vector<16xi32>
    %eq3A_513 = arith.cmpi eq, %iota3A, %eq3A_512 : vector<16xi32>
    %reduce_sum3A_514 = arith.constant true
    %reduce_sum3A_515 = vector.broadcast %reduce_sum3A_514 : i1 to vector<16xi1>
    %reduce_sum3A_516 = tpu.scan <sum>, %select_n3A_500 masked %reduce_sum3A_515 : vector<16xi32>, vector<16xi1> -> vector<16xi32>
    %reduce_sum3A_517 = vector.extract %reduce_sum3A_516[15] : i32 from vector<16xi32>
    %jit3A_518 = arith.constant 0 : i32
    %broadcast_in_dim3A_519 = vector.broadcast %reduce_sum3A_517 : i32 to vector<16xi32>
    %broadcast_in_dim3A_520 = vector.broadcast %jit3A_518 : i32 to vector<16xi32>
    %select_n3A_521 = arith.select %eq3A_513, %broadcast_in_dim3A_519, %broadcast_in_dim3A_520 : vector<16xi1>, vector<16xi32>
    %add3A_522 = arith.addi %broadcast_in_dim3A_492, %select_n3A_521 : vector<16xi32>
    %eq3A_523 = arith.constant 1 : i32
    %eq3A_524 = vector.broadcast %eq3A_523 : i32 to vector<16xi32>
    %eq3A_525 = arith.cmpi eq, %get3A_487, %eq3A_524 : vector<16xi32>
    %jit3A_526 = arith.constant 1 : i32
    %jit3A_527 = arith.constant 0 : i32
    %broadcast_in_dim3A_528 = vector.broadcast %jit3A_526 : i32 to vector<16xi32>
    %broadcast_in_dim3A_529 = vector.broadcast %jit3A_527 : i32 to vector<16xi32>
    %select_n3A_530 = arith.select %eq3A_525, %broadcast_in_dim3A_528, %broadcast_in_dim3A_529 : vector<16xi1>, vector<16xi32>
    %broadcast_in_dim3A_531 = arith.constant true
    %broadcast_in_dim3A_532 = vector.broadcast %broadcast_in_dim3A_531 : i1 to vector<16xi1>
    %masked_cumsum3A_533 = tpu.scan <sum>, %select_n3A_530 masked %broadcast_in_dim3A_532 : vector<16xi32>, vector<16xi1> -> vector<16xi32>
    %sub3A_534 = arith.constant 1 : i32
    %sub3A_535 = vector.broadcast %sub3A_534 : i32 to vector<16xi32>
    %sub3A_536 = arith.subi %masked_cumsum3A_533, %sub3A_535 : vector<16xi32>
    %jit3A_537 = arith.constant 0 : i32
    %broadcast_in_dim3A_538 = vector.broadcast %jit3A_537 : i32 to vector<16xi32>
    %select_n3A_539 = arith.select %eq3A_525, %sub3A_536, %broadcast_in_dim3A_538 : vector<16xi1>, vector<16xi32>
    %add3A_540 = arith.addi %add3A_510, %select_n3A_539 : vector<16xi32>
    %eq3A_541 = arith.constant 1 : i32
    %eq3A_542 = vector.broadcast %eq3A_541 : i32 to vector<16xi32>
    %eq3A_543 = arith.cmpi eq, %iota3A, %eq3A_542 : vector<16xi32>
    %reduce_sum3A_544 = arith.constant true
    %reduce_sum3A_545 = vector.broadcast %reduce_sum3A_544 : i1 to vector<16xi1>
    %reduce_sum3A_546 = tpu.scan <sum>, %select_n3A_530 masked %reduce_sum3A_545 : vector<16xi32>, vector<16xi1> -> vector<16xi32>
    %reduce_sum3A_547 = vector.extract %reduce_sum3A_546[15] : i32 from vector<16xi32>
    %jit3A_548 = arith.constant 0 : i32
    %broadcast_in_dim3A_549 = vector.broadcast %reduce_sum3A_547 : i32 to vector<16xi32>
    %broadcast_in_dim3A_550 = vector.broadcast %jit3A_548 : i32 to vector<16xi32>
    %select_n3A_551 = arith.select %eq3A_543, %broadcast_in_dim3A_549, %broadcast_in_dim3A_550 : vector<16xi1>, vector<16xi32>
    %add3A_552 = arith.addi %add3A_522, %select_n3A_551 : vector<16xi32>
    %eq3A_553 = arith.constant 2 : i32
    %eq3A_554 = vector.broadcast %eq3A_553 : i32 to vector<16xi32>
    %eq3A_555 = arith.cmpi eq, %get3A_487, %eq3A_554 : vector<16xi32>
    %jit3A_556 = arith.constant 1 : i32
    %jit3A_557 = arith.constant 0 : i32
    %broadcast_in_dim3A_558 = vector.broadcast %jit3A_556 : i32 to vector<16xi32>
    %broadcast_in_dim3A_559 = vector.broadcast %jit3A_557 : i32 to vector<16xi32>
    %select_n3A_560 = arith.select %eq3A_555, %broadcast_in_dim3A_558, %broadcast_in_dim3A_559 : vector<16xi1>, vector<16xi32>
    %broadcast_in_dim3A_561 = arith.constant true
    %broadcast_in_dim3A_562 = vector.broadcast %broadcast_in_dim3A_561 : i1 to vector<16xi1>
    %masked_cumsum3A_563 = tpu.scan <sum>, %select_n3A_560 masked %broadcast_in_dim3A_562 : vector<16xi32>, vector<16xi1> -> vector<16xi32>
    %sub3A_564 = arith.constant 1 : i32
    %sub3A_565 = vector.broadcast %sub3A_564 : i32 to vector<16xi32>
    %sub3A_566 = arith.subi %masked_cumsum3A_563, %sub3A_565 : vector<16xi32>
    %jit3A_567 = arith.constant 0 : i32
    %broadcast_in_dim3A_568 = vector.broadcast %jit3A_567 : i32 to vector<16xi32>
    %select_n3A_569 = arith.select %eq3A_555, %sub3A_566, %broadcast_in_dim3A_568 : vector<16xi1>, vector<16xi32>
    %add3A_570 = arith.addi %add3A_540, %select_n3A_569 : vector<16xi32>
    %eq3A_571 = arith.constant 2 : i32
    %eq3A_572 = vector.broadcast %eq3A_571 : i32 to vector<16xi32>
    %eq3A_573 = arith.cmpi eq, %iota3A, %eq3A_572 : vector<16xi32>
    %reduce_sum3A_574 = arith.constant true
    %reduce_sum3A_575 = vector.broadcast %reduce_sum3A_574 : i1 to vector<16xi1>
    %reduce_sum3A_576 = tpu.scan <sum>, %select_n3A_560 masked %reduce_sum3A_575 : vector<16xi32>, vector<16xi1> -> vector<16xi32>
    %reduce_sum3A_577 = vector.extract %reduce_sum3A_576[15] : i32 from vector<16xi32>
    %jit3A_578 = arith.constant 0 : i32
    %broadcast_in_dim3A_579 = vector.broadcast %reduce_sum3A_577 : i32 to vector<16xi32>
    %broadcast_in_dim3A_580 = vector.broadcast %jit3A_578 : i32 to vector<16xi32>
    %select_n3A_581 = arith.select %eq3A_573, %broadcast_in_dim3A_579, %broadcast_in_dim3A_580 : vector<16xi1>, vector<16xi32>
    %add3A_582 = arith.addi %add3A_552, %select_n3A_581 : vector<16xi32>
    %eq3A_583 = arith.constant 3 : i32
    %eq3A_584 = vector.broadcast %eq3A_583 : i32 to vector<16xi32>
    %eq3A_585 = arith.cmpi eq, %get3A_487, %eq3A_584 : vector<16xi32>
    %jit3A_586 = arith.constant 1 : i32
    %jit3A_587 = arith.constant 0 : i32
    %broadcast_in_dim3A_588 = vector.broadcast %jit3A_586 : i32 to vector<16xi32>
    %broadcast_in_dim3A_589 = vector.broadcast %jit3A_587 : i32 to vector<16xi32>
    %select_n3A_590 = arith.select %eq3A_585, %broadcast_in_dim3A_588, %broadcast_in_dim3A_589 : vector<16xi1>, vector<16xi32>
    %broadcast_in_dim3A_591 = arith.constant true
    %broadcast_in_dim3A_592 = vector.broadcast %broadcast_in_dim3A_591 : i1 to vector<16xi1>
    %masked_cumsum3A_593 = tpu.scan <sum>, %select_n3A_590 masked %broadcast_in_dim3A_592 : vector<16xi32>, vector<16xi1> -> vector<16xi32>
    %sub3A_594 = arith.constant 1 : i32
    %sub3A_595 = vector.broadcast %sub3A_594 : i32 to vector<16xi32>
    %sub3A_596 = arith.subi %masked_cumsum3A_593, %sub3A_595 : vector<16xi32>
    %jit3A_597 = arith.constant 0 : i32
    %broadcast_in_dim3A_598 = vector.broadcast %jit3A_597 : i32 to vector<16xi32>
    %select_n3A_599 = arith.select %eq3A_585, %sub3A_596, %broadcast_in_dim3A_598 : vector<16xi1>, vector<16xi32>
    %add3A_600 = arith.addi %add3A_570, %select_n3A_599 : vector<16xi32>
    %eq3A_601 = arith.constant 3 : i32
    %eq3A_602 = vector.broadcast %eq3A_601 : i32 to vector<16xi32>
    %eq3A_603 = arith.cmpi eq, %iota3A, %eq3A_602 : vector<16xi32>
    %reduce_sum3A_604 = arith.constant true
    %reduce_sum3A_605 = vector.broadcast %reduce_sum3A_604 : i1 to vector<16xi1>
    %reduce_sum3A_606 = tpu.scan <sum>, %select_n3A_590 masked %reduce_sum3A_605 : vector<16xi32>, vector<16xi1> -> vector<16xi32>
    %reduce_sum3A_607 = vector.extract %reduce_sum3A_606[15] : i32 from vector<16xi32>
    %jit3A_608 = arith.constant 0 : i32
    %broadcast_in_dim3A_609 = vector.broadcast %reduce_sum3A_607 : i32 to vector<16xi32>
    %broadcast_in_dim3A_610 = vector.broadcast %jit3A_608 : i32 to vector<16xi32>
    %select_n3A_611 = arith.select %eq3A_603, %broadcast_in_dim3A_609, %broadcast_in_dim3A_610 : vector<16xi1>, vector<16xi32>
    %add3A_612 = arith.addi %add3A_582, %select_n3A_611 : vector<16xi32>
    %eq3A_613 = arith.constant 4 : i32
    %eq3A_614 = vector.broadcast %eq3A_613 : i32 to vector<16xi32>
    %eq3A_615 = arith.cmpi eq, %get3A_487, %eq3A_614 : vector<16xi32>
    %jit3A_616 = arith.constant 1 : i32
    %jit3A_617 = arith.constant 0 : i32
    %broadcast_in_dim3A_618 = vector.broadcast %jit3A_616 : i32 to vector<16xi32>
    %broadcast_in_dim3A_619 = vector.broadcast %jit3A_617 : i32 to vector<16xi32>
    %select_n3A_620 = arith.select %eq3A_615, %broadcast_in_dim3A_618, %broadcast_in_dim3A_619 : vector<16xi1>, vector<16xi32>
    %broadcast_in_dim3A_621 = arith.constant true
    %broadcast_in_dim3A_622 = vector.broadcast %broadcast_in_dim3A_621 : i1 to vector<16xi1>
    %masked_cumsum3A_623 = tpu.scan <sum>, %select_n3A_620 masked %broadcast_in_dim3A_622 : vector<16xi32>, vector<16xi1> -> vector<16xi32>
    %sub3A_624 = arith.constant 1 : i32
    %sub3A_625 = vector.broadcast %sub3A_624 : i32 to vector<16xi32>
    %sub3A_626 = arith.subi %masked_cumsum3A_623, %sub3A_625 : vector<16xi32>
    %jit3A_627 = arith.constant 0 : i32
    %broadcast_in_dim3A_628 = vector.broadcast %jit3A_627 : i32 to vector<16xi32>
    %select_n3A_629 = arith.select %eq3A_615, %sub3A_626, %broadcast_in_dim3A_628 : vector<16xi1>, vector<16xi32>
    %add3A_630 = arith.addi %add3A_600, %select_n3A_629 : vector<16xi32>
    %eq3A_631 = arith.constant 4 : i32
    %eq3A_632 = vector.broadcast %eq3A_631 : i32 to vector<16xi32>
    %eq3A_633 = arith.cmpi eq, %iota3A, %eq3A_632 : vector<16xi32>
    %reduce_sum3A_634 = arith.constant true
    %reduce_sum3A_635 = vector.broadcast %reduce_sum3A_634 : i1 to vector<16xi1>
    %reduce_sum3A_636 = tpu.scan <sum>, %select_n3A_620 masked %reduce_sum3A_635 : vector<16xi32>, vector<16xi1> -> vector<16xi32>
    %reduce_sum3A_637 = vector.extract %reduce_sum3A_636[15] : i32 from vector<16xi32>
    %jit3A_638 = arith.constant 0 : i32
    %broadcast_in_dim3A_639 = vector.broadcast %reduce_sum3A_637 : i32 to vector<16xi32>
    %broadcast_in_dim3A_640 = vector.broadcast %jit3A_638 : i32 to vector<16xi32>
    %select_n3A_641 = arith.select %eq3A_633, %broadcast_in_dim3A_639, %broadcast_in_dim3A_640 : vector<16xi1>, vector<16xi32>
    %add3A_642 = arith.addi %add3A_612, %select_n3A_641 : vector<16xi32>
    %eq3A_643 = arith.constant 5 : i32
    %eq3A_644 = vector.broadcast %eq3A_643 : i32 to vector<16xi32>
    %eq3A_645 = arith.cmpi eq, %get3A_487, %eq3A_644 : vector<16xi32>
    %jit3A_646 = arith.constant 1 : i32
    %jit3A_647 = arith.constant 0 : i32
    %broadcast_in_dim3A_648 = vector.broadcast %jit3A_646 : i32 to vector<16xi32>
    %broadcast_in_dim3A_649 = vector.broadcast %jit3A_647 : i32 to vector<16xi32>
    %select_n3A_650 = arith.select %eq3A_645, %broadcast_in_dim3A_648, %broadcast_in_dim3A_649 : vector<16xi1>, vector<16xi32>
    %broadcast_in_dim3A_651 = arith.constant true
    %broadcast_in_dim3A_652 = vector.broadcast %broadcast_in_dim3A_651 : i1 to vector<16xi1>
    %masked_cumsum3A_653 = tpu.scan <sum>, %select_n3A_650 masked %broadcast_in_dim3A_652 : vector<16xi32>, vector<16xi1> -> vector<16xi32>
    %sub3A_654 = arith.constant 1 : i32
    %sub3A_655 = vector.broadcast %sub3A_654 : i32 to vector<16xi32>
    %sub3A_656 = arith.subi %masked_cumsum3A_653, %sub3A_655 : vector<16xi32>
    %jit3A_657 = arith.constant 0 : i32
    %broadcast_in_dim3A_658 = vector.broadcast %jit3A_657 : i32 to vector<16xi32>
    %select_n3A_659 = arith.select %eq3A_645, %sub3A_656, %broadcast_in_dim3A_658 : vector<16xi1>, vector<16xi32>
    %add3A_660 = arith.addi %add3A_630, %select_n3A_659 : vector<16xi32>
    %eq3A_661 = arith.constant 5 : i32
    %eq3A_662 = vector.broadcast %eq3A_661 : i32 to vector<16xi32>
    %eq3A_663 = arith.cmpi eq, %iota3A, %eq3A_662 : vector<16xi32>
    %reduce_sum3A_664 = arith.constant true
    %reduce_sum3A_665 = vector.broadcast %reduce_sum3A_664 : i1 to vector<16xi1>
    %reduce_sum3A_666 = tpu.scan <sum>, %select_n3A_650 masked %reduce_sum3A_665 : vector<16xi32>, vector<16xi1> -> vector<16xi32>
    %reduce_sum3A_667 = vector.extract %reduce_sum3A_666[15] : i32 from vector<16xi32>
    %jit3A_668 = arith.constant 0 : i32
    %broadcast_in_dim3A_669 = vector.broadcast %reduce_sum3A_667 : i32 to vector<16xi32>
    %broadcast_in_dim3A_670 = vector.broadcast %jit3A_668 : i32 to vector<16xi32>
    %select_n3A_671 = arith.select %eq3A_663, %broadcast_in_dim3A_669, %broadcast_in_dim3A_670 : vector<16xi1>, vector<16xi32>
    %add3A_672 = arith.addi %add3A_642, %select_n3A_671 : vector<16xi32>
    %eq3A_673 = arith.constant 6 : i32
    %eq3A_674 = vector.broadcast %eq3A_673 : i32 to vector<16xi32>
    %eq3A_675 = arith.cmpi eq, %get3A_487, %eq3A_674 : vector<16xi32>
    %jit3A_676 = arith.constant 1 : i32
    %jit3A_677 = arith.constant 0 : i32
    %broadcast_in_dim3A_678 = vector.broadcast %jit3A_676 : i32 to vector<16xi32>
    %broadcast_in_dim3A_679 = vector.broadcast %jit3A_677 : i32 to vector<16xi32>
    %select_n3A_680 = arith.select %eq3A_675, %broadcast_in_dim3A_678, %broadcast_in_dim3A_679 : vector<16xi1>, vector<16xi32>
    %broadcast_in_dim3A_681 = arith.constant true
    %broadcast_in_dim3A_682 = vector.broadcast %broadcast_in_dim3A_681 : i1 to vector<16xi1>
    %masked_cumsum3A_683 = tpu.scan <sum>, %select_n3A_680 masked %broadcast_in_dim3A_682 : vector<16xi32>, vector<16xi1> -> vector<16xi32>
    %sub3A_684 = arith.constant 1 : i32
    %sub3A_685 = vector.broadcast %sub3A_684 : i32 to vector<16xi32>
    %sub3A_686 = arith.subi %masked_cumsum3A_683, %sub3A_685 : vector<16xi32>
    %jit3A_687 = arith.constant 0 : i32
    %broadcast_in_dim3A_688 = vector.broadcast %jit3A_687 : i32 to vector<16xi32>
    %select_n3A_689 = arith.select %eq3A_675, %sub3A_686, %broadcast_in_dim3A_688 : vector<16xi1>, vector<16xi32>
    %add3A_690 = arith.addi %add3A_660, %select_n3A_689 : vector<16xi32>
    %eq3A_691 = arith.constant 6 : i32
    %eq3A_692 = vector.broadcast %eq3A_691 : i32 to vector<16xi32>
    %eq3A_693 = arith.cmpi eq, %iota3A, %eq3A_692 : vector<16xi32>
    %reduce_sum3A_694 = arith.constant true
    %reduce_sum3A_695 = vector.broadcast %reduce_sum3A_694 : i1 to vector<16xi1>
    %reduce_sum3A_696 = tpu.scan <sum>, %select_n3A_680 masked %reduce_sum3A_695 : vector<16xi32>, vector<16xi1> -> vector<16xi32>
    %reduce_sum3A_697 = vector.extract %reduce_sum3A_696[15] : i32 from vector<16xi32>
    %jit3A_698 = arith.constant 0 : i32
    %broadcast_in_dim3A_699 = vector.broadcast %reduce_sum3A_697 : i32 to vector<16xi32>
    %broadcast_in_dim3A_700 = vector.broadcast %jit3A_698 : i32 to vector<16xi32>
    %select_n3A_701 = arith.select %eq3A_693, %broadcast_in_dim3A_699, %broadcast_in_dim3A_700 : vector<16xi1>, vector<16xi32>
    %add3A_702 = arith.addi %add3A_672, %select_n3A_701 : vector<16xi32>
    %eq3A_703 = arith.constant 7 : i32
    %eq3A_704 = vector.broadcast %eq3A_703 : i32 to vector<16xi32>
    %eq3A_705 = arith.cmpi eq, %get3A_487, %eq3A_704 : vector<16xi32>
    %jit3A_706 = arith.constant 1 : i32
    %jit3A_707 = arith.constant 0 : i32
    %broadcast_in_dim3A_708 = vector.broadcast %jit3A_706 : i32 to vector<16xi32>
    %broadcast_in_dim3A_709 = vector.broadcast %jit3A_707 : i32 to vector<16xi32>
    %select_n3A_710 = arith.select %eq3A_705, %broadcast_in_dim3A_708, %broadcast_in_dim3A_709 : vector<16xi1>, vector<16xi32>
    %broadcast_in_dim3A_711 = arith.constant true
    %broadcast_in_dim3A_712 = vector.broadcast %broadcast_in_dim3A_711 : i1 to vector<16xi1>
    %masked_cumsum3A_713 = tpu.scan <sum>, %select_n3A_710 masked %broadcast_in_dim3A_712 : vector<16xi32>, vector<16xi1> -> vector<16xi32>
    %sub3A_714 = arith.constant 1 : i32
    %sub3A_715 = vector.broadcast %sub3A_714 : i32 to vector<16xi32>
    %sub3A_716 = arith.subi %masked_cumsum3A_713, %sub3A_715 : vector<16xi32>
    %jit3A_717 = arith.constant 0 : i32
    %broadcast_in_dim3A_718 = vector.broadcast %jit3A_717 : i32 to vector<16xi32>
    %select_n3A_719 = arith.select %eq3A_705, %sub3A_716, %broadcast_in_dim3A_718 : vector<16xi1>, vector<16xi32>
    %add3A_720 = arith.addi %add3A_690, %select_n3A_719 : vector<16xi32>
    %eq3A_721 = arith.constant 7 : i32
    %eq3A_722 = vector.broadcast %eq3A_721 : i32 to vector<16xi32>
    %eq3A_723 = arith.cmpi eq, %iota3A, %eq3A_722 : vector<16xi32>
    %reduce_sum3A_724 = arith.constant true
    %reduce_sum3A_725 = vector.broadcast %reduce_sum3A_724 : i1 to vector<16xi1>
    %reduce_sum3A_726 = tpu.scan <sum>, %select_n3A_710 masked %reduce_sum3A_725 : vector<16xi32>, vector<16xi1> -> vector<16xi32>
    %reduce_sum3A_727 = vector.extract %reduce_sum3A_726[15] : i32 from vector<16xi32>
    %jit3A_728 = arith.constant 0 : i32
    %broadcast_in_dim3A_729 = vector.broadcast %reduce_sum3A_727 : i32 to vector<16xi32>
    %broadcast_in_dim3A_730 = vector.broadcast %jit3A_728 : i32 to vector<16xi32>
    %select_n3A_731 = arith.select %eq3A_723, %broadcast_in_dim3A_729, %broadcast_in_dim3A_730 : vector<16xi1>, vector<16xi32>
    %add3A_732 = arith.addi %add3A_702, %select_n3A_731 : vector<16xi32>
    %add3A_733 = arith.addi %gather3A_488, %add3A_720 : vector<16xi32>
    %swap3A_734 = arith.constant 16 : index
    %swap3A_735 = tpu.vector_load %arg10[%swap3A_734] {strides = array<i32>} : memref<32xi32, #tpu.memory_space<vmem>>, vector<16xi32>,
    tpu.vector_store %arg10[%swap3A_734], %add3A_733 {strides = array<i32>} : memref<32xi32, #tpu.memory_space<vmem>>, vector<16xi32>,
    %get3A_736 = arith.constant 0 : index
    %get3A_737 = tpu.vector_load %arg9[%get3A_736] {strides = array<i32>} : memref<16xi32, #tpu.memory_space<vmem>>, vector<16xi32>,
    %add3A_738 = arith.addi %get3A_737, %add3A_732 : vector<16xi32>
    %swap3A_739 = arith.constant 0 : index
    %swap3A_740 = tpu.vector_load %arg9[%swap3A_739] {strides = array<i32>} : memref<16xi32, #tpu.memory_space<vmem>>, vector<16xi32>,
    tpu.vector_store %arg9[%swap3A_739], %add3A_738 {strides = array<i32>} : memref<16xi32, #tpu.memory_space<vmem>>, vector<16xi32>,
    %get3A_741 = arith.constant 32 : index
    %get3A_742 = tpu.vector_load %arg7[%get3A_741] {strides = array<i32>} : memref<64xi32, #tpu.memory_space<vmem>>, vector<16xi32>,
    %gather3A_743 = tpu.vector_load_idx %arg9[%get3A_742] : memref<16xi32, #tpu.memory_space<vmem>>[vector<16xi32>], vector<16xi32>,
    %broadcast_in_dim3A_744 = arith.constant 0 : i32
    %broadcast_in_dim3A_745 = vector.broadcast %broadcast_in_dim3A_744 : i32 to vector<16xi32>
    %broadcast_in_dim3A_746 = arith.constant 0 : i32
    %broadcast_in_dim3A_747 = vector.broadcast %broadcast_in_dim3A_746 : i32 to vector<16xi32>
    %eq3A_748 = arith.constant 0 : i32
    %eq3A_749 = vector.broadcast %eq3A_748 : i32 to vector<16xi32>
    %eq3A_750 = arith.cmpi eq, %get3A_742, %eq3A_749 : vector<16xi32>
    %jit3A_751 = arith.constant 1 : i32
    %jit3A_752 = arith.constant 0 : i32
    %broadcast_in_dim3A_753 = vector.broadcast %jit3A_751 : i32 to vector<16xi32>
    %broadcast_in_dim3A_754 = vector.broadcast %jit3A_752 : i32 to vector<16xi32>
    %select_n3A_755 = arith.select %eq3A_750, %broadcast_in_dim3A_753, %broadcast_in_dim3A_754 : vector<16xi1>, vector<16xi32>
    %broadcast_in_dim3A_756 = arith.constant true
    %broadcast_in_dim3A_757 = vector.broadcast %broadcast_in_dim3A_756 : i1 to vector<16xi1>
    %masked_cumsum3A_758 = tpu.scan <sum>, %select_n3A_755 masked %broadcast_in_dim3A_757 : vector<16xi32>, vector<16xi1> -> vector<16xi32>
    %sub3A_759 = arith.constant 1 : i32
    %sub3A_760 = vector.broadcast %sub3A_759 : i32 to vector<16xi32>
    %sub3A_761 = arith.subi %masked_cumsum3A_758, %sub3A_760 : vector<16xi32>
    %jit3A_762 = arith.constant 0 : i32
    %broadcast_in_dim3A_763 = vector.broadcast %jit3A_762 : i32 to vector<16xi32>
    %select_n3A_764 = arith.select %eq3A_750, %sub3A_761, %broadcast_in_dim3A_763 : vector<16xi1>, vector<16xi32>
    %add3A_765 = arith.addi %broadcast_in_dim3A_745, %select_n3A_764 : vector<16xi32>
    %eq3A_766 = arith.constant 0 : i32
    %eq3A_767 = vector.broadcast %eq3A_766 : i32 to vector<16xi32>
    %eq3A_768 = arith.cmpi eq, %iota3A, %eq3A_767 : vector<16xi32>
    %reduce_sum3A_769 = arith.constant true
    %reduce_sum3A_770 = vector.broadcast %reduce_sum3A_769 : i1 to vector<16xi1>
    %reduce_sum3A_771 = tpu.scan <sum>, %select_n3A_755 masked %reduce_sum3A_770 : vector<16xi32>, vector<16xi1> -> vector<16xi32>
    %reduce_sum3A_772 = vector.extract %reduce_sum3A_771[15] : i32 from vector<16xi32>
    %jit3A_773 = arith.constant 0 : i32
    %broadcast_in_dim3A_774 = vector.broadcast %reduce_sum3A_772 : i32 to vector<16xi32>
    %broadcast_in_dim3A_775 = vector.broadcast %jit3A_773 : i32 to vector<16xi32>
    %select_n3A_776 = arith.select %eq3A_768, %broadcast_in_dim3A_774, %broadcast_in_dim3A_775 : vector<16xi1>, vector<16xi32>
    %add3A_777 = arith.addi %broadcast_in_dim3A_747, %select_n3A_776 : vector<16xi32>
    %eq3A_778 = arith.constant 1 : i32
    %eq3A_779 = vector.broadcast %eq3A_778 : i32 to vector<16xi32>
    %eq3A_780 = arith.cmpi eq, %get3A_742, %eq3A_779 : vector<16xi32>
    %jit3A_781 = arith.constant 1 : i32
    %jit3A_782 = arith.constant 0 : i32
    %broadcast_in_dim3A_783 = vector.broadcast %jit3A_781 : i32 to vector<16xi32>
    %broadcast_in_dim3A_784 = vector.broadcast %jit3A_782 : i32 to vector<16xi32>
    %select_n3A_785 = arith.select %eq3A_780, %broadcast_in_dim3A_783, %broadcast_in_dim3A_784 : vector<16xi1>, vector<16xi32>
    %broadcast_in_dim3A_786 = arith.constant true
    %broadcast_in_dim3A_787 = vector.broadcast %broadcast_in_dim3A_786 : i1 to vector<16xi1>
    %masked_cumsum3A_788 = tpu.scan <sum>, %select_n3A_785 masked %broadcast_in_dim3A_787 : vector<16xi32>, vector<16xi1> -> vector<16xi32>
    %sub3A_789 = arith.constant 1 : i32
    %sub3A_790 = vector.broadcast %sub3A_789 : i32 to vector<16xi32>
    %sub3A_791 = arith.subi %masked_cumsum3A_788, %sub3A_790 : vector<16xi32>
    %jit3A_792 = arith.constant 0 : i32
    %broadcast_in_dim3A_793 = vector.broadcast %jit3A_792 : i32 to vector<16xi32>
    %select_n3A_794 = arith.select %eq3A_780, %sub3A_791, %broadcast_in_dim3A_793 : vector<16xi1>, vector<16xi32>
    %add3A_795 = arith.addi %add3A_765, %select_n3A_794 : vector<16xi32>
    %eq3A_796 = arith.constant 1 : i32
    %eq3A_797 = vector.broadcast %eq3A_796 : i32 to vector<16xi32>
    %eq3A_798 = arith.cmpi eq, %iota3A, %eq3A_797 : vector<16xi32>
    %reduce_sum3A_799 = arith.constant true
    %reduce_sum3A_800 = vector.broadcast %reduce_sum3A_799 : i1 to vector<16xi1>
    %reduce_sum3A_801 = tpu.scan <sum>, %select_n3A_785 masked %reduce_sum3A_800 : vector<16xi32>, vector<16xi1> -> vector<16xi32>
    %reduce_sum3A_802 = vector.extract %reduce_sum3A_801[15] : i32 from vector<16xi32>
    %jit3A_803 = arith.constant 0 : i32
    %broadcast_in_dim3A_804 = vector.broadcast %reduce_sum3A_802 : i32 to vector<16xi32>
    %broadcast_in_dim3A_805 = vector.broadcast %jit3A_803 : i32 to vector<16xi32>
    %select_n3A_806 = arith.select %eq3A_798, %broadcast_in_dim3A_804, %broadcast_in_dim3A_805 : vector<16xi1>, vector<16xi32>
    %add3A_807 = arith.addi %add3A_777, %select_n3A_806 : vector<16xi32>
    %eq3A_808 = arith.constant 2 : i32
    %eq3A_809 = vector.broadcast %eq3A_808 : i32 to vector<16xi32>
    %eq3A_810 = arith.cmpi eq, %get3A_742, %eq3A_809 : vector<16xi32>
    %jit3A_811 = arith.constant 1 : i32
    %jit3A_812 = arith.constant 0 : i32
    %broadcast_in_dim3A_813 = vector.broadcast %jit3A_811 : i32 to vector<16xi32>
    %broadcast_in_dim3A_814 = vector.broadcast %jit3A_812 : i32 to vector<16xi32>
    %select_n3A_815 = arith.select %eq3A_810, %broadcast_in_dim3A_813, %broadcast_in_dim3A_814 : vector<16xi1>, vector<16xi32>
    %broadcast_in_dim3A_816 = arith.constant true
    %broadcast_in_dim3A_817 = vector.broadcast %broadcast_in_dim3A_816 : i1 to vector<16xi1>
    %masked_cumsum3A_818 = tpu.scan <sum>, %select_n3A_815 masked %broadcast_in_dim3A_817 : vector<16xi32>, vector<16xi1> -> vector<16xi32>
    %sub3A_819 = arith.constant 1 : i32
    %sub3A_820 = vector.broadcast %sub3A_819 : i32 to vector<16xi32>
    %sub3A_821 = arith.subi %masked_cumsum3A_818, %sub3A_820 : vector<16xi32>
    %jit3A_822 = arith.constant 0 : i32
    %broadcast_in_dim3A_823 = vector.broadcast %jit3A_822 : i32 to vector<16xi32>
    %select_n3A_824 = arith.select %eq3A_810, %sub3A_821, %broadcast_in_dim3A_823 : vector<16xi1>, vector<16xi32>
    %add3A_825 = arith.addi %add3A_795, %select_n3A_824 : vector<16xi32>
    %eq3A_826 = arith.constant 2 : i32
    %eq3A_827 = vector.broadcast %eq3A_826 : i32 to vector<16xi32>
    %eq3A_828 = arith.cmpi eq, %iota3A, %eq3A_827 : vector<16xi32>
    %reduce_sum3A_829 = arith.constant true
    %reduce_sum3A_830 = vector.broadcast %reduce_sum3A_829 : i1 to vector<16xi1>
    %reduce_sum3A_831 = tpu.scan <sum>, %select_n3A_815 masked %reduce_sum3A_830 : vector<16xi32>, vector<16xi1> -> vector<16xi32>
    %reduce_sum3A_832 = vector.extract %reduce_sum3A_831[15] : i32 from vector<16xi32>
    %jit3A_833 = arith.constant 0 : i32
    %broadcast_in_dim3A_834 = vector.broadcast %reduce_sum3A_832 : i32 to vector<16xi32>
    %broadcast_in_dim3A_835 = vector.broadcast %jit3A_833 : i32 to vector<16xi32>
    %select_n3A_836 = arith.select %eq3A_828, %broadcast_in_dim3A_834, %broadcast_in_dim3A_835 : vector<16xi1>, vector<16xi32>
    %add3A_837 = arith.addi %add3A_807, %select_n3A_836 : vector<16xi32>
    %eq3A_838 = arith.constant 3 : i32
    %eq3A_839 = vector.broadcast %eq3A_838 : i32 to vector<16xi32>
    %eq3A_840 = arith.cmpi eq, %get3A_742, %eq3A_839 : vector<16xi32>
    %jit3A_841 = arith.constant 1 : i32
    %jit3A_842 = arith.constant 0 : i32
    %broadcast_in_dim3A_843 = vector.broadcast %jit3A_841 : i32 to vector<16xi32>
    %broadcast_in_dim3A_844 = vector.broadcast %jit3A_842 : i32 to vector<16xi32>
    %select_n3A_845 = arith.select %eq3A_840, %broadcast_in_dim3A_843, %broadcast_in_dim3A_844 : vector<16xi1>, vector<16xi32>
    %broadcast_in_dim3A_846 = arith.constant true
    %broadcast_in_dim3A_847 = vector.broadcast %broadcast_in_dim3A_846 : i1 to vector<16xi1>
    %masked_cumsum3A_848 = tpu.scan <sum>, %select_n3A_845 masked %broadcast_in_dim3A_847 : vector<16xi32>, vector<16xi1> -> vector<16xi32>
    %sub3A_849 = arith.constant 1 : i32
    %sub3A_850 = vector.broadcast %sub3A_849 : i32 to vector<16xi32>
    %sub3A_851 = arith.subi %masked_cumsum3A_848, %sub3A_850 : vector<16xi32>
    %jit3A_852 = arith.constant 0 : i32
    %broadcast_in_dim3A_853 = vector.broadcast %jit3A_852 : i32 to vector<16xi32>
    %select_n3A_854 = arith.select %eq3A_840, %sub3A_851, %broadcast_in_dim3A_853 : vector<16xi1>, vector<16xi32>
    %add3A_855 = arith.addi %add3A_825, %select_n3A_854 : vector<16xi32>
    %eq3A_856 = arith.constant 3 : i32
    %eq3A_857 = vector.broadcast %eq3A_856 : i32 to vector<16xi32>
    %eq3A_858 = arith.cmpi eq, %iota3A, %eq3A_857 : vector<16xi32>
    %reduce_sum3A_859 = arith.constant true
    %reduce_sum3A_860 = vector.broadcast %reduce_sum3A_859 : i1 to vector<16xi1>
    %reduce_sum3A_861 = tpu.scan <sum>, %select_n3A_845 masked %reduce_sum3A_860 : vector<16xi32>, vector<16xi1> -> vector<16xi32>
    %reduce_sum3A_862 = vector.extract %reduce_sum3A_861[15] : i32 from vector<16xi32>
    %jit3A_863 = arith.constant 0 : i32
    %broadcast_in_dim3A_864 = vector.broadcast %reduce_sum3A_862 : i32 to vector<16xi32>
    %broadcast_in_dim3A_865 = vector.broadcast %jit3A_863 : i32 to vector<16xi32>
    %select_n3A_866 = arith.select %eq3A_858, %broadcast_in_dim3A_864, %broadcast_in_dim3A_865 : vector<16xi1>, vector<16xi32>
    %add3A_867 = arith.addi %add3A_837, %select_n3A_866 : vector<16xi32>
    %eq3A_868 = arith.constant 4 : i32
    %eq3A_869 = vector.broadcast %eq3A_868 : i32 to vector<16xi32>
    %eq3A_870 = arith.cmpi eq, %get3A_742, %eq3A_869 : vector<16xi32>
    %jit3A_871 = arith.constant 1 : i32
    %jit3A_872 = arith.constant 0 : i32
    %broadcast_in_dim3A_873 = vector.broadcast %jit3A_871 : i32 to vector<16xi32>
    %broadcast_in_dim3A_874 = vector.broadcast %jit3A_872 : i32 to vector<16xi32>
    %select_n3A_875 = arith.select %eq3A_870, %broadcast_in_dim3A_873, %broadcast_in_dim3A_874 : vector<16xi1>, vector<16xi32>
    %broadcast_in_dim3A_876 = arith.constant true
    %broadcast_in_dim3A_877 = vector.broadcast %broadcast_in_dim3A_876 : i1 to vector<16xi1>
    %masked_cumsum3A_878 = tpu.scan <sum>, %select_n3A_875 masked %broadcast_in_dim3A_877 : vector<16xi32>, vector<16xi1> -> vector<16xi32>
    %sub3A_879 = arith.constant 1 : i32
    %sub3A_880 = vector.broadcast %sub3A_879 : i32 to vector<16xi32>
    %sub3A_881 = arith.subi %masked_cumsum3A_878, %sub3A_880 : vector<16xi32>
    %jit3A_882 = arith.constant 0 : i32
    %broadcast_in_dim3A_883 = vector.broadcast %jit3A_882 : i32 to vector<16xi32>
    %select_n3A_884 = arith.select %eq3A_870, %sub3A_881, %broadcast_in_dim3A_883 : vector<16xi1>, vector<16xi32>
    %add3A_885 = arith.addi %add3A_855, %select_n3A_884 : vector<16xi32>
    %eq3A_886 = arith.constant 4 : i32
    %eq3A_887 = vector.broadcast %eq3A_886 : i32 to vector<16xi32>
    %eq3A_888 = arith.cmpi eq, %iota3A, %eq3A_887 : vector<16xi32>
    %reduce_sum3A_889 = arith.constant true
    %reduce_sum3A_890 = vector.broadcast %reduce_sum3A_889 : i1 to vector<16xi1>
    %reduce_sum3A_891 = tpu.scan <sum>, %select_n3A_875 masked %reduce_sum3A_890 : vector<16xi32>, vector<16xi1> -> vector<16xi32>
    %reduce_sum3A_892 = vector.extract %reduce_sum3A_891[15] : i32 from vector<16xi32>
    %jit3A_893 = arith.constant 0 : i32
    %broadcast_in_dim3A_894 = vector.broadcast %reduce_sum3A_892 : i32 to vector<16xi32>
    %broadcast_in_dim3A_895 = vector.broadcast %jit3A_893 : i32 to vector<16xi32>
    %select_n3A_896 = arith.select %eq3A_888, %broadcast_in_dim3A_894, %broadcast_in_dim3A_895 : vector<16xi1>, vector<16xi32>
    %add3A_897 = arith.addi %add3A_867, %select_n3A_896 : vector<16xi32>
    %eq3A_898 = arith.constant 5 : i32
    %eq3A_899 = vector.broadcast %eq3A_898 : i32 to vector<16xi32>
    %eq3A_900 = arith.cmpi eq, %get3A_742, %eq3A_899 : vector<16xi32>
    %jit3A_901 = arith.constant 1 : i32
    %jit3A_902 = arith.constant 0 : i32
    %broadcast_in_dim3A_903 = vector.broadcast %jit3A_901 : i32 to vector<16xi32>
    %broadcast_in_dim3A_904 = vector.broadcast %jit3A_902 : i32 to vector<16xi32>
    %select_n3A_905 = arith.select %eq3A_900, %broadcast_in_dim3A_903, %broadcast_in_dim3A_904 : vector<16xi1>, vector<16xi32>
    %broadcast_in_dim3A_906 = arith.constant true
    %broadcast_in_dim3A_907 = vector.broadcast %broadcast_in_dim3A_906 : i1 to vector<16xi1>
    %masked_cumsum3A_908 = tpu.scan <sum>, %select_n3A_905 masked %broadcast_in_dim3A_907 : vector<16xi32>, vector<16xi1> -> vector<16xi32>
    %sub3A_909 = arith.constant 1 : i32
    %sub3A_910 = vector.broadcast %sub3A_909 : i32 to vector<16xi32>
    %sub3A_911 = arith.subi %masked_cumsum3A_908, %sub3A_910 : vector<16xi32>
    %jit3A_912 = arith.constant 0 : i32
    %broadcast_in_dim3A_913 = vector.broadcast %jit3A_912 : i32 to vector<16xi32>
    %select_n3A_914 = arith.select %eq3A_900, %sub3A_911, %broadcast_in_dim3A_913 : vector<16xi1>, vector<16xi32>
    %add3A_915 = arith.addi %add3A_885, %select_n3A_914 : vector<16xi32>
    %eq3A_916 = arith.constant 5 : i32
    %eq3A_917 = vector.broadcast %eq3A_916 : i32 to vector<16xi32>
    %eq3A_918 = arith.cmpi eq, %iota3A, %eq3A_917 : vector<16xi32>
    %reduce_sum3A_919 = arith.constant true
    %reduce_sum3A_920 = vector.broadcast %reduce_sum3A_919 : i1 to vector<16xi1>
    %reduce_sum3A_921 = tpu.scan <sum>, %select_n3A_905 masked %reduce_sum3A_920 : vector<16xi32>, vector<16xi1> -> vector<16xi32>
    %reduce_sum3A_922 = vector.extract %reduce_sum3A_921[15] : i32 from vector<16xi32>
    %jit3A_923 = arith.constant 0 : i32
    %broadcast_in_dim3A_924 = vector.broadcast %reduce_sum3A_922 : i32 to vector<16xi32>
    %broadcast_in_dim3A_925 = vector.broadcast %jit3A_923 : i32 to vector<16xi32>
    %select_n3A_926 = arith.select %eq3A_918, %broadcast_in_dim3A_924, %broadcast_in_dim3A_925 : vector<16xi1>, vector<16xi32>
    %add3A_927 = arith.addi %add3A_897, %select_n3A_926 : vector<16xi32>
    %eq3A_928 = arith.constant 6 : i32
    %eq3A_929 = vector.broadcast %eq3A_928 : i32 to vector<16xi32>
    %eq3A_930 = arith.cmpi eq, %get3A_742, %eq3A_929 : vector<16xi32>
    %jit3A_931 = arith.constant 1 : i32
    %jit3A_932 = arith.constant 0 : i32
    %broadcast_in_dim3A_933 = vector.broadcast %jit3A_931 : i32 to vector<16xi32>
    %broadcast_in_dim3A_934 = vector.broadcast %jit3A_932 : i32 to vector<16xi32>
    %select_n3A_935 = arith.select %eq3A_930, %broadcast_in_dim3A_933, %broadcast_in_dim3A_934 : vector<16xi1>, vector<16xi32>
    %broadcast_in_dim3A_936 = arith.constant true
    %broadcast_in_dim3A_937 = vector.broadcast %broadcast_in_dim3A_936 : i1 to vector<16xi1>
    %masked_cumsum3A_938 = tpu.scan <sum>, %select_n3A_935 masked %broadcast_in_dim3A_937 : vector<16xi32>, vector<16xi1> -> vector<16xi32>
    %sub3A_939 = arith.constant 1 : i32
    %sub3A_940 = vector.broadcast %sub3A_939 : i32 to vector<16xi32>
    %sub3A_941 = arith.subi %masked_cumsum3A_938, %sub3A_940 : vector<16xi32>
    %jit3A_942 = arith.constant 0 : i32
    %broadcast_in_dim3A_943 = vector.broadcast %jit3A_942 : i32 to vector<16xi32>
    %select_n3A_944 = arith.select %eq3A_930, %sub3A_941, %broadcast_in_dim3A_943 : vector<16xi1>, vector<16xi32>
    %add3A_945 = arith.addi %add3A_915, %select_n3A_944 : vector<16xi32>
    %eq3A_946 = arith.constant 6 : i32
    %eq3A_947 = vector.broadcast %eq3A_946 : i32 to vector<16xi32>
    %eq3A_948 = arith.cmpi eq, %iota3A, %eq3A_947 : vector<16xi32>
    %reduce_sum3A_949 = arith.constant true
    %reduce_sum3A_950 = vector.broadcast %reduce_sum3A_949 : i1 to vector<16xi1>
    %reduce_sum3A_951 = tpu.scan <sum>, %select_n3A_935 masked %reduce_sum3A_950 : vector<16xi32>, vector<16xi1> -> vector<16xi32>
    %reduce_sum3A_952 = vector.extract %reduce_sum3A_951[15] : i32 from vector<16xi32>
    %jit3A_953 = arith.constant 0 : i32
    %broadcast_in_dim3A_954 = vector.broadcast %reduce_sum3A_952 : i32 to vector<16xi32>
    %broadcast_in_dim3A_955 = vector.broadcast %jit3A_953 : i32 to vector<16xi32>
    %select_n3A_956 = arith.select %eq3A_948, %broadcast_in_dim3A_954, %broadcast_in_dim3A_955 : vector<16xi1>, vector<16xi32>
    %add3A_957 = arith.addi %add3A_927, %select_n3A_956 : vector<16xi32>
    %eq3A_958 = arith.constant 7 : i32
    %eq3A_959 = vector.broadcast %eq3A_958 : i32 to vector<16xi32>
    %eq3A_960 = arith.cmpi eq, %get3A_742, %eq3A_959 : vector<16xi32>
    %jit3A_961 = arith.constant 1 : i32
    %jit3A_962 = arith.constant 0 : i32
    %broadcast_in_dim3A_963 = vector.broadcast %jit3A_961 : i32 to vector<16xi32>
    %broadcast_in_dim3A_964 = vector.broadcast %jit3A_962 : i32 to vector<16xi32>
    %select_n3A_965 = arith.select %eq3A_960, %broadcast_in_dim3A_963, %broadcast_in_dim3A_964 : vector<16xi1>, vector<16xi32>
    %broadcast_in_dim3A_966 = arith.constant true
    %broadcast_in_dim3A_967 = vector.broadcast %broadcast_in_dim3A_966 : i1 to vector<16xi1>
    %masked_cumsum3A_968 = tpu.scan <sum>, %select_n3A_965 masked %broadcast_in_dim3A_967 : vector<16xi32>, vector<16xi1> -> vector<16xi32>
    %sub3A_969 = arith.constant 1 : i32
    %sub3A_970 = vector.broadcast %sub3A_969 : i32 to vector<16xi32>
    %sub3A_971 = arith.subi %masked_cumsum3A_968, %sub3A_970 : vector<16xi32>
    %jit3A_972 = arith.constant 0 : i32
    %broadcast_in_dim3A_973 = vector.broadcast %jit3A_972 : i32 to vector<16xi32>
    %select_n3A_974 = arith.select %eq3A_960, %sub3A_971, %broadcast_in_dim3A_973 : vector<16xi1>, vector<16xi32>
    %add3A_975 = arith.addi %add3A_945, %select_n3A_974 : vector<16xi32>
    %eq3A_976 = arith.constant 7 : i32
    %eq3A_977 = vector.broadcast %eq3A_976 : i32 to vector<16xi32>
    %eq3A_978 = arith.cmpi eq, %iota3A, %eq3A_977 : vector<16xi32>
    %reduce_sum3A_979 = arith.constant true
    %reduce_sum3A_980 = vector.broadcast %reduce_sum3A_979 : i1 to vector<16xi1>
    %reduce_sum3A_981 = tpu.scan <sum>, %select_n3A_965 masked %reduce_sum3A_980 : vector<16xi32>, vector<16xi1> -> vector<16xi32>
    %reduce_sum3A_982 = vector.extract %reduce_sum3A_981[15] : i32 from vector<16xi32>
    %jit3A_983 = arith.constant 0 : i32
    %broadcast_in_dim3A_984 = vector.broadcast %reduce_sum3A_982 : i32 to vector<16xi32>
    %broadcast_in_dim3A_985 = vector.broadcast %jit3A_983 : i32 to vector<16xi32>
    %select_n3A_986 = arith.select %eq3A_978, %broadcast_in_dim3A_984, %broadcast_in_dim3A_985 : vector<16xi1>, vector<16xi32>
    %add3A_987 = arith.addi %add3A_957, %select_n3A_986 : vector<16xi32>
    %add3A_988 = arith.addi %gather3A_743, %add3A_975 : vector<16xi32>
    %swap3A_989 = arith.constant 0 : index
    %swap3A_990 = tpu.vector_load %arg11[%swap3A_989] {strides = array<i32>} : memref<32xi32, #tpu.memory_space<vmem>>, vector<16xi32>,
    tpu.vector_store %arg11[%swap3A_989], %add3A_988 {strides = array<i32>} : memref<32xi32, #tpu.memory_space<vmem>>, vector<16xi32>,
    %get3A_991 = arith.constant 0 : index
    %get3A_992 = tpu.vector_load %arg9[%get3A_991] {strides = array<i32>} : memref<16xi32, #tpu.memory_space<vmem>>, vector<16xi32>,
    %add3A_993 = arith.addi %get3A_992, %add3A_987 : vector<16xi32>
    %swap3A_994 = arith.constant 0 : index
    %swap3A_995 = tpu.vector_load %arg9[%swap3A_994] {strides = array<i32>} : memref<16xi32, #tpu.memory_space<vmem>>, vector<16xi32>,
    tpu.vector_store %arg9[%swap3A_994], %add3A_993 {strides = array<i32>} : memref<16xi32, #tpu.memory_space<vmem>>, vector<16xi32>,
    %get3A_996 = arith.constant 48 : index
    %get3A_997 = tpu.vector_load %arg7[%get3A_996] {strides = array<i32>} : memref<64xi32, #tpu.memory_space<vmem>>, vector<16xi32>,
    %gather3A_998 = tpu.vector_load_idx %arg9[%get3A_997] : memref<16xi32, #tpu.memory_space<vmem>>[vector<16xi32>], vector<16xi32>,
    %broadcast_in_dim3A_999 = arith.constant 0 : i32
    %broadcast_in_dim3A_1000 = vector.broadcast %broadcast_in_dim3A_999 : i32 to vector<16xi32>
    %broadcast_in_dim3A_1001 = arith.constant 0 : i32
    %broadcast_in_dim3A_1002 = vector.broadcast %broadcast_in_dim3A_1001 : i32 to vector<16xi32>
    %eq3A_1003 = arith.constant 0 : i32
    %eq3A_1004 = vector.broadcast %eq3A_1003 : i32 to vector<16xi32>
    %eq3A_1005 = arith.cmpi eq, %get3A_997, %eq3A_1004 : vector<16xi32>
    %jit3A_1006 = arith.constant 1 : i32
    %jit3A_1007 = arith.constant 0 : i32
    %broadcast_in_dim3A_1008 = vector.broadcast %jit3A_1006 : i32 to vector<16xi32>
    %broadcast_in_dim3A_1009 = vector.broadcast %jit3A_1007 : i32 to vector<16xi32>
    %select_n3A_1010 = arith.select %eq3A_1005, %broadcast_in_dim3A_1008, %broadcast_in_dim3A_1009 : vector<16xi1>, vector<16xi32>
    %broadcast_in_dim3A_1011 = arith.constant true
    %broadcast_in_dim3A_1012 = vector.broadcast %broadcast_in_dim3A_1011 : i1 to vector<16xi1>
    %masked_cumsum3A_1013 = tpu.scan <sum>, %select_n3A_1010 masked %broadcast_in_dim3A_1012 : vector<16xi32>, vector<16xi1> -> vector<16xi32>
    %sub3A_1014 = arith.constant 1 : i32
    %sub3A_1015 = vector.broadcast %sub3A_1014 : i32 to vector<16xi32>
    %sub3A_1016 = arith.subi %masked_cumsum3A_1013, %sub3A_1015 : vector<16xi32>
    %jit3A_1017 = arith.constant 0 : i32
    %broadcast_in_dim3A_1018 = vector.broadcast %jit3A_1017 : i32 to vector<16xi32>
    %select_n3A_1019 = arith.select %eq3A_1005, %sub3A_1016, %broadcast_in_dim3A_1018 : vector<16xi1>, vector<16xi32>
    %add3A_1020 = arith.addi %broadcast_in_dim3A_1000, %select_n3A_1019 : vector<16xi32>
    %eq3A_1021 = arith.constant 0 : i32
    %eq3A_1022 = vector.broadcast %eq3A_1021 : i32 to vector<16xi32>
    %eq3A_1023 = arith.cmpi eq, %iota3A, %eq3A_1022 : vector<16xi32>
    %reduce_sum3A_1024 = arith.constant true
    %reduce_sum3A_1025 = vector.broadcast %reduce_sum3A_1024 : i1 to vector<16xi1>
    %reduce_sum3A_1026 = tpu.scan <sum>, %select_n3A_1010 masked %reduce_sum3A_1025 : vector<16xi32>, vector<16xi1> -> vector<16xi32>
    %reduce_sum3A_1027 = vector.extract %reduce_sum3A_1026[15] : i32 from vector<16xi32>
    %jit3A_1028 = arith.constant 0 : i32
    %broadcast_in_dim3A_1029 = vector.broadcast %reduce_sum3A_1027 : i32 to vector<16xi32>
    %broadcast_in_dim3A_1030 = vector.broadcast %jit3A_1028 : i32 to vector<16xi32>
    %select_n3A_1031 = arith.select %eq3A_1023, %broadcast_in_dim3A_1029, %broadcast_in_dim3A_1030 : vector<16xi1>, vector<16xi32>
    %add3A_1032 = arith.addi %broadcast_in_dim3A_1002, %select_n3A_1031 : vector<16xi32>
    %eq3A_1033 = arith.constant 1 : i32
    %eq3A_1034 = vector.broadcast %eq3A_1033 : i32 to vector<16xi32>
    %eq3A_1035 = arith.cmpi eq, %get3A_997, %eq3A_1034 : vector<16xi32>
    %jit3A_1036 = arith.constant 1 : i32
    %jit3A_1037 = arith.constant 0 : i32
    %broadcast_in_dim3A_1038 = vector.broadcast %jit3A_1036 : i32 to vector<16xi32>
    %broadcast_in_dim3A_1039 = vector.broadcast %jit3A_1037 : i32 to vector<16xi32>
    %select_n3A_1040 = arith.select %eq3A_1035, %broadcast_in_dim3A_1038, %broadcast_in_dim3A_1039 : vector<16xi1>, vector<16xi32>
    %broadcast_in_dim3A_1041 = arith.constant true
    %broadcast_in_dim3A_1042 = vector.broadcast %broadcast_in_dim3A_1041 : i1 to vector<16xi1>
    %masked_cumsum3A_1043 = tpu.scan <sum>, %select_n3A_1040 masked %broadcast_in_dim3A_1042 : vector<16xi32>, vector<16xi1> -> vector<16xi32>
    %sub3A_1044 = arith.constant 1 : i32
    %sub3A_1045 = vector.broadcast %sub3A_1044 : i32 to vector<16xi32>
    %sub3A_1046 = arith.subi %masked_cumsum3A_1043, %sub3A_1045 : vector<16xi32>
    %jit3A_1047 = arith.constant 0 : i32
    %broadcast_in_dim3A_1048 = vector.broadcast %jit3A_1047 : i32 to vector<16xi32>
    %select_n3A_1049 = arith.select %eq3A_1035, %sub3A_1046, %broadcast_in_dim3A_1048 : vector<16xi1>, vector<16xi32>
    %add3A_1050 = arith.addi %add3A_1020, %select_n3A_1049 : vector<16xi32>
    %eq3A_1051 = arith.constant 1 : i32
    %eq3A_1052 = vector.broadcast %eq3A_1051 : i32 to vector<16xi32>
    %eq3A_1053 = arith.cmpi eq, %iota3A, %eq3A_1052 : vector<16xi32>
    %reduce_sum3A_1054 = arith.constant true
    %reduce_sum3A_1055 = vector.broadcast %reduce_sum3A_1054 : i1 to vector<16xi1>
    %reduce_sum3A_1056 = tpu.scan <sum>, %select_n3A_1040 masked %reduce_sum3A_1055 : vector<16xi32>, vector<16xi1> -> vector<16xi32>
    %reduce_sum3A_1057 = vector.extract %reduce_sum3A_1056[15] : i32 from vector<16xi32>
    %jit3A_1058 = arith.constant 0 : i32
    %broadcast_in_dim3A_1059 = vector.broadcast %reduce_sum3A_1057 : i32 to vector<16xi32>
    %broadcast_in_dim3A_1060 = vector.broadcast %jit3A_1058 : i32 to vector<16xi32>
    %select_n3A_1061 = arith.select %eq3A_1053, %broadcast_in_dim3A_1059, %broadcast_in_dim3A_1060 : vector<16xi1>, vector<16xi32>
    %add3A_1062 = arith.addi %add3A_1032, %select_n3A_1061 : vector<16xi32>
    %eq3A_1063 = arith.constant 2 : i32
    %eq3A_1064 = vector.broadcast %eq3A_1063 : i32 to vector<16xi32>
    %eq3A_1065 = arith.cmpi eq, %get3A_997, %eq3A_1064 : vector<16xi32>
    %jit3A_1066 = arith.constant 1 : i32
    %jit3A_1067 = arith.constant 0 : i32
    %broadcast_in_dim3A_1068 = vector.broadcast %jit3A_1066 : i32 to vector<16xi32>
    %broadcast_in_dim3A_1069 = vector.broadcast %jit3A_1067 : i32 to vector<16xi32>
    %select_n3A_1070 = arith.select %eq3A_1065, %broadcast_in_dim3A_1068, %broadcast_in_dim3A_1069 : vector<16xi1>, vector<16xi32>
    %broadcast_in_dim3A_1071 = arith.constant true
    %broadcast_in_dim3A_1072 = vector.broadcast %broadcast_in_dim3A_1071 : i1 to vector<16xi1>
    %masked_cumsum3A_1073 = tpu.scan <sum>, %select_n3A_1070 masked %broadcast_in_dim3A_1072 : vector<16xi32>, vector<16xi1> -> vector<16xi32>
    %sub3A_1074 = arith.constant 1 : i32
    %sub3A_1075 = vector.broadcast %sub3A_1074 : i32 to vector<16xi32>
    %sub3A_1076 = arith.subi %masked_cumsum3A_1073, %sub3A_1075 : vector<16xi32>
    %jit3A_1077 = arith.constant 0 : i32
    %broadcast_in_dim3A_1078 = vector.broadcast %jit3A_1077 : i32 to vector<16xi32>
    %select_n3A_1079 = arith.select %eq3A_1065, %sub3A_1076, %broadcast_in_dim3A_1078 : vector<16xi1>, vector<16xi32>
    %add3A_1080 = arith.addi %add3A_1050, %select_n3A_1079 : vector<16xi32>
    %eq3A_1081 = arith.constant 2 : i32
    %eq3A_1082 = vector.broadcast %eq3A_1081 : i32 to vector<16xi32>
    %eq3A_1083 = arith.cmpi eq, %iota3A, %eq3A_1082 : vector<16xi32>
    %reduce_sum3A_1084 = arith.constant true
    %reduce_sum3A_1085 = vector.broadcast %reduce_sum3A_1084 : i1 to vector<16xi1>
    %reduce_sum3A_1086 = tpu.scan <sum>, %select_n3A_1070 masked %reduce_sum3A_1085 : vector<16xi32>, vector<16xi1> -> vector<16xi32>
    %reduce_sum3A_1087 = vector.extract %reduce_sum3A_1086[15] : i32 from vector<16xi32>
    %jit3A_1088 = arith.constant 0 : i32
    %broadcast_in_dim3A_1089 = vector.broadcast %reduce_sum3A_1087 : i32 to vector<16xi32>
    %broadcast_in_dim3A_1090 = vector.broadcast %jit3A_1088 : i32 to vector<16xi32>
    %select_n3A_1091 = arith.select %eq3A_1083, %broadcast_in_dim3A_1089, %broadcast_in_dim3A_1090 : vector<16xi1>, vector<16xi32>
    %add3A_1092 = arith.addi %add3A_1062, %select_n3A_1091 : vector<16xi32>
    %eq3A_1093 = arith.constant 3 : i32
    %eq3A_1094 = vector.broadcast %eq3A_1093 : i32 to vector<16xi32>
    %eq3A_1095 = arith.cmpi eq, %get3A_997, %eq3A_1094 : vector<16xi32>
    %jit3A_1096 = arith.constant 1 : i32
    %jit3A_1097 = arith.constant 0 : i32
    %broadcast_in_dim3A_1098 = vector.broadcast %jit3A_1096 : i32 to vector<16xi32>
    %broadcast_in_dim3A_1099 = vector.broadcast %jit3A_1097 : i32 to vector<16xi32>
    %select_n3A_1100 = arith.select %eq3A_1095, %broadcast_in_dim3A_1098, %broadcast_in_dim3A_1099 : vector<16xi1>, vector<16xi32>
    %broadcast_in_dim3A_1101 = arith.constant true
    %broadcast_in_dim3A_1102 = vector.broadcast %broadcast_in_dim3A_1101 : i1 to vector<16xi1>
    %masked_cumsum3A_1103 = tpu.scan <sum>, %select_n3A_1100 masked %broadcast_in_dim3A_1102 : vector<16xi32>, vector<16xi1> -> vector<16xi32>
    %sub3A_1104 = arith.constant 1 : i32
    %sub3A_1105 = vector.broadcast %sub3A_1104 : i32 to vector<16xi32>
    %sub3A_1106 = arith.subi %masked_cumsum3A_1103, %sub3A_1105 : vector<16xi32>
    %jit3A_1107 = arith.constant 0 : i32
    %broadcast_in_dim3A_1108 = vector.broadcast %jit3A_1107 : i32 to vector<16xi32>
    %select_n3A_1109 = arith.select %eq3A_1095, %sub3A_1106, %broadcast_in_dim3A_1108 : vector<16xi1>, vector<16xi32>
    %add3A_1110 = arith.addi %add3A_1080, %select_n3A_1109 : vector<16xi32>
    %eq3A_1111 = arith.constant 3 : i32
    %eq3A_1112 = vector.broadcast %eq3A_1111 : i32 to vector<16xi32>
    %eq3A_1113 = arith.cmpi eq, %iota3A, %eq3A_1112 : vector<16xi32>
    %reduce_sum3A_1114 = arith.constant true
    %reduce_sum3A_1115 = vector.broadcast %reduce_sum3A_1114 : i1 to vector<16xi1>
    %reduce_sum3A_1116 = tpu.scan <sum>, %select_n3A_1100 masked %reduce_sum3A_1115 : vector<16xi32>, vector<16xi1> -> vector<16xi32>
    %reduce_sum3A_1117 = vector.extract %reduce_sum3A_1116[15] : i32 from vector<16xi32>
    %jit3A_1118 = arith.constant 0 : i32
    %broadcast_in_dim3A_1119 = vector.broadcast %reduce_sum3A_1117 : i32 to vector<16xi32>
    %broadcast_in_dim3A_1120 = vector.broadcast %jit3A_1118 : i32 to vector<16xi32>
    %select_n3A_1121 = arith.select %eq3A_1113, %broadcast_in_dim3A_1119, %broadcast_in_dim3A_1120 : vector<16xi1>, vector<16xi32>
    %add3A_1122 = arith.addi %add3A_1092, %select_n3A_1121 : vector<16xi32>
    %eq3A_1123 = arith.constant 4 : i32
    %eq3A_1124 = vector.broadcast %eq3A_1123 : i32 to vector<16xi32>
    %eq3A_1125 = arith.cmpi eq, %get3A_997, %eq3A_1124 : vector<16xi32>
    %jit3A_1126 = arith.constant 1 : i32
    %jit3A_1127 = arith.constant 0 : i32
    %broadcast_in_dim3A_1128 = vector.broadcast %jit3A_1126 : i32 to vector<16xi32>
    %broadcast_in_dim3A_1129 = vector.broadcast %jit3A_1127 : i32 to vector<16xi32>
    %select_n3A_1130 = arith.select %eq3A_1125, %broadcast_in_dim3A_1128, %broadcast_in_dim3A_1129 : vector<16xi1>, vector<16xi32>
    %broadcast_in_dim3A_1131 = arith.constant true
    %broadcast_in_dim3A_1132 = vector.broadcast %broadcast_in_dim3A_1131 : i1 to vector<16xi1>
    %masked_cumsum3A_1133 = tpu.scan <sum>, %select_n3A_1130 masked %broadcast_in_dim3A_1132 : vector<16xi32>, vector<16xi1> -> vector<16xi32>
    %sub3A_1134 = arith.constant 1 : i32
    %sub3A_1135 = vector.broadcast %sub3A_1134 : i32 to vector<16xi32>
    %sub3A_1136 = arith.subi %masked_cumsum3A_1133, %sub3A_1135 : vector<16xi32>
    %jit3A_1137 = arith.constant 0 : i32
    %broadcast_in_dim3A_1138 = vector.broadcast %jit3A_1137 : i32 to vector<16xi32>
    %select_n3A_1139 = arith.select %eq3A_1125, %sub3A_1136, %broadcast_in_dim3A_1138 : vector<16xi1>, vector<16xi32>
    %add3A_1140 = arith.addi %add3A_1110, %select_n3A_1139 : vector<16xi32>
    %eq3A_1141 = arith.constant 4 : i32
    %eq3A_1142 = vector.broadcast %eq3A_1141 : i32 to vector<16xi32>
    %eq3A_1143 = arith.cmpi eq, %iota3A, %eq3A_1142 : vector<16xi32>
    %reduce_sum3A_1144 = arith.constant true
    %reduce_sum3A_1145 = vector.broadcast %reduce_sum3A_1144 : i1 to vector<16xi1>
    %reduce_sum3A_1146 = tpu.scan <sum>, %select_n3A_1130 masked %reduce_sum3A_1145 : vector<16xi32>, vector<16xi1> -> vector<16xi32>
    %reduce_sum3A_1147 = vector.extract %reduce_sum3A_1146[15] : i32 from vector<16xi32>
    %jit3A_1148 = arith.constant 0 : i32
    %broadcast_in_dim3A_1149 = vector.broadcast %reduce_sum3A_1147 : i32 to vector<16xi32>
    %broadcast_in_dim3A_1150 = vector.broadcast %jit3A_1148 : i32 to vector<16xi32>
    %select_n3A_1151 = arith.select %eq3A_1143, %broadcast_in_dim3A_1149, %broadcast_in_dim3A_1150 : vector<16xi1>, vector<16xi32>
    %add3A_1152 = arith.addi %add3A_1122, %select_n3A_1151 : vector<16xi32>
    %eq3A_1153 = arith.constant 5 : i32
    %eq3A_1154 = vector.broadcast %eq3A_1153 : i32 to vector<16xi32>
    %eq3A_1155 = arith.cmpi eq, %get3A_997, %eq3A_1154 : vector<16xi32>
    %jit3A_1156 = arith.constant 1 : i32
    %jit3A_1157 = arith.constant 0 : i32
    %broadcast_in_dim3A_1158 = vector.broadcast %jit3A_1156 : i32 to vector<16xi32>
    %broadcast_in_dim3A_1159 = vector.broadcast %jit3A_1157 : i32 to vector<16xi32>
    %select_n3A_1160 = arith.select %eq3A_1155, %broadcast_in_dim3A_1158, %broadcast_in_dim3A_1159 : vector<16xi1>, vector<16xi32>
    %broadcast_in_dim3A_1161 = arith.constant true
    %broadcast_in_dim3A_1162 = vector.broadcast %broadcast_in_dim3A_1161 : i1 to vector<16xi1>
    %masked_cumsum3A_1163 = tpu.scan <sum>, %select_n3A_1160 masked %broadcast_in_dim3A_1162 : vector<16xi32>, vector<16xi1> -> vector<16xi32>
    %sub3A_1164 = arith.constant 1 : i32
    %sub3A_1165 = vector.broadcast %sub3A_1164 : i32 to vector<16xi32>
    %sub3A_1166 = arith.subi %masked_cumsum3A_1163, %sub3A_1165 : vector<16xi32>
    %jit3A_1167 = arith.constant 0 : i32
    %broadcast_in_dim3A_1168 = vector.broadcast %jit3A_1167 : i32 to vector<16xi32>
    %select_n3A_1169 = arith.select %eq3A_1155, %sub3A_1166, %broadcast_in_dim3A_1168 : vector<16xi1>, vector<16xi32>
    %add3A_1170 = arith.addi %add3A_1140, %select_n3A_1169 : vector<16xi32>
    %eq3A_1171 = arith.constant 5 : i32
    %eq3A_1172 = vector.broadcast %eq3A_1171 : i32 to vector<16xi32>
    %eq3A_1173 = arith.cmpi eq, %iota3A, %eq3A_1172 : vector<16xi32>
    %reduce_sum3A_1174 = arith.constant true
    %reduce_sum3A_1175 = vector.broadcast %reduce_sum3A_1174 : i1 to vector<16xi1>
    %reduce_sum3A_1176 = tpu.scan <sum>, %select_n3A_1160 masked %reduce_sum3A_1175 : vector<16xi32>, vector<16xi1> -> vector<16xi32>
    %reduce_sum3A_1177 = vector.extract %reduce_sum3A_1176[15] : i32 from vector<16xi32>
    %jit3A_1178 = arith.constant 0 : i32
    %broadcast_in_dim3A_1179 = vector.broadcast %reduce_sum3A_1177 : i32 to vector<16xi32>
    %broadcast_in_dim3A_1180 = vector.broadcast %jit3A_1178 : i32 to vector<16xi32>
    %select_n3A_1181 = arith.select %eq3A_1173, %broadcast_in_dim3A_1179, %broadcast_in_dim3A_1180 : vector<16xi1>, vector<16xi32>
    %add3A_1182 = arith.addi %add3A_1152, %select_n3A_1181 : vector<16xi32>
    %eq3A_1183 = arith.constant 6 : i32
    %eq3A_1184 = vector.broadcast %eq3A_1183 : i32 to vector<16xi32>
    %eq3A_1185 = arith.cmpi eq, %get3A_997, %eq3A_1184 : vector<16xi32>
    %jit3A_1186 = arith.constant 1 : i32
    %jit3A_1187 = arith.constant 0 : i32
    %broadcast_in_dim3A_1188 = vector.broadcast %jit3A_1186 : i32 to vector<16xi32>
    %broadcast_in_dim3A_1189 = vector.broadcast %jit3A_1187 : i32 to vector<16xi32>
    %select_n3A_1190 = arith.select %eq3A_1185, %broadcast_in_dim3A_1188, %broadcast_in_dim3A_1189 : vector<16xi1>, vector<16xi32>
    %broadcast_in_dim3A_1191 = arith.constant true
    %broadcast_in_dim3A_1192 = vector.broadcast %broadcast_in_dim3A_1191 : i1 to vector<16xi1>
    %masked_cumsum3A_1193 = tpu.scan <sum>, %select_n3A_1190 masked %broadcast_in_dim3A_1192 : vector<16xi32>, vector<16xi1> -> vector<16xi32>
    %sub3A_1194 = arith.constant 1 : i32
    %sub3A_1195 = vector.broadcast %sub3A_1194 : i32 to vector<16xi32>
    %sub3A_1196 = arith.subi %masked_cumsum3A_1193, %sub3A_1195 : vector<16xi32>
    %jit3A_1197 = arith.constant 0 : i32
    %broadcast_in_dim3A_1198 = vector.broadcast %jit3A_1197 : i32 to vector<16xi32>
    %select_n3A_1199 = arith.select %eq3A_1185, %sub3A_1196, %broadcast_in_dim3A_1198 : vector<16xi1>, vector<16xi32>
    %add3A_1200 = arith.addi %add3A_1170, %select_n3A_1199 : vector<16xi32>
    %eq3A_1201 = arith.constant 6 : i32
    %eq3A_1202 = vector.broadcast %eq3A_1201 : i32 to vector<16xi32>
    %eq3A_1203 = arith.cmpi eq, %iota3A, %eq3A_1202 : vector<16xi32>
    %reduce_sum3A_1204 = arith.constant true
    %reduce_sum3A_1205 = vector.broadcast %reduce_sum3A_1204 : i1 to vector<16xi1>
    %reduce_sum3A_1206 = tpu.scan <sum>, %select_n3A_1190 masked %reduce_sum3A_1205 : vector<16xi32>, vector<16xi1> -> vector<16xi32>
    %reduce_sum3A_1207 = vector.extract %reduce_sum3A_1206[15] : i32 from vector<16xi32>
    %jit3A_1208 = arith.constant 0 : i32
    %broadcast_in_dim3A_1209 = vector.broadcast %reduce_sum3A_1207 : i32 to vector<16xi32>
    %broadcast_in_dim3A_1210 = vector.broadcast %jit3A_1208 : i32 to vector<16xi32>
    %select_n3A_1211 = arith.select %eq3A_1203, %broadcast_in_dim3A_1209, %broadcast_in_dim3A_1210 : vector<16xi1>, vector<16xi32>
    %add3A_1212 = arith.addi %add3A_1182, %select_n3A_1211 : vector<16xi32>
    %eq3A_1213 = arith.constant 7 : i32
    %eq3A_1214 = vector.broadcast %eq3A_1213 : i32 to vector<16xi32>
    %eq3A_1215 = arith.cmpi eq, %get3A_997, %eq3A_1214 : vector<16xi32>
    %jit3A_1216 = arith.constant 1 : i32
    %jit3A_1217 = arith.constant 0 : i32
    %broadcast_in_dim3A_1218 = vector.broadcast %jit3A_1216 : i32 to vector<16xi32>
    %broadcast_in_dim3A_1219 = vector.broadcast %jit3A_1217 : i32 to vector<16xi32>
    %select_n3A_1220 = arith.select %eq3A_1215, %broadcast_in_dim3A_1218, %broadcast_in_dim3A_1219 : vector<16xi1>, vector<16xi32>
    %broadcast_in_dim3A_1221 = arith.constant true
    %broadcast_in_dim3A_1222 = vector.broadcast %broadcast_in_dim3A_1221 : i1 to vector<16xi1>
    %masked_cumsum3A_1223 = tpu.scan <sum>, %select_n3A_1220 masked %broadcast_in_dim3A_1222 : vector<16xi32>, vector<16xi1> -> vector<16xi32>
    %sub3A_1224 = arith.constant 1 : i32
    %sub3A_1225 = vector.broadcast %sub3A_1224 : i32 to vector<16xi32>
    %sub3A_1226 = arith.subi %masked_cumsum3A_1223, %sub3A_1225 : vector<16xi32>
    %jit3A_1227 = arith.constant 0 : i32
    %broadcast_in_dim3A_1228 = vector.broadcast %jit3A_1227 : i32 to vector<16xi32>
    %select_n3A_1229 = arith.select %eq3A_1215, %sub3A_1226, %broadcast_in_dim3A_1228 : vector<16xi1>, vector<16xi32>
    %add3A_1230 = arith.addi %add3A_1200, %select_n3A_1229 : vector<16xi32>
    %eq3A_1231 = arith.constant 7 : i32
    %eq3A_1232 = vector.broadcast %eq3A_1231 : i32 to vector<16xi32>
    %eq3A_1233 = arith.cmpi eq, %iota3A, %eq3A_1232 : vector<16xi32>
    %reduce_sum3A_1234 = arith.constant true
    %reduce_sum3A_1235 = vector.broadcast %reduce_sum3A_1234 : i1 to vector<16xi1>
    %reduce_sum3A_1236 = tpu.scan <sum>, %select_n3A_1220 masked %reduce_sum3A_1235 : vector<16xi32>, vector<16xi1> -> vector<16xi32>
    %reduce_sum3A_1237 = vector.extract %reduce_sum3A_1236[15] : i32 from vector<16xi32>
    %jit3A_1238 = arith.constant 0 : i32
    %broadcast_in_dim3A_1239 = vector.broadcast %reduce_sum3A_1237 : i32 to vector<16xi32>
    %broadcast_in_dim3A_1240 = vector.broadcast %jit3A_1238 : i32 to vector<16xi32>
    %select_n3A_1241 = arith.select %eq3A_1233, %broadcast_in_dim3A_1239, %broadcast_in_dim3A_1240 : vector<16xi1>, vector<16xi32>
    %add3A_1242 = arith.addi %add3A_1212, %select_n3A_1241 : vector<16xi32>
    %add3A_1243 = arith.addi %gather3A_998, %add3A_1230 : vector<16xi32>
    %swap3A_1244 = arith.constant 16 : index
    %swap3A_1245 = tpu.vector_load %arg11[%swap3A_1244] {strides = array<i32>} : memref<32xi32, #tpu.memory_space<vmem>>, vector<16xi32>,
    tpu.vector_store %arg11[%swap3A_1244], %add3A_1243 {strides = array<i32>} : memref<32xi32, #tpu.memory_space<vmem>>, vector<16xi32>,
    %get3A_1246 = arith.constant 0 : index
    %get3A_1247 = tpu.vector_load %arg9[%get3A_1246] {strides = array<i32>} : memref<16xi32, #tpu.memory_space<vmem>>, vector<16xi32>,
    %add3A_1248 = arith.addi %get3A_1247, %add3A_1242 : vector<16xi32>
    %swap3A_1249 = arith.constant 0 : index
    %swap3A_1250 = tpu.vector_load %arg9[%swap3A_1249] {strides = array<i32>} : memref<16xi32, #tpu.memory_space<vmem>>, vector<16xi32>,
    tpu.vector_store %arg9[%swap3A_1249], %add3A_1248 {strides = array<i32>} : memref<16xi32, #tpu.memory_space<vmem>>, vector<16xi32>,
    "tpu.region"() ({
      %run_scoped3A = tpu.sem_alloc : memref<!tpu.dma_semaphore, #tpu.memory_space<semaphore_mem>>
      %dma_start3A_1272 = tpu.memref_slice %arg5[%mul3A_2] : memref<2048xi32, #tpu.memory_space<hbm>> -> memref<32xi32, #tpu.memory_space<hbm>>
      %dma_start3A_1273 = tpu.memref_slice %arg5[%mul3A_2] : memref<2048xi32, #tpu.memory_space<hbm>> -> memref<32xi32, #tpu.memory_space<hbm>>
      tpu.enqueue_dma source(%arg10 : memref<32xi32, #tpu.memory_space<vmem>>) target(%dma_start3A_1273 : memref<32xi32, #tpu.memory_space<hbm>>) target_semaphore(%run_scoped3A : memref<!tpu.dma_semaphore, #tpu.memory_space<semaphore_mem>>)
      %dma_wait3A_1274 = tpu.memref_slice %arg5[%mul3A_2] : memref<2048xi32, #tpu.memory_space<hbm>> -> memref<32xi32, #tpu.memory_space<hbm>>
      %dma_wait3A_1275 = tpu.memref_slice %arg5[%mul3A_2] : memref<2048xi32, #tpu.memory_space<hbm>> -> memref<32xi32, #tpu.memory_space<hbm>>
      tpu.wait_dma2 semaphore(%run_scoped3A : memref<!tpu.dma_semaphore, #tpu.memory_space<semaphore_mem>>) src(%arg10 : memref<32xi32, #tpu.memory_space<vmem>>) dst(%dma_wait3A_1275 : memref<32xi32, #tpu.memory_space<hbm>>)
      tpu.yield
    }) : () -> ()
    %add3A_1251 = arith.constant 32 : i32
    %add3A_1252 = arith.addi %mul3A_2, %add3A_1251 : i32
    "tpu.region"() ({
      %run_scoped3A = tpu.sem_alloc : memref<!tpu.dma_semaphore, #tpu.memory_space<semaphore_mem>>
      %dma_start3A_1272 = tpu.memref_slice %arg5[%add3A_1252] : memref<2048xi32, #tpu.memory_space<hbm>> -> memref<32xi32, #tpu.memory_space<hbm>>
      %dma_start3A_1273 = tpu.memref_slice %arg5[%add3A_1252] : memref<2048xi32, #tpu.memory_space<hbm>> -> memref<32xi32, #tpu.memory_space<hbm>>
      tpu.enqueue_dma source(%arg11 : memref<32xi32, #tpu.memory_space<vmem>>) target(%dma_start3A_1273 : memref<32xi32, #tpu.memory_space<hbm>>) target_semaphore(%run_scoped3A : memref<!tpu.dma_semaphore, #tpu.memory_space<semaphore_mem>>)
      %dma_wait3A_1274 = tpu.memref_slice %arg5[%add3A_1252] : memref<2048xi32, #tpu.memory_space<hbm>> -> memref<32xi32, #tpu.memory_space<hbm>>
      %dma_wait3A_1275 = tpu.memref_slice %arg5[%add3A_1252] : memref<2048xi32, #tpu.memory_space<hbm>> -> memref<32xi32, #tpu.memory_space<hbm>>
      tpu.wait_dma2 semaphore(%run_scoped3A : memref<!tpu.dma_semaphore, #tpu.memory_space<semaphore_mem>>) src(%arg11 : memref<32xi32, #tpu.memory_space<vmem>>) dst(%dma_wait3A_1275 : memref<32xi32, #tpu.memory_space<hbm>>)
      tpu.yield
    }) : () -> ()
    %dma_wait3A = arith.constant 0 : i32
    %dma_wait3A_1253 = tpu.memref_slice %arg3[%mul3A_2, %dma_wait3A] : memref<2048x1024xf32, #tpu.memory_space<hbm>> -> memref<32x1024xf32, #tpu.memory_space<hbm>>
    %dma_wait3A_1254 = arith.constant 0 : i32
    %dma_wait3A_1255 = tpu.memref_slice %arg3[%mul3A_2, %dma_wait3A_1254] : memref<2048x1024xf32, #tpu.memory_space<hbm>> -> memref<32x1024xf32, #tpu.memory_space<hbm>>
    tpu.wait_dma2 semaphore(%arg15 : memref<!tpu.dma_semaphore, #tpu.memory_space<semaphore_mem>>) src(%dma_wait3A_1255 : memref<32x1024xf32, #tpu.memory_space<hbm>>) dst(%arg13 : memref<32x1024xf32, #tpu.memory_space<vmem>>)
    %dma_start3A_1256 = arith.constant 0 : i32
    %dma_start3A_1257 = arith.constant 0 : i32
    %dma_start3A_1258 = tpu.memref_slice %arg4[%dma_start3A_1256, %dma_start3A_1257] : memref<2048x1024xf32, #tpu.memory_space<hbm>> -> memref<2048x1024xf32, #tpu.memory_space<hbm>>
    tpu.enqueue_indirect_dma source(%arg13 : memref<32x1024xf32, #tpu.memory_space<vmem>>) target(%dma_start3A_1258 : memref<2048x1024xf32, #tpu.memory_space<hbm>>) offsets(%arg10 : memref<32xi32, #tpu.memory_space<vmem>>) semaphore(%arg17 : memref<!tpu.dma_semaphore, #tpu.memory_space<semaphore_mem>>)
    %dma_wait3A_1259 = arith.constant 0 : i32
    %dma_wait3A_1260 = tpu.memref_slice %arg3[%add3A_7, %dma_wait3A_1259] : memref<2048x1024xf32, #tpu.memory_space<hbm>> -> memref<32x1024xf32, #tpu.memory_space<hbm>>
    %dma_wait3A_1261 = arith.constant 0 : i32
    %dma_wait3A_1262 = tpu.memref_slice %arg3[%add3A_7, %dma_wait3A_1261] : memref<2048x1024xf32, #tpu.memory_space<hbm>> -> memref<32x1024xf32, #tpu.memory_space<hbm>>
    tpu.wait_dma2 semaphore(%arg16 : memref<!tpu.dma_semaphore, #tpu.memory_space<semaphore_mem>>) src(%dma_wait3A_1262 : memref<32x1024xf32, #tpu.memory_space<hbm>>) dst(%arg14 : memref<32x1024xf32, #tpu.memory_space<vmem>>)
    %dma_start3A_1263 = arith.constant 0 : i32
    %dma_start3A_1264 = arith.constant 0 : i32
    %dma_start3A_1265 = tpu.memref_slice %arg4[%dma_start3A_1263, %dma_start3A_1264] : memref<2048x1024xf32, #tpu.memory_space<hbm>> -> memref<2048x1024xf32, #tpu.memory_space<hbm>>
    tpu.enqueue_indirect_dma source(%arg14 : memref<32x1024xf32, #tpu.memory_space<vmem>>) target(%dma_start3A_1265 : memref<2048x1024xf32, #tpu.memory_space<hbm>>) offsets(%arg11 : memref<32xi32, #tpu.memory_space<vmem>>) semaphore(%arg18 : memref<!tpu.dma_semaphore, #tpu.memory_space<semaphore_mem>>)
    %dma_wait3A_1266 = arith.constant 0 : i32
    %dma_wait3A_1267 = arith.constant 0 : i32
    %dma_wait3A_1268 = tpu.memref_slice %arg4[%dma_wait3A_1266, %dma_wait3A_1267] : memref<2048x1024xf32, #tpu.memory_space<hbm>> -> memref<2048x1024xf32, #tpu.memory_space<hbm>>
    tpu.wait_indirect_dma semaphore(%arg17 : memref<!tpu.dma_semaphore, #tpu.memory_space<semaphore_mem>>) src(%arg13 : memref<32x1024xf32, #tpu.memory_space<vmem>>) dst(%dma_wait3A_1268 : memref<2048x1024xf32, #tpu.memory_space<hbm>>)
    %dma_wait3A_1269 = arith.constant 0 : i32
    %dma_wait3A_1270 = arith.constant 0 : i32
    %dma_wait3A_1271 = tpu.memref_slice %arg4[%dma_wait3A_1269, %dma_wait3A_1270] : memref<2048x1024xf32, #tpu.memory_space<hbm>> -> memref<2048x1024xf32, #tpu.memory_space<hbm>>
    tpu.wait_indirect_dma semaphore(%arg18 : memref<!tpu.dma_semaphore, #tpu.memory_space<semaphore_mem>>) src(%arg14 : memref<32x1024xf32, #tpu.memory_space<vmem>>) dst(%dma_wait3A_1271 : memref<2048x1024xf32, #tpu.memory_space<hbm>>)
    return
  }
}

#map = affine_map<(d0, d1) -> (0, 0)>
#map1 = affine_map<(d0, d1) -> (0)>
module attributes {stable_mosaic.version = 14 : i64} {
  func.func @_unsort_body(%arg0: i32, %arg1: i32, %arg2: memref<2048x1024xf32, #tpu.memory_space<hbm>>, %arg3: memref<2048xi32, #tpu.memory_space<hbm>>, %arg4: memref<2048x1024xf32, #tpu.memory_space<hbm>>, %arg5: memref<32xi32, #tpu.memory_space<vmem>>, %arg6: memref<32xi32, #tpu.memory_space<vmem>>, %arg7: memref<32x1024xf32, #tpu.memory_space<vmem>>, %arg8: memref<32x1024xf32, #tpu.memory_space<vmem>>, %arg9: memref<!tpu.dma_semaphore, #tpu.memory_space<semaphore_mem>>, %arg10: memref<!tpu.dma_semaphore, #tpu.memory_space<semaphore_mem>>, %arg11: memref<!tpu.dma_semaphore, #tpu.memory_space<semaphore_mem>>, %arg12: memref<!tpu.dma_semaphore, #tpu.memory_space<semaphore_mem>>) attributes {dimension_semantics = [#tpu.dimension_semantics<core_parallel>, #tpu.dimension_semantics<subcore_parallel>], iteration_bounds = array<i64: 2, 16>, scalar_prefetch = 0 : i64, scratch_operands = 8 : i64, tpu.core_type = #tpu.core_type<sc_vector_subcore>, window_params = [{transform_indices = #map}, {transform_indices = #map1}, {transform_indices = #map}]} {
    %mul3A = arith.constant 2 : i32
    %mul3A_0 = arith.muli %arg1, %mul3A : i32
    %add3A = arith.addi %mul3A_0, %arg0 : i32
    %mul3A_1 = arith.constant 64 : i32
    %mul3A_2 = arith.muli %add3A, %mul3A_1 : i32
    "tpu.region"() ({
      %run_scoped3A = tpu.sem_alloc : memref<!tpu.dma_semaphore, #tpu.memory_space<semaphore_mem>>
      %dma_start3A_33 = tpu.memref_slice %arg3[%mul3A_2] : memref<2048xi32, #tpu.memory_space<hbm>> -> memref<32xi32, #tpu.memory_space<hbm>>
      %dma_start3A_34 = tpu.memref_slice %arg3[%mul3A_2] : memref<2048xi32, #tpu.memory_space<hbm>> -> memref<32xi32, #tpu.memory_space<hbm>>
      tpu.enqueue_dma source(%dma_start3A_34 : memref<32xi32, #tpu.memory_space<hbm>>) target(%arg5 : memref<32xi32, #tpu.memory_space<vmem>>) target_semaphore(%run_scoped3A : memref<!tpu.dma_semaphore, #tpu.memory_space<semaphore_mem>>)
      %dma_wait3A_35 = tpu.memref_slice %arg3[%mul3A_2] : memref<2048xi32, #tpu.memory_space<hbm>> -> memref<32xi32, #tpu.memory_space<hbm>>
      %dma_wait3A_36 = tpu.memref_slice %arg3[%mul3A_2] : memref<2048xi32, #tpu.memory_space<hbm>> -> memref<32xi32, #tpu.memory_space<hbm>>
      tpu.wait_dma2 semaphore(%run_scoped3A : memref<!tpu.dma_semaphore, #tpu.memory_space<semaphore_mem>>) src(%dma_wait3A_36 : memref<32xi32, #tpu.memory_space<hbm>>) dst(%arg5 : memref<32xi32, #tpu.memory_space<vmem>>)
      tpu.yield
    }) : () -> ()
    %add3A_3 = arith.constant 32 : i32
    %add3A_4 = arith.addi %mul3A_2, %add3A_3 : i32
    "tpu.region"() ({
      %run_scoped3A = tpu.sem_alloc : memref<!tpu.dma_semaphore, #tpu.memory_space<semaphore_mem>>
      %dma_start3A_33 = tpu.memref_slice %arg3[%add3A_4] : memref<2048xi32, #tpu.memory_space<hbm>> -> memref<32xi32, #tpu.memory_space<hbm>>
      %dma_start3A_34 = tpu.memref_slice %arg3[%add3A_4] : memref<2048xi32, #tpu.memory_space<hbm>> -> memref<32xi32, #tpu.memory_space<hbm>>
      tpu.enqueue_dma source(%dma_start3A_34 : memref<32xi32, #tpu.memory_space<hbm>>) target(%arg6 : memref<32xi32, #tpu.memory_space<vmem>>) target_semaphore(%run_scoped3A : memref<!tpu.dma_semaphore, #tpu.memory_space<semaphore_mem>>)
      %dma_wait3A_35 = tpu.memref_slice %arg3[%add3A_4] : memref<2048xi32, #tpu.memory_space<hbm>> -> memref<32xi32, #tpu.memory_space<hbm>>
      %dma_wait3A_36 = tpu.memref_slice %arg3[%add3A_4] : memref<2048xi32, #tpu.memory_space<hbm>> -> memref<32xi32, #tpu.memory_space<hbm>>
      tpu.wait_dma2 semaphore(%run_scoped3A : memref<!tpu.dma_semaphore, #tpu.memory_space<semaphore_mem>>) src(%dma_wait3A_36 : memref<32xi32, #tpu.memory_space<hbm>>) dst(%arg6 : memref<32xi32, #tpu.memory_space<vmem>>)
      tpu.yield
    }) : () -> ()
    %dma_start3A = arith.constant 0 : i32
    %dma_start3A_5 = arith.constant 0 : i32
    %dma_start3A_6 = tpu.memref_slice %arg2[%dma_start3A, %dma_start3A_5] : memref<2048x1024xf32, #tpu.memory_space<hbm>> -> memref<2048x1024xf32, #tpu.memory_space<hbm>>
    tpu.enqueue_indirect_dma source(%dma_start3A_6 : memref<2048x1024xf32, #tpu.memory_space<hbm>>) target(%arg7 : memref<32x1024xf32, #tpu.memory_space<vmem>>) offsets(%arg5 : memref<32xi32, #tpu.memory_space<vmem>>) semaphore(%arg9 : memref<!tpu.dma_semaphore, #tpu.memory_space<semaphore_mem>>)
    %dma_start3A_7 = arith.constant 0 : i32
    %dma_start3A_8 = arith.constant 0 : i32
    %dma_start3A_9 = tpu.memref_slice %arg2[%dma_start3A_7, %dma_start3A_8] : memref<2048x1024xf32, #tpu.memory_space<hbm>> -> memref<2048x1024xf32, #tpu.memory_space<hbm>>
    tpu.enqueue_indirect_dma source(%dma_start3A_9 : memref<2048x1024xf32, #tpu.memory_space<hbm>>) target(%arg8 : memref<32x1024xf32, #tpu.memory_space<vmem>>) offsets(%arg6 : memref<32xi32, #tpu.memory_space<vmem>>) semaphore(%arg10 : memref<!tpu.dma_semaphore, #tpu.memory_space<semaphore_mem>>)
    %dma_wait3A = arith.constant 0 : i32
    %dma_wait3A_10 = arith.constant 0 : i32
    %dma_wait3A_11 = tpu.memref_slice %arg2[%dma_wait3A, %dma_wait3A_10] : memref<2048x1024xf32, #tpu.memory_space<hbm>> -> memref<2048x1024xf32, #tpu.memory_space<hbm>>
    tpu.wait_indirect_dma semaphore(%arg9 : memref<!tpu.dma_semaphore, #tpu.memory_space<semaphore_mem>>) src(%dma_wait3A_11 : memref<2048x1024xf32, #tpu.memory_space<hbm>>) dst(%arg7 : memref<32x1024xf32, #tpu.memory_space<vmem>>)
    %dma_start3A_12 = arith.constant 0 : i32
    %dma_start3A_13 = tpu.memref_slice %arg4[%mul3A_2, %dma_start3A_12] : memref<2048x1024xf32, #tpu.memory_space<hbm>> -> memref<32x1024xf32, #tpu.memory_space<hbm>>
    %dma_start3A_14 = arith.constant 0 : i32
    %dma_start3A_15 = tpu.memref_slice %arg4[%mul3A_2, %dma_start3A_14] : memref<2048x1024xf32, #tpu.memory_space<hbm>> -> memref<32x1024xf32, #tpu.memory_space<hbm>>
    tpu.enqueue_dma source(%arg7 : memref<32x1024xf32, #tpu.memory_space<vmem>>) target(%dma_start3A_15 : memref<32x1024xf32, #tpu.memory_space<hbm>>) target_semaphore(%arg11 : memref<!tpu.dma_semaphore, #tpu.memory_space<semaphore_mem>>)
    %dma_wait3A_16 = arith.constant 0 : i32
    %dma_wait3A_17 = arith.constant 0 : i32
    %dma_wait3A_18 = tpu.memref_slice %arg2[%dma_wait3A_16, %dma_wait3A_17] : memref<2048x1024xf32, #tpu.memory_space<hbm>> -> memref<2048x1024xf32, #tpu.memory_space<hbm>>
    tpu.wait_indirect_dma semaphore(%arg10 : memref<!tpu.dma_semaphore, #tpu.memory_space<semaphore_mem>>) src(%dma_wait3A_18 : memref<2048x1024xf32, #tpu.memory_space<hbm>>) dst(%arg8 : memref<32x1024xf32, #tpu.memory_space<vmem>>)
    %add3A_19 = arith.constant 32 : i32
    %add3A_20 = arith.addi %mul3A_2, %add3A_19 : i32
    %dma_start3A_21 = arith.constant 0 : i32
    %dma_start3A_22 = tpu.memref_slice %arg4[%add3A_20, %dma_start3A_21] : memref<2048x1024xf32, #tpu.memory_space<hbm>> -> memref<32x1024xf32, #tpu.memory_space<hbm>>
    %dma_start3A_23 = arith.constant 0 : i32
    %dma_start3A_24 = tpu.memref_slice %arg4[%add3A_20, %dma_start3A_23] : memref<2048x1024xf32, #tpu.memory_space<hbm>> -> memref<32x1024xf32, #tpu.memory_space<hbm>>
    tpu.enqueue_dma source(%arg8 : memref<32x1024xf32, #tpu.memory_space<vmem>>) target(%dma_start3A_24 : memref<32x1024xf32, #tpu.memory_space<hbm>>) target_semaphore(%arg12 : memref<!tpu.dma_semaphore, #tpu.memory_space<semaphore_mem>>)
    %dma_wait3A_25 = arith.constant 0 : i32
    %dma_wait3A_26 = tpu.memref_slice %arg4[%mul3A_2, %dma_wait3A_25] : memref<2048x1024xf32, #tpu.memory_space<hbm>> -> memref<32x1024xf32, #tpu.memory_space<hbm>>
    %dma_wait3A_27 = arith.constant 0 : i32
    %dma_wait3A_28 = tpu.memref_slice %arg4[%mul3A_2, %dma_wait3A_27] : memref<2048x1024xf32, #tpu.memory_space<hbm>> -> memref<32x1024xf32, #tpu.memory_space<hbm>>
    tpu.wait_dma2 semaphore(%arg11 : memref<!tpu.dma_semaphore, #tpu.memory_space<semaphore_mem>>) src(%arg7 : memref<32x1024xf32, #tpu.memory_space<vmem>>) dst(%dma_wait3A_28 : memref<32x1024xf32, #tpu.memory_space<hbm>>)
    %dma_wait3A_29 = arith.constant 0 : i32
    %dma_wait3A_30 = tpu.memref_slice %arg4[%add3A_20, %dma_wait3A_29] : memref<2048x1024xf32, #tpu.memory_space<hbm>> -> memref<32x1024xf32, #tpu.memory_space<hbm>>
    %dma_wait3A_31 = arith.constant 0 : i32
    %dma_wait3A_32 = tpu.memref_slice %arg4[%add3A_20, %dma_wait3A_31] : memref<2048x1024xf32, #tpu.memory_space<hbm>> -> memref<32x1024xf32, #tpu.memory_space<hbm>>
    tpu.wait_dma2 semaphore(%arg12 : memref<!tpu.dma_semaphore, #tpu.memory_space<semaphore_mem>>) src(%arg8 : memref<32x1024xf32, #tpu.memory_space<vmem>>) dst(%dma_wait3A_32 : memref<32x1024xf32, #tpu.memory_space<hbm>>)
    return
  }
}

module attributes {stable_mosaic.version = 14 : i64} {
  func.func @_gemm_body(%arg0: i32, %arg1: memref<16xi32, #tpu.memory_space<smem>>, %arg2: memref<2048x1024xf32, #tpu.memory_space<vmem>>, %arg3: memref<1x1024x1024xf32, #tpu.memory_space<vmem>>, %arg4: memref<1x1x1024xf32, #tpu.memory_space<vmem>>, %arg5: memref<2048x1024xf32, #tpu.memory_space<vmem>>) attributes {dimension_semantics = [#tpu.dimension_semantics<arbitrary>], iteration_bounds = array<i64: 8>, scalar_prefetch = 1 : i64, scratch_operands = 0 : i64, tpu.core_type = #tpu.core_type<tc>, window_params = [{pipeline_mode = #tpu.pipeline_mode<synchronous>, transform_indices = @transform_0, window_bounds = array<i64: 2048, 1024>}, {transform_indices = @transform_1, window_bounds = array<i64: 1, 1024, 1024>}, {transform_indices = @transform_2, window_bounds = array<i64: 1, 1, 1024>}, {pipeline_mode = #tpu.pipeline_mode<synchronous>, transform_indices = @transform_3, window_bounds = array<i64: 2048, 1024>}]} {
    %get3A = arith.index_cast %arg0 : i32 to index
    %get3A_0 = memref.load %arg1[%get3A] : memref<16xi32, #tpu.memory_space<smem>>
    %add3A = arith.constant 1 : i32
    %add3A_1 = arith.addi %arg0, %add3A : i32
    %lt3A = arith.constant 8 : i32
    %lt3A_2 = arith.cmpi slt, %add3A_1, %lt3A : i32
    %add3A_3 = arith.constant 1 : i32
    %add3A_4 = arith.addi %arg0, %add3A_3 : i32
    %get3A_5 = arith.index_cast %add3A_4 : i32 to index
    %get3A_6 = memref.load %arg1[%get3A_5] : memref<16xi32, #tpu.memory_space<smem>>
    %select_n3A = arith.constant 2048 : i32
    %select_n3A_7 = arith.select %lt3A_2, %get3A_6, %select_n3A : i32
    %and3A = arith.constant -8 : i32
    %and3A_8 = arith.andi %get3A_0, %and3A : i32
    %gt3A = arith.cmpi sgt, %select_n3A_7, %get3A_0 : i32
    %sub3A = arith.subi %select_n3A_7, %and3A_8 : i32
    %add3A_9 = arith.constant 256 : i32
    %add3A_10 = arith.addi %sub3A, %add3A_9 : i32
    %sub3A_11 = arith.constant 1 : i32
    %sub3A_12 = arith.subi %add3A_10, %sub3A_11 : i32
    %jit3A = arith.constant 256 : i32
    %div3A = arith.divsi %sub3A_12, %jit3A : i32
    %sign3A = arith.constant 0 : i32
    %sign3A_13 = arith.cmpi sgt, %sub3A_12, %sign3A : i32
    %sign3A_14 = arith.extui %sign3A_13 : i1 to i32
    %sign3A_15 = arith.constant 0 : i32
    %sign3A_16 = arith.cmpi slt, %sub3A_12, %sign3A_15 : i32
    %sign3A_17 = arith.extui %sign3A_16 : i1 to i32
    %sign3A_18 = arith.subi %sign3A_14, %sign3A_17 : i32
    %sign3A_19 = arith.constant 0 : i32
    %sign3A_20 = arith.cmpi sgt, %jit3A, %sign3A_19 : i32
    %sign3A_21 = arith.extui %sign3A_20 : i1 to i32
    %sign3A_22 = arith.constant 0 : i32
    %sign3A_23 = arith.cmpi slt, %jit3A, %sign3A_22 : i32
    %sign3A_24 = arith.extui %sign3A_23 : i1 to i32
    %sign3A_25 = arith.subi %sign3A_21, %sign3A_24 : i32
    %ne3A = arith.cmpi ne, %sign3A_18, %sign3A_25 : i32
    %rem3A = arith.remsi %sub3A_12, %jit3A : i32
    %ne3A_26 = arith.constant 0 : i32
    %ne3A_27 = arith.cmpi ne, %rem3A, %ne3A_26 : i32
    %and3A_28 = arith.andi %ne3A, %ne3A_27 : i1
    %sub3A_29 = arith.constant 1 : i32
    %sub3A_30 = arith.subi %div3A, %sub3A_29 : i32
    %select_n3A_31 = arith.select %and3A_28, %sub3A_30, %div3A : i32
    %select_n3A_32 = arith.constant 0 : i32
    %select_n3A_33 = arith.select %gt3A, %select_n3A_31, %select_n3A_32 : i32
    %while3A = arith.constant 0 : i32
    %while3A_34 = arith.constant 0 : i32
    %while3A_35 = arith.subi %select_n3A_33, %while3A_34 : i32
    %while3A_36 = arith.addi %while3A_34, %while3A_35 : i32
    %while3A_37 = arith.constant 1 : i32
    %while3A_38 = arith.divsi %while3A_35, %while3A_37 : i32
    %while3A_39 = arith.muli %while3A_38, %while3A_37 : i32
    %while3A_40 = arith.addi %while3A_34, %while3A_39 : i32
    %while3A_41 = arith.constant 1 : i32
    scf.for %while3A_43 = %while3A_34 to %while3A_40 step %while3A_41  : i32 {
      %mul3A = arith.constant 256 : i32
      %mul3A_44 = arith.muli %while3A_43, %mul3A : i32
      %add3A_45 = arith.addi %and3A_8, %mul3A_44 : i32
      %min3A = arith.constant 1792 : i32
      %min3A_46 = arith.minsi %add3A_45, %min3A : i32
      %multiple_of3A = tpu.assume_multiple %min3A_46, 8 : i32
      %get3A_47 = arith.index_cast %multiple_of3A : i32 to index
      %get3A_48 = arith.constant 0 : index
      %get3A_49 = vector.load %arg2[%get3A_47, %get3A_48] : memref<2048x1024xf32, #tpu.memory_space<vmem>>, vector<256x1024xf32>
      %get3A_50 = arith.constant 0 : index
      %get3A_51 = arith.constant 0 : index
      %get3A_52 = arith.constant 0 : index
      %get3A_53 = vector.load %arg3[%get3A_50, %get3A_51, %get3A_52] : memref<1x1024x1024xf32, #tpu.memory_space<vmem>>, vector<1x1024x1024xf32>
      %get3A_54 = vector.shape_cast %get3A_53 : vector<1x1024x1024xf32> to vector<1024x1024xf32>
      %dot_general3A = arith.constant dense<0.000000e+00> : vector<256x1024xf32>
      %dot_general3A_55 = tpu.matmul %get3A_49, %get3A_54, %dot_general3A {dimension_numbers = #tpu.dot_dimension_numbers<[1], [0], [0], [1], [0, 0, 1, 1], [], []>, transpose_lhs_hint = false} : vector<256x1024xf32>, vector<1024x1024xf32>, vector<256x1024xf32> -> vector<256x1024xf32>
      %get3A_56 = arith.constant 0 : index
      %get3A_57 = arith.constant 0 : index
      %get3A_58 = arith.constant 0 : index
      %get3A_59 = vector.load %arg4[%get3A_56, %get3A_57, %get3A_58] : memref<1x1x1024xf32, #tpu.memory_space<vmem>>, vector<1x1x1024xf32>
      %get3A_60 = vector.shape_cast %get3A_59 : vector<1x1x1024xf32> to vector<1x1024xf32>
      %add3A_61 = vector.broadcast %get3A_60 : vector<1x1024xf32> to vector<256x1024xf32>
      %add3A_62 = arith.addf %dot_general3A_55, %add3A_61 : vector<256x1024xf32>
      %ge3A = arith.cmpi sge, %multiple_of3A, %get3A_0 : i32
      %add3A_63 = arith.constant 256 : i32
      %add3A_64 = arith.addi %multiple_of3A, %add3A_63 : i32
      %le3A = arith.cmpi sle, %add3A_64, %select_n3A_7 : i32
      %and3A_65 = arith.andi %ge3A, %le3A : i1
      %convert_element_type3A = arith.extui %and3A_65 : i1 to i32
      %cond3A = arith.constant 0 : i32
      %cond3A_66 = arith.cmpi ne, %convert_element_type3A, %cond3A : i32
      scf.if %cond3A_66 {
        %swap3A = arith.index_cast %multiple_of3A : i32 to index
        %swap3A_71 = arith.constant 0 : index
        %swap3A_72 = vector.load %arg5[%swap3A, %swap3A_71] : memref<2048x1024xf32, #tpu.memory_space<vmem>>, vector<256x1024xf32>
        tpu.vector_store %arg5[%swap3A, %swap3A_71], %add3A_62 {strides = array<i32>} : memref<2048x1024xf32, #tpu.memory_space<vmem>>, vector<256x1024xf32>,
      } else {
      }
      %not3A = arith.constant true
      %not3A_67 = arith.xori %and3A_65, %not3A : i1
      %convert_element_type3A_68 = arith.extui %not3A_67 : i1 to i32
      %cond3A_69 = arith.constant 0 : i32
      %cond3A_70 = arith.cmpi ne, %convert_element_type3A_68, %cond3A_69 : i32
      scf.if %cond3A_70 {
        %iota3A = tpu.iota {dimensions = array<i32: 0>} : vector<256x1xi32>
        %add3A_71 = vector.broadcast %multiple_of3A : i32 to vector<256x1xi32>
        %add3A_72 = arith.addi %add3A_71, %iota3A : vector<256x1xi32>
        %ge3A_73 = vector.broadcast %get3A_0 : i32 to vector<256x1xi32>
        %ge3A_74 = arith.cmpi sge, %add3A_72, %ge3A_73 : vector<256x1xi32>
        %lt3A_75 = vector.broadcast %select_n3A_7 : i32 to vector<256x1xi32>
        %lt3A_76 = arith.cmpi slt, %add3A_72, %lt3A_75 : vector<256x1xi32>
        %and3A_77 = arith.andi %ge3A_74, %lt3A_76 : vector<256x1xi1>
        %get3A_78 = arith.index_cast %multiple_of3A : i32 to index
        %get3A_79 = arith.constant 0 : index
        %get3A_80 = vector.load %arg5[%get3A_78, %get3A_79] : memref<2048x1024xf32, #tpu.memory_space<vmem>>, vector<256x1024xf32>
        %broadcast_in_dim3A = vector.shape_cast %and3A_77 : vector<256x1xi1> to vector<256x1xi1>
        %broadcast_in_dim3A_81 = vector.broadcast %broadcast_in_dim3A : vector<256x1xi1> to vector<256x1024xi1>
        %select_n3A_82 = arith.select %broadcast_in_dim3A_81, %add3A_62, %get3A_80 : vector<256x1024xi1>, vector<256x1024xf32>
        %swap3A = arith.index_cast %multiple_of3A : i32 to index
        %swap3A_83 = arith.constant 0 : index
        %swap3A_84 = vector.load %arg5[%swap3A, %swap3A_83] : memref<2048x1024xf32, #tpu.memory_space<vmem>>, vector<256x1024xf32>
        tpu.vector_store %arg5[%swap3A, %swap3A_83], %select_n3A_82 {strides = array<i32>} : memref<2048x1024xf32, #tpu.memory_space<vmem>>, vector<256x1024xf32>,
      } else {
      }
    }
    %while3A_42 = arith.constant 1 : i32
    scf.for %while3A_43 = %while3A_40 to %while3A_36 step %while3A_42  : i32 {
      %mul3A = arith.constant 256 : i32
      %mul3A_44 = arith.muli %while3A_43, %mul3A : i32
      %add3A_45 = arith.addi %and3A_8, %mul3A_44 : i32
      %min3A = arith.constant 1792 : i32
      %min3A_46 = arith.minsi %add3A_45, %min3A : i32
      %multiple_of3A = tpu.assume_multiple %min3A_46, 8 : i32
      %get3A_47 = arith.index_cast %multiple_of3A : i32 to index
      %get3A_48 = arith.constant 0 : index
      %get3A_49 = vector.load %arg2[%get3A_47, %get3A_48] : memref<2048x1024xf32, #tpu.memory_space<vmem>>, vector<256x1024xf32>
      %get3A_50 = arith.constant 0 : index
      %get3A_51 = arith.constant 0 : index
      %get3A_52 = arith.constant 0 : index
      %get3A_53 = vector.load %arg3[%get3A_50, %get3A_51, %get3A_52] : memref<1x1024x1024xf32, #tpu.memory_space<vmem>>, vector<1x1024x1024xf32>
      %get3A_54 = vector.shape_cast %get3A_53 : vector<1x1024x1024xf32> to vector<1024x1024xf32>
      %dot_general3A = arith.constant dense<0.000000e+00> : vector<256x1024xf32>
      %dot_general3A_55 = tpu.matmul %get3A_49, %get3A_54, %dot_general3A {dimension_numbers = #tpu.dot_dimension_numbers<[1], [0], [0], [1], [0, 0, 1, 1], [], []>, transpose_lhs_hint = false} : vector<256x1024xf32>, vector<1024x1024xf32>, vector<256x1024xf32> -> vector<256x1024xf32>
      %get3A_56 = arith.constant 0 : index
      %get3A_57 = arith.constant 0 : index
      %get3A_58 = arith.constant 0 : index
      %get3A_59 = vector.load %arg4[%get3A_56, %get3A_57, %get3A_58] : memref<1x1x1024xf32, #tpu.memory_space<vmem>>, vector<1x1x1024xf32>
      %get3A_60 = vector.shape_cast %get3A_59 : vector<1x1x1024xf32> to vector<1x1024xf32>
      %add3A_61 = vector.broadcast %get3A_60 : vector<1x1024xf32> to vector<256x1024xf32>
      %add3A_62 = arith.addf %dot_general3A_55, %add3A_61 : vector<256x1024xf32>
      %ge3A = arith.cmpi sge, %multiple_of3A, %get3A_0 : i32
      %add3A_63 = arith.constant 256 : i32
      %add3A_64 = arith.addi %multiple_of3A, %add3A_63 : i32
      %le3A = arith.cmpi sle, %add3A_64, %select_n3A_7 : i32
      %and3A_65 = arith.andi %ge3A, %le3A : i1
      %convert_element_type3A = arith.extui %and3A_65 : i1 to i32
      %cond3A = arith.constant 0 : i32
      %cond3A_66 = arith.cmpi ne, %convert_element_type3A, %cond3A : i32
      scf.if %cond3A_66 {
        %swap3A = arith.index_cast %multiple_of3A : i32 to index
        %swap3A_71 = arith.constant 0 : index
        %swap3A_72 = vector.load %arg5[%swap3A, %swap3A_71] : memref<2048x1024xf32, #tpu.memory_space<vmem>>, vector<256x1024xf32>
        tpu.vector_store %arg5[%swap3A, %swap3A_71], %add3A_62 {strides = array<i32>} : memref<2048x1024xf32, #tpu.memory_space<vmem>>, vector<256x1024xf32>,
      } else {
      }
      %not3A = arith.constant true
      %not3A_67 = arith.xori %and3A_65, %not3A : i1
      %convert_element_type3A_68 = arith.extui %not3A_67 : i1 to i32
      %cond3A_69 = arith.constant 0 : i32
      %cond3A_70 = arith.cmpi ne, %convert_element_type3A_68, %cond3A_69 : i32
      scf.if %cond3A_70 {
        %iota3A = tpu.iota {dimensions = array<i32: 0>} : vector<256x1xi32>
        %add3A_71 = vector.broadcast %multiple_of3A : i32 to vector<256x1xi32>
        %add3A_72 = arith.addi %add3A_71, %iota3A : vector<256x1xi32>
        %ge3A_73 = vector.broadcast %get3A_0 : i32 to vector<256x1xi32>
        %ge3A_74 = arith.cmpi sge, %add3A_72, %ge3A_73 : vector<256x1xi32>
        %lt3A_75 = vector.broadcast %select_n3A_7 : i32 to vector<256x1xi32>
        %lt3A_76 = arith.cmpi slt, %add3A_72, %lt3A_75 : vector<256x1xi32>
        %and3A_77 = arith.andi %ge3A_74, %lt3A_76 : vector<256x1xi1>
        %get3A_78 = arith.index_cast %multiple_of3A : i32 to index
        %get3A_79 = arith.constant 0 : index
        %get3A_80 = vector.load %arg5[%get3A_78, %get3A_79] : memref<2048x1024xf32, #tpu.memory_space<vmem>>, vector<256x1024xf32>
        %broadcast_in_dim3A = vector.shape_cast %and3A_77 : vector<256x1xi1> to vector<256x1xi1>
        %broadcast_in_dim3A_81 = vector.broadcast %broadcast_in_dim3A : vector<256x1xi1> to vector<256x1024xi1>
        %select_n3A_82 = arith.select %broadcast_in_dim3A_81, %add3A_62, %get3A_80 : vector<256x1024xi1>, vector<256x1024xf32>
        %swap3A = arith.index_cast %multiple_of3A : i32 to index
        %swap3A_83 = arith.constant 0 : index
        %swap3A_84 = vector.load %arg5[%swap3A, %swap3A_83] : memref<2048x1024xf32, #tpu.memory_space<vmem>>, vector<256x1024xf32>
        tpu.vector_store %arg5[%swap3A, %swap3A_83], %select_n3A_82 {strides = array<i32>} : memref<2048x1024xf32, #tpu.memory_space<vmem>>, vector<256x1024xf32>,
      } else {
      }
    }
    return
  }
  func.func @transform_0(%arg0: i32, %arg1: memref<16xi32, #tpu.memory_space<smem>>) -> (i32, i32) {
    %c0_i32 = arith.constant 0 : i32
    %c0_i32_0 = arith.constant 0 : i32
    %c0_i32_1 = arith.constant 0 : i32
    return %c0_i32, %c0_i32_0 : i32, i32
  }
  func.func @transform_1(%arg0: i32, %arg1: memref<16xi32, #tpu.memory_space<smem>>) -> (i32, i32, i32) {
    %c0_i32 = arith.constant 0 : i32
    %c0_i32_0 = arith.constant 0 : i32
    %c0_i32_1 = arith.constant 0 : i32
    return %arg0, %c0_i32, %c0_i32_0 : i32, i32, i32
  }
  func.func @transform_2(%arg0: i32, %arg1: memref<16xi32, #tpu.memory_space<smem>>) -> (i32, i32, i32) {
    %c0_i32 = arith.constant 0 : i32
    %c0_i32_0 = arith.constant 0 : i32
    %c0_i32_1 = arith.constant 0 : i32
    return %arg0, %c0_i32, %c0_i32_0 : i32, i32, i32
  }
  func.func @transform_3(%arg0: i32, %arg1: memref<16xi32, #tpu.memory_space<smem>>) -> (i32, i32) {
    %c0_i32 = arith.constant 0 : i32
    %c0_i32_0 = arith.constant 0 : i32
    %c0_i32_1 = arith.constant 0 : i32
    return %c0_i32, %c0_i32_0 : i32, i32
  }
}

</mosaic_0001>

<sc_bundles>
// kernel: kernel.5.cloned.1.call-start
scs
__scs_entry_jumppad:
0x0: {  	(pc) =	sbr.rel $0x88, $3  }
0x1: {  	(tag) =	ssettag $0x0;
	lr =	simm.s32 $0x1  }
0x2: {  	[smem:$0x3F9D] =	sst lr;
	_ =	strace $0xD0000000  }
0x3: {  	_ = 	snop  }
0x4: {  	_ = 	snop  }
0x5: {  	_ = 	snop  }
0x6: {  	_ = 	snop  }
0x7: {  	_ = 	snop  }
__scs_overlays_trampoline_lowered:
0x8: {  	[smem:$0x3FAC] =	sst s0  }
0x9: {  	[smem:$0x3FAD] =	sst s1  }
0xa: {  	[smem:$0x3FAE] =	sst s2  }
0xb: {  	[smem:$0x3FAF] =	sst s3  }
0xc: {  	[smem:$0x3FB0] =	sst s4  }
0xd: {  	[smem:$0x3FB1] =	sst s5  }
0xe: {  	[smem:$0x3FB2] =	sst s6  }
0xf: {  	[smem:$0x3FB3] =	sst s7  }
0x10: {  	[smem:$0x3FB4] =	sst s8  }
0x11: {  	[smem:$0x3FB5] =	sst s9;
	s0 =	simm.s32 @!p0 $0x0  }
0x12: {  	s1 =	sld [smem:$0x3F9B];
	s0 =	simm.s32 @p0 $0x1  }
0x13: {  	[smem:$0x3FB6] =	sst s0;
	s0 =	simm.s32 @!p1 $0x0  }
0x14: {  	s2 =	sld [smem:$0x3F9A];
	s0 =	simm.s32 @p1 $0x1  }
0x15: {  	[smem:$0x3FB7] =	sst s0;
	s0 =	simm.s32 @!p2 $0x0  }
0x16: {  	s3 =	sld [smem:$0x3FDB];
	s0 =	simm.s32 @p2 $0x1  }
0x17: {  	s4 =	simm.s32 $0x1BF5;
	[smem:$0x3FB9] =	sst s0  }
0x18: {  	s0 =	sld [smem:$0x3F9C];
	_ =	swait.ge [sflag:s4], $0x0  }
0x19: {  	s7 =	sld [smem:$0x3F9D]  }
0x1a: {  	s8 =	sadd.s32 $0xFFFFE003, lr  }
0x1b: {  	s9 =	sadd.s32 $0xFFFFFEF7, lr;
	s5 =	simm.s32 $0xFFFFFFFF;
	p2 =	slt.u32 s8, $0xFFFFF086  }
0x1c: {  	p1 =	slt.u32 s9, $0xF7A;
	s5 =	simm.s32 @!p2 $0x0  }
0x1d: {  	s5 =	simm.s32 @p1 $0x1;
	p0 =	seq.s32 s7, s2  }
0x1e: {  	s7 =	smul.u32 @!p0 $0xF7A, s2;
	p2 =	seq.s32 @!p0 s5, $0x0  }
0x1f: {  	s9 =	smul.u32 $0xF7A, s1;
	s8 =	simm.s32 @!p0 $0x1BF5;
	p2 =	por !p2, p0  }
0x20: {  	[sflag:s8] =	ssyncset.s32 @!p0 $0xFFFFF086;
	s6 =	sadd.s32 @!p0 s3, s7;
	s7 =	simm.s32 @!p0 $0x108  }
0x21: {  	s3 =	sadd.s32 s3, s9;
	s6 =	sadd.s32 @!p0 $0x88, s6;
	s7 =	simm.s32 @p2 $0x1082  }
0x22: {  	[simem:s7], [sflag:s8] =	dma.local @!p0 [hbm:s6], $0xF7A  }
0x23: {  	s9 =	sor.u32 $0xD0000000, s2;
	s6 =	simm.s32 $0x108;
	_ =	swait.ge @!p0 [sflag:s8], $0x0  }
0x24: {  	s3 =	sadd.s32 $0x88, s3;
	s6 =	simm.s32 @!p1 $0x1082;
	[sflag:s4] =	ssyncset.s32 $0xFFFFF086  }
0x25: {  	[simem:s6], [sflag:s4] =	dma.local [hbm:s3], $0xF7A  }
0x26: {  	[smem:$0x3F9D] =	sst s1;
	(tag) =	ssettag s2;
	_ =	strace s9  }
0x27: {  	s1 =	sld [smem:$0x3FAD]  }
0x28: {  	s2 =	sld [smem:$0x3FAE]  }
0x29: {  	s4 =	sld [smem:$0x3FB0]  }
0x2a: {  	p0 =	seq.s32 s5, $0x0;
	s5 =	sld [smem:$0x3FB1]  }
0x2b: {  	s6 =	sld [smem:$0x3FB2]  }
0x2c: {  	s7 =	sld [smem:$0x3FB3]  }
0x2d: {  	s3 =	simm.s32 $0x108;
	s8 =	sld [smem:$0x3FB4]  }
0x2e: {  	s3 =	simm.s32 @!p0 $0x1082;
	s9 =	sld [smem:$0x3FB5]  }
0x2f: {  	lr =	sadd.s32 s0, s3;
	s0 =	sld [smem:$0x3FAC]  }
0x30: {  	s3 =	sld [smem:$0x3FAF]  }
0x31: {  	[smem:$0x3FB8] =	sst s10  }
0x32: {  	s10 =	sld [smem:$0x3FB6];
	_ =	sdelay $0x3  }
0x33: {  	p0 =	seq.s32 s10, $0x1;
	s10 =	sld [smem:$0x3FB8];
	_ =	sdelay $0x3  }
0x34: {  	[smem:$0x3FB8] =	sst s10  }
0x35: {  	s10 =	sld [smem:$0x3FB7];
	_ =	sdelay $0x3  }
0x36: {  	p1 =	seq.s32 s10, $0x1;
	s10 =	sld [smem:$0x3FB8];
	_ =	sdelay $0x3  }
0x37: {  	[smem:$0x3FB8] =	sst s10  }
0x38: {  	s10 =	sld [smem:$0x3FB9]  }
0x39: {  	_ = 	snop;
	(pc) =	sbr.ind lr, $3  }
0x3a: {  	_ = 	snop  }
0x3b: {  	_ = 	snop  }
0x3c: {  	p2 =	seq.s32 s10, $0x1;
	s10 =	sld [smem:$0x3FB8]  }
0x3d: {  	_ =	shalt  }
0x3e: {  	_ =	shalt  }
0x3f: {  	_ =	shalt  }
0x40: {  	_ =	shalt  }
0x41: {  	_ =	shalt  }
0x42: {  	_ =	shalt  }
0x43: {  	_ =	shalt  }
0x44: {  	_ =	shalt  }
0x45: {  	_ =	shalt  }
0x46: {  	_ =	shalt  }
0x47: {  	_ =	shalt  }
0x48: {  	_ =	shalt  }
0x49: {  	_ =	shalt  }
0x4a: {  	_ =	shalt  }
0x4b: {  	_ =	shalt  }
0x4c: {  	_ =	shalt  }
0x4d: {  	_ =	shalt  }
0x4e: {  	_ =	shalt  }
0x4f: {  	_ =	shalt  }
0x50: {  	_ =	shalt  }
0x51: {  	_ =	shalt  }
0x52: {  	_ =	shalt  }
0x53: {  	_ =	shalt  }
0x54: {  	_ =	shalt  }
0x55: {  	_ =	shalt  }
0x56: {  	_ =	shalt  }
0x57: {  	_ =	shalt  }
0x58: {  	_ =	shalt  }
0x59: {  	_ =	shalt  }
0x5a: {  	_ =	shalt  }
0x5b: {  	_ =	shalt  }
0x5c: {  	_ =	shalt  }
0x5d: {  	_ =	shalt  }
0x5e: {  	_ =	shalt  }
0x5f: {  	_ =	shalt  }
0x60: {  	_ =	shalt  }
0x61: {  	_ =	shalt  }
0x62: {  	_ =	shalt  }
0x63: {  	_ =	shalt  }
0x64: {  	_ =	shalt  }
0x65: {  	_ =	shalt  }
0x66: {  	_ =	shalt  }
0x67: {  	_ =	shalt  }
0x68: {  	_ =	shalt  }
0x69: {  	_ =	shalt  }
0x6a: {  	_ =	shalt  }
0x6b: {  	_ =	shalt  }
0x6c: {  	_ =	shalt  }
0x6d: {  	_ =	shalt  }
0x6e: {  	_ =	shalt  }
0x6f: {  	_ =	shalt  }
0x70: {  	_ =	shalt  }
0x71: {  	_ =	shalt  }
0x72: {  	_ =	shalt  }
0x73: {  	_ =	shalt  }
0x74: {  	_ =	shalt  }
0x75: {  	_ =	shalt  }
0x76: {  	_ =	shalt  }
0x77: {  	_ =	shalt  }
0x78: {  	_ =	shalt  }
0x79: {  	_ =	shalt  }
0x7a: {  	_ =	shalt  }
0x7b: {  	_ =	shalt  }
0x7c: {  	_ =	shalt  }
0x7d: {  	_ =	shalt  }
0x7e: {  	_ =	shalt  }
0x7f: {  	_ =	shalt  }
0x80: {  	_ =	shalt  }
0x81: {  	_ =	shalt  }
0x82: {  	_ =	shalt  }
0x83: {  	_ =	shalt  }
0x84: {  	_ =	shalt  }
0x85: {  	_ =	shalt  }
0x86: {  	_ =	shalt  }
0x87: {  	_ =	shalt  }
.Lfunc_end0:
.L_simem_size_0:
called_computation_lowered:
.L_overlay_start_0:
0x88: {  	s2 =	sld [smem:$0x3FD9]  }
0x89: {  	s3 =	sld [smem:$0x3FFE];
	_ =	sdelay $0x1  }
0x8a: {  	s1 =	srdreg.scid  }
0x8b: {  	s0 =	sand.u32 $0x1, s1  }
0x8c: {  	s14 =	sshll.u32 s0, $0xA;
	s2 =	sadd.s32 s3, s2  }
0x8d: {  	s2 =	sadd.s32 s2, s14  }
0x8e: {  	[smem:$0x3FC4] =	sst s2  }
0x8f: {  	_ = 	snop  }
0x90: {  	s2 =	sld [smem:$0x3FD0];
	_ =	sdelay $0x1  }
0x91: {  	s15 =	sld [smem:$0x3FC9]  }
0x92: {  	s5 =	simm.s32 $0xA;
	s6 =	simm.s32 $0x10;
	s4 =	sld [smem:$0x3FC8]  }
0x93: {  	[smem:s6], [sflag:s5] =	dma.local [hbm:s2], $0x1  }
0x94: {  	_ =	swait.eq [sflag:s5], $0x1  }
0x95: {  	[sflag:s5] =	ssyncset.done $0x0  }
0x96: {  	s16 =	sld [smem:$0x10];
	[sflag:s5] =	ssyncadd.s32 $0xFFFFFFFF  }
0x97: {  	s17 =	sld [smem:$0x11];
	(tm) =	ssettm $0x1  }
0x98: {  	s18 =	sld [smem:$0x3FFB];
	_ =	sdelay $0x3  }
0x99: {  	_ =	strace s18  }
0x9a: {  	s6 =	sld [smem:$0x3FFC];
	_ =	sdelay $0x3  }
0x9b: {  	_ =	strace s6  }
0x9c: {  	s6 =	sld [smem:$0x3FFD];
	_ =	sdelay $0x3  }
0x9d: {  	_ =	strace s6  }
0x9e: {  	_ =	strace $0x8FFFFFFF  }
0x9f: {  	s19 =	sld [smem:$0x3FDB];
	_ =	sdelay $0x1  }
0xa0: {  	s7 =	simm.s32 $_scs_section_size  }
0xa1: {  	s8 =	simm.s32 $_size__tile_overlayer_lowered;
	s9 =	simm.s32 $_tile_overlayer_lowered  }
0xa2: {  	s22 =	simm.s32 $0x1BFF;
	s21 =	sshll.u32 s9, $0x1;
	s6 =	sadd.s32 s7, s19  }
0xa3: {  	s10 =	simm.s32 $0x0;
	s20 =	sshll.u32 s8, $0x1;
	s8 =	sadd.s32 s21, s6  }
0xa4: {  	[timem:s10], [sflag:s22] =	dma.local [hbm:s8], s20  }
0xa5: {  	_ =	swait.ge [sflag:s22], s20  }
0xa6: {  	s7 =	ssub.s32 $0x0, s20;
	[sflag:s22] =	ssyncset.done $0x0  }
0xa7: {  	[sflag:s22] =	ssyncadd.s32 s7;
	_ =	sdelay $0x1  }
0xa8: {  	s23 =	simm.s32 $0x1B8B  }
0xa9: {  	_ =	swait.ge [sflag:s23], $0x1  }
0xaa: {  	[sflag:s23] =	ssyncset.done $0x0  }
0xab: {  	s25 =	simm.s32 $0x1B8E;
	s24 =	sld [smem:$0x3FFE];
	[sflag:s23] =	ssyncadd.s32 $0xFFFFFFFF  }
0xac: {  	s26 =	simm.s32 $execute0_lowered;
	[smem:$0x3FD2] =	sst s25  }
0xad: {  	s8 =	sshll.u32 s26, $0x1;
	_ =	strace $0x80000046;
	[dreg:$0x1] =	wrdreg $0xFFFFFFFF  }
0xae: {  	s28 =	simm.s32 $_size_execute0_lowered;
	s6 =	sadd.s32 s6, s8;
	[dreg:$0x0] =	wrdreg $0x0  }
0xaf: {  	s8 =	sshll.u32 s28, $0x1;
	[dreg:$0x2] =	wrdreg s6  }
0xb0: {  	[dreg:$0x3] =	wrdreg s8  }
0xb1: {  	[dreg:$0x4] =	wrdreg $0xC0  }
0xb2: {  	_ =	task [dreg:s10], $0x5FFFF  }
0xb3: {  	[dreg:$0x1] =	wrdreg $0xFFFFFFFF  }
0xb4: {  	[dreg:$0x0] =	wrdreg $0x60  }
0xb5: {  	[dreg:$0x2] =	wrdreg s4  }
0xb6: {  	[dreg:$0x3] =	wrdreg s15  }
0xb7: {  	[dreg:$0x4] =	wrdreg s16  }
0xb8: {  	[dreg:$0x5] =	wrdreg s17  }
0xb9: {  	[dreg:$0x6] =	wrdreg s24  }
0xba: {  	[dreg:$0x7] =	wrdreg $0x9  }
0xbb: {  	_ =	task.clear_ibuf [dreg:s10], $0x8FFFF;
	_ =	strace $0x90000046  }
0xbc: {  	s29 =	simm.s32 $0x9;
	_ =	strace $0x80000048  }
0xbd: {  	_ =	swait.ge [sflag:s29], $0x1  }
0xbe: {  	[sflag:s29] =	ssyncadd.s32 $0xFFFFFFFF  }
0xbf: {  	_ =	strace $0x90000048  }
0xc0: {  	_ =	sfence  }
0xc1: {  	s30 =	sld [smem:$0x0];
	_ =	sdelay $0x2  }
0xc2: {  	s31 =	sshll.u32 s1, $0xD;
	s1 =	sshrl.u32 s1, $0x2  }
0xc3: {  	s3 =	sand.u32 $0x4000, s31;
	s1 =	sadd.s32 s1, s30  }
0xc4: {  	s0 =	sor.u32 s3, s0;
	s1 =	sshll.u32 s1, $0x11  }
0xc5: {  	s0 =	sor.u32 s1, s0  }
0xc6: {  	s0 =	sadd.s32 $0x8F2B, s0  }
0xc7: {  	[sflag:s0] =	ssyncadd.remote.s32 $0x1  }
0xc8: {  	_ =	sfence.sel $0xFFFF  }
0xc9: {  	[dreg:$0x0] =	wrdreg $0xFFFFFFFF;
	(pc) =	sbr.abs _section_cstart, $3  }
0xca: {  	[dreg:$0x1] =	wrdreg $0xFFFFFFFF  }
0xcb: {  	_ =	task.clear_ibuf [dreg:s10], $0x2FFFF;
	_ =	strace $0x9FFFFFFF  }
0xcc: {  	(tm) =	ssettm $0x7FFFFFFF  }
0xcd: {  	_ =	shalt  }
tec
execute0_lowered:
.L_overlay_start_1:
0x0: {  	(tag) =	ssettag $0x1  }
0x1: {  	s8 =	rddreg [dreg:$0x0]  }
0x2: {  	s0 =	rddreg [dreg:$0x1]  }
0x3: {  	s2 =	rddreg [dreg:$0x2]  }
0x4: {  	s1 =	rddreg [dreg:$0x3]  }
0x5: {  	s3 =	rddreg [dreg:$0x4]  }
0x6: {  	s5 =	srdreg.scid;
	s6 =	stileid.u32  }
0x7: {  	s4 =	simm.s32 $0x0;
	s16 =	simm.s32 $0xA80;
	s17 =	simm.s32 $0x8A80  }
0x8: {  	s18 =	simm.s32 $0x5;
	s22 =	simm.s32 $0x1;
	s21 =	simm.s32 $0xDA80  }
0x9: {  	s28 =	simm.s32 $0xFA80;
	s29 =	simm.s32 $0x10280;
	s30 =	simm.s32 $0x3  }
0xa: {  	s31 =	simm.s32 $0x4;
	s5 =	sand.u32 $0x1, s5;
	s6 =	sshll.u32 s6, $0x1  }
0xb: {  	[smem:$0x7FF] =	sst s4;
	s12 =	sadd.s32 $0x100, s2;
	s13 =	sadd.s32 $0x200, s2  }
0xc: {  	s14 =	sadd.s32 $0x300, s2;
	s19 =	sor.u32 s5, s6;
	_ =	strace $0x80000047  }
0xd: {  	s23 =	ssub.s32 $0x2, s5;
	s5 =	sadd.s32 $0x1600, s3;
	s7 =	sshll.u32 s19, $0x6  }
0xe: {  	s24 =	sshrl.u32 s23, $0x1;
	s25 =	sshll.u32 s19, $0xD;
	s26 =	sshll.u32 s19, $0x3  }
0xf: {  	s9 =	sshll.u32 s19, $0x2;
	p0 =	sne.s32 s19, $0x0;
	s19 =	simm.s32 $0x880  }
0x10: {  	v0 =	vimm.s32 $0x0;
	vm0 =	vmmov $0x1;
	vm1 =	vcmask $0x704;
	s10 =	sor.u32 $0x20, s7;
	s3 =	ssub.s32 s23, s24;
	s6 =	sadd.s32 s0, s25  }
0x11: {  	vm2 =	vcmask $0xB08;
	vm3 =	vcmask $0xF0C;
	vm4 =	vcmask $0x1310;
	s8 =	sadd.s32 s8, s26;
	s25 =	simm.s32 $0x2;
	s23 =	simm.s32 $0xE280  }
0x12: {  	vm5 =	vcmask $0x1714;
	vm6 =	vcmask $0x1B18;
	v3 =	vlaneseq.u32;
	s24 =	simm.s32 $0xEA80;
	s7 =	sshll.u32 s10, $0x7;
	s11 =	sshrl.u32 s10, $0x3  }
0x13: {  	vm7 =	vcmask $0x1F1C;
	vm8 =	vmmov $0xffff;
	v2 =	vshrl.u32 v3, $0x3;
	s10 =	sadd.s32 s1, s26;
	s15 =	smax.u32 s3, $0x1;
	s26 =	simm.s32 $0xF280  }
0x14: {  	v1 =	vand.u32 $0x7, v3;
	v3 =	vor.u32 $0x8, v3;
	v2 =	vmul.u32 $0x8, v2;
	s7 =	sadd.s32 s0, s7;
	s11 =	sadd.s32 s1, s11;
	s0 =	simm.s32 $0x0  }
.LBB2_1:
0x15: {  	[tilespmem:s16], [sflag:$0x1] =	stream.linear.gather [hbm4b:s6+s4], $0x8000, $0x38;
	[tilespmem:$0x10A80] =	vst v63  }
0x16: {  	_ = 	snop  }
0x17: {  	[tilespmem:s17], [sflag:$0x2] =	stream.linear.gather [hbm4b:s7+s4], $0x8000, $0x38;
	[tilespmem:$0x10A80] =	vst v63  }
0x18: {  	_ = 	snop  }
0x19: {  	[tilespmem:s4], [sflag:$0x5] =	stream.linear.gather [hbm4b:s8+s4], $0x40, $0x38;
	[tilespmem:$0x10A80] =	vst v63  }
0x1a: {  	_ =	swait.ge [sflag:s18], $0x40  }
0x1b: {  	[sflag:s18] =	ssyncset.done $0x0  }
0x1c: {  	[sflag:s18] =	ssyncadd.s32 $0xFFFFFFC0  }
0x1d: {  	s1 =	simm.s32 $0x80;
	s3 =	rddreg [dreg:$0x0]  }
0x1e: {  	[tilespmem:s1], [sflag:$0x5] =	stream.linear.gather [hbm4b:s3+s4], $0x800, $0x38;
	[tilespmem:$0x10A80] =	vst v63  }
0x1f: {  	_ =	swait.ge [sflag:s18], $0x800  }
0x20: {  	[sflag:s18] =	ssyncset.done $0x0  }
0x21: {  	[sflag:s18] =	ssyncadd.s32 $0xFFFFF800  }
0x22: {  	v4 =	vld [tilespmem:s1+$0x0];
	_ =	sdelay $0x1  }
0x23: {  	v26 =	vimm.s32 $0x0  }
0x24: {  	v24 =	vimm.s32 $0x0;
	v25 =	vimm.s32 $0x0;
	v22 =	vimm.s32 $0x0  }
0x25: {  	v21 =	vimm.s32 $0x0;
	v18 =	vimm.s32 $0x0;
	v14 =	vimm.s32 $0x0  }
0x26: {  	vm9 =	veq.s32 v4, $0x0;
	vm10 =	veq.s32 v4, $0x1;
	vm11 =	veq.s32 v4, $0x7  }
0x27: {  	vm12 =	veq.s32 v4, $0x2;
	vm13 =	veq.s32 v4, $0x3;
	vm14 =	veq.s32 v4, $0x5  }
0x28: {  	v5 =	vsel vm11, $0x1, v0;
	vm11 =	veq.s32 v4, $0x4;
	v28 =	vsel vm9, $0x1, v0  }
0x29: {  	p1 =	sgt.s32 s9, $0x0;
	vm9 =	veq.s32 v4, $0x6;
	v27 =	vsel vm10, $0x1, v0;
	v23 =	vsel vm12, $0x1, v0  }
0x2a: {  	v20 =	vsel vm13, $0x1, v0;
	v13 =	vsel vm14, $0x1, v0;
	v6 =	vpsel !p1, $0x0, v5  }
0x2b: {  	v17 =	vsel vm11, $0x1, v0;
	v9 =	vsel vm9, $0x1, v0;
	v7 =	vpsel !p1, $0x0, v27  }
0x2c: {  	v8 =	vpsel !p1, $0x0, v23;
	v10 =	vpsel !p1, $0x0, v20;
	v29 =	vpsel !p1, $0x0, v13  }
0x2d: {  	v4 =	vadd.s32 v0, v6;
	v6 =	vpsel !p1, $0x0, v28;
	v11 =	vpsel !p1, $0x0, v17  }
0x2e: {  	v16 =	vadd.s32 v0, v7;
	v30 =	vpsel !p1, $0x0, v9;
	v12 =	vadd.s32 v0, v8  }
0x2f: {  	s3 =	simm.s32 $0x90;
	v10 =	vadd.s32 v0, v10;
	v8 =	vimm.s32 $0x0;
	v19 =	vadd.s32 v0, v6  }
0x30: {  	s20 =	simm.s32 $0x2;
	s1 =	simm.s32 $0x1;
	v15 =	vld [tilespmem:s3+$0x0];
	v7 =	vadd.s32 v0, v11;
	v11 =	vimm.s32 $0x0;
	v6 =	vimm.s32 $0x0  }
.LBB2_2:
0x31: {  	p1 =	sne.s32 s20, $0x7F;
	v26 =	vadd.s32 v28, v26;
	v24 =	vadd.s32 v24, v29;
	v25 =	vadd.s32 v25, v30  }
0x32: {  	v22 =	vadd.s32 v27, v22;
	v21 =	vadd.s32 v23, v21;
	v18 =	vadd.s32 v20, v18  }
0x33: {  	v14 =	vadd.s32 v17, v14;
	v11 =	vadd.s32 v13, v11;
	v8 =	vadd.s32 v9, v8  }
0x34: {  	v6 =	vadd.s32 v5, v6  }
0x35: {  	vm9 =	veq.s32 v15, $0x0;
	vm10 =	veq.s32 v15, $0x1;
	vm11 =	veq.s32 v15, $0x7  }
0x36: {  	p2 =	slt.s32 s1, s9;
	s1 =	smov.u32 s20;
	vm12 =	veq.s32 v15, $0x2;
	vm13 =	veq.s32 v15, $0x3;
	v5 =	vsel vm11, $0x1, v0  }
0x37: {  	vm14 =	veq.s32 v15, $0x5;
	vm11 =	veq.s32 v15, $0x4;
	v9 =	vpsel !p2, $0x0, v5  }
0x38: {  	v28 =	vsel vm9, $0x1, v0;
	vm9 =	veq.s32 v15, $0x6;
	v4 =	vadd.s32 v4, v9  }
0x39: {  	v27 =	vsel vm10, $0x1, v0;
	v23 =	vsel vm12, $0x1, v0;
	v20 =	vsel vm13, $0x1, v0  }
.Ltmp0:
0x3a: {  	v13 =	vsel vm14, $0x1, v0;
	v17 =	vsel vm11, $0x1, v0;
	v9 =	vsel vm9, $0x1, v0;
	(pc) =	sbr.rel @p1 .LBB2_2-.Ltmp0, $4  }
0x3b: {  	v15 =	vpsel !p2, $0x0, v28;
	v30 =	vpsel !p2, $0x0, v27;
	v31 =	vpsel !p2, $0x0, v23  }
0x3c: {  	v32 =	vpsel !p2, $0x0, v20;
	v29 =	vpsel !p2, $0x0, v13;
	v33 =	vpsel !p2, $0x0, v17  }
0x3d: {  	s3 =	sadd.s32 $0x10, s3;
	v19 =	vadd.s32 v19, v15;
	v16 =	vadd.s32 v16, v30;
	v30 =	vpsel !p2, $0x0, v9  }
0x3e: {  	s20 =	sadd.s32 $0x1, s20;
	v12 =	vadd.s32 v12, v31;
	v10 =	vadd.s32 v10, v32;
	v7 =	vadd.s32 v7, v33;
	v15 =	vld [tilespmem:s3+$0x0]  }
0x3f: {  	_ =	sdelay $0x2  }
0x40: {  	v26 =	vadd.s32 v28, v26  }
0x41: {  	v24 =	vadd.s32 v24, v29;
	v25 =	vadd.s32 v25, v30;
	vm9 =	veq.s32 v15, $0x0  }
0x42: {  	p1 =	slt.s32 s1, s9;
	v22 =	vadd.s32 v27, v22;
	v35 =	vadd.s32 v23, v21;
	v63 =	vsel vm9, $0x1, v0  }
0x43: {  	vm9 =	veq.s32 v15, $0x1;
	v32 =	vpsel !p1, $0x0, v63;
	v26 =	vadd.s32 v63, v26  }
0x44: {  	v38 =	vadd.s32 v20, v18;
	v33 =	vsel vm9, $0x1, v0;
	v19 =	vadd.s32 v19, v32;
	(xrf0) =	vadd.scan.msk.s32 $0xffff, v26  }
0x45: {  	vm9 =	veq.s32 v15, $0x2;
	v34 =	vpsel !p1, $0x0, v33;
	v22 =	vadd.s32 v33, v22;
	(xrf0) =	vadd.scan.msk.s32 $0xffff, v19  }
0x46: {  	v41 =	vadd.s32 v17, v14;
	v36 =	vsel vm9, $0x1, v0;
	v16 =	vadd.s32 v16, v34;
	(xrf0) =	vadd.scan.msk.s32 $0xffff, v22  }
0x47: {  	vm9 =	veq.s32 v15, $0x3;
	v37 =	vpsel !p1, $0x0, v36;
	v19 =	vadd.s32 v36, v35;
	(xrf0) =	vadd.scan.msk.s32 $0xffff, v16  }
0x48: {  	v46 =	vadd.s32 v13, v11;
	v39 =	vsel vm9, $0x1, v0;
	v12 =	vadd.s32 v12, v37;
	(xrf0) =	vadd.scan.msk.s32 $0xffff, v19  }
0x49: {  	vm9 =	veq.s32 v15, $0x4;
	v40 =	vpsel !p1, $0x0, v39;
	v16 =	vadd.s32 v39, v38;
	(xrf0) =	vadd.scan.msk.s32 $0xffff, v12  }
0x4a: {  	v51 =	vadd.s32 v9, v8;
	v42 =	vsel vm9, $0x1, v0;
	v10 =	vadd.s32 v10, v40;
	v43, _, _ =	vpop (xrf0);
	(xrf0) =	vadd.scan.msk.s32 $0xffff, v16  }
0x4b: {  	vm9 =	veq.s32 v15, $0x5;
	v44 =	vpsel !p1, $0x0, v42;
	v12 =	vadd.s32 v42, v41;
	v45, _, _ =	vpop (xrf0);
	(xrf0) =	vadd.scan.msk.s32 $0xffff, v10  }
0x4c: {  	v5 =	vadd.s32 v5, v6;
	v47 =	vsel vm9, $0x1, v0;
	v7 =	vadd.s32 v7, v44;
	v48, _, _ =	vpop (xrf0);
	(xrf0) =	vadd.scan.msk.s32 $0xffff, v12  }
0x4d: {  	vm9 =	veq.s32 v15, $0x6;
	v49 =	vpsel !p1, $0x0, v47;
	v10 =	vadd.s32 v47, v46;
	v50, _, _ =	vpop (xrf0);
	(xrf0) =	vadd.scan.msk.s32 $0xffff, v7  }
0x4e: {  	v52 =	vsel vm9, $0x1, v0;
	vm9 =	veq.s32 v15, $0x7;
	v53 =	vadd.s32 v24, v49;
	v54, _, _ =	vpop (xrf0);
	(xrf0) =	vadd.scan.msk.s32 $0xffff, v10  }
0x4f: {  	v55 =	vpsel !p1, $0x0, v52;
	v57 =	vsel vm9, $0x1, v0;
	v7 =	vadd.s32 v52, v51;
	v56, _, _ =	vpop (xrf0);
	(xrf0) =	vadd.scan.msk.s32 $0xffff, v53  }
0x50: {  	v58 =	vadd.s32 v25, v55;
	v5 =	vadd.s32 v57, v5;
	v59, _, _ =	vpop (xrf0);
	(xrf0) =	vadd.scan.msk.s32 $0xffff, v7  }
0x51: {  	v60, _, _ =	vpop (xrf0);
	(xrf0) =	vadd.scan.msk.s32 $0xffff, v58  }
0x52: {  	v61, _, _ =	vpop (xrf0);
	(xrf0) =	vadd.scan.msk.s32 $0xffff, v5  }
0x53: {  	v62 =	vbroadcast v43, $0xF;
	v13 =	vbroadcast v48, $0xF;
	v5, _, _ =	vpop (xrf0)  }
0x54: {  	v12 =	vbroadcast v54, $0xF;
	v63, _, _ =	vpop (xrf0)  }
0x55: {  	v15 =	vnsel vm0, $0x0, v62;
	v13 =	vnsel vm1, $0x0, v13;
	v10 =	vbroadcast v59, $0xF;
	v20, _, _ =	vpop (xrf0)  }
0x56: {  	v13 =	vadd.s32 v15, v13;
	v12 =	vnsel vm2, $0x0, v12;
	v9 =	vbroadcast v61, $0xF;
	v21, _, _ =	vpop (xrf0)  }
0x57: {  	v12 =	vadd.s32 v12, v13;
	v10 =	vnsel vm3, $0x0, v10;
	v22 =	vbroadcast v63, $0xF;
	v23, _, _ =	vpop (xrf0)  }
0x58: {  	v10 =	vadd.s32 v10, v12;
	v9 =	vnsel vm4, $0x0, v9;
	v24 =	vbroadcast v21, $0xF;
	v25, _, _ =	vpop (xrf0)  }
0x59: {  	v9 =	vadd.s32 v9, v10;
	v26 =	vnsel vm5, $0x0, v22;
	v27 =	vbroadcast v25, $0xF  }
0x5a: {  	v6 =	vpsel !p1, $0x0, v57;
	v9 =	vadd.s32 v26, v9;
	v28 =	vnsel vm6, $0x0, v24  }
0x5b: {  	v4 =	vadd.s32 v4, v6;
	v29 =	vadd.s32 v28, v9;
	v30 =	vnsel vm7, $0x0, v27  }
0x5c: {  	(xrf0) =	vadd.scan.msk.s32 $0xffff, v4;
	v6 =	vadd.s32 v30, v29  }
0x5d: {  	(xrf0) =	vadd.scan.msk.s32 $0xffff, v6;
	_ =	sdelay $0x4  }
0x5e: {  	v4, _, _ =	vpop (xrf0)  }
0x5f: {  	v31, _, _ =	vpop (xrf0)  }
0x60: {  	v6 =	vsub.s32 v31, v6  }
0x61: {  	s1 =	simm.s32 @!p0 $0x0;
	s3 =	simm.s32 @!p0 $0xA00;
	[tilespmem:$0xA00] =	vst @!p0 v6  }
0x62: {  	[hbm4b:s5+s1] =	stream.linear.scatter @!p0 [tilespmem:s3], [sflag:$0x5], $0x80, $0x38;
	[tilespmem:$0x10A80] =	vst v63  }
0x63: {  	s1 =	simm.s32 @!p0 $0x5  }
0x64: {  	_ =	swait.ge @!p0 [sflag:s1], $0x80  }
0x65: {  	[sflag:s1] =	ssyncset.done @!p0 $0x0  }
0x66: {  	[sflag:s1] =	ssyncadd.s32 @!p0 $0xFFFFFF80  }
0x67: {  	v32 =	vld [tilespmem:$0x0]  }
0x68: {  	v11 =	vbroadcast v50, $0xF;
	v8 =	vbroadcast v56, $0xF  }
0x69: {  	v33 =	vbroadcast v45, $0xF;
	v7 =	vbroadcast v60, $0xF  }
0x6a: {  	v11 =	vnsel vm1, $0x0, v11;
	v8 =	vnsel vm2, $0x0, v8  }
0x6b: {  	v7 =	vnsel vm3, $0x0, v7;
	v5 =	vbroadcast v5, $0xF;
	v10 =	vnsel vm0, $0x0, v33  }
0x6c: {  	v35 =	vbroadcast v20, $0xF;
	v10 =	vadd.s32 v10, v11;
	vm11 =	veq.s32 v32, $0x0  }
0x6d: {  	v5 =	vnsel vm4, $0x0, v5;
	v8 =	vadd.s32 v8, v10;
	v34 =	vsel vm11, $0x1, v0  }
0x6e: {  	v36 =	vbroadcast v23, $0xF;
	v7 =	vadd.s32 v7, v8;
	vm12 =	veq.s32 v32, $0x1;
	(xrf0) =	vadd.scan.msk.s32 $0xffff, v34  }
0x6f: {  	v10 =	vnsel vm5, $0x0, v35;
	v6 =	vadd.s32 v6, v7;
	v37 =	vsel vm12, $0x1, v0  }
0x70: {  	v4 =	vbroadcast v4, $0xF;
	v5 =	vadd.s32 v5, v6;
	v35 =	vld [tilespmem:$0x20];
	vm14 =	veq.s32 v32, $0x2;
	(xrf0) =	vadd.scan.msk.s32 $0xffff, v37  }
0x71: {  	v8 =	vnsel vm6, $0x0, v36;
	v5 =	vadd.s32 v10, v5;
	v38 =	vsel vm14, $0x1, v0  }
0x72: {  	v4 =	vnsel vm7, $0x0, v4;
	v5 =	vadd.s32 v8, v5;
	vm13 =	veq.s32 v32, $0x3;
	(xrf0) =	vadd.scan.msk.s32 $0xffff, v38  }
0x73: {  	v4 =	vadd.s32 v4, v5;
	vm10 =	veq.s32 v32, $0x4;
	v40 =	vsel vm13, $0x1, v0  }
0x74: {  	[tilespmem:$0x880] =	vst v4;
	vm9 =	veq.s32 v32, $0x5;
	v42 =	vsel vm10, $0x1, v0;
	(xrf0) =	vadd.scan.msk.s32 $0xffff, v40;
	v39, _, _ =	vpop (xrf0)  }
0x75: {  	vm15 =	veq.s32 v35, $0x0;
	v43 =	vsel vm9, $0x1, v0;
	(xrf0) =	vadd.scan.msk.s32 $0xffff, v42;
	v41 =	vadd.s32 $0xFFFFFFFF, v39  }
0x76: {  	v9 =	vld.idx.msk [tilespmem:v32+s19+$0x0], $0xffff;
	v44, _, _ =	vpop (xrf0);
	(xrf0) =	vadd.scan.msk.s32 $0xffff, v43;
	v5 =	vbroadcast v39, $0xF;
	v43 =	vsel vm15, $0x1, v0;
	v10 =	vnsel vm11, $0x0, v41  }
0x77: {  	v53 =	vld [tilespmem:$0x10];
	vm11 =	veq.s32 v32, $0x6;
	v46 =	vadd.s32 $0xFFFFFFFF, v44;
	v47 =	vbroadcast v44, $0xF  }
0x78: {  	v59 =	vld [tilespmem:$0x880];
	v48, _, _ =	vpop (xrf0);
	v45 =	vsel vm11, $0x1, v0;
	v6 =	vnsel vm12, $0x0, v46;
	vm12 =	veq.s32 v32, $0x7  }
0x79: {  	v4 =	vadd.s32 $0xFFFFFFFF, v48;
	v8 =	vbroadcast v48, $0xF;
	v5 =	vnsel vm0, $0x0, v5  }
0x7a: {  	v50, _, _ =	vpop (xrf0);
	v49 =	vsel vm12, $0x1, v0;
	v7 =	vnsel vm1, $0x0, v47;
	v4 =	vnsel vm14, $0x0, v4  }
0x7b: {  	v51 =	vadd.s32 $0xFFFFFFFF, v50;
	v12 =	vbroadcast v50, $0xF;
	v6 =	vadd.s32 v9, v6  }
0x7c: {  	vm14 =	veq.s32 v53, $0x0;
	v8 =	vnsel vm2, $0x0, v8;
	v11 =	vnsel vm13, $0x0, v51  }
0x7d: {  	v6 =	vadd.s32 v10, v6;
	v62 =	vsel vm14, $0x1, v0;
	v7 =	vadd.s32 v59, v7  }
0x7e: {  	(xrf0) =	vadd.scan.msk.s32 $0xffff, v45;
	vm13 =	veq.s32 v53, $0x1;
	v52, _, _ =	vpop (xrf0);
	v12 =	vnsel vm3, $0x0, v12;
	v4 =	vadd.s32 v4, v6  }
0x7f: {  	(xrf0) =	vadd.scan.msk.s32 $0xffff, v49;
	v5 =	vadd.s32 v5, v7;
	v54 =	vadd.s32 $0xFFFFFFFF, v52;
	v13 =	vbroadcast v52, $0xF  }
0x80: {  	v55, _, _ =	vpop (xrf0);
	v4 =	vadd.s32 v11, v4;
	v11 =	vsel vm13, $0x1, v0;
	v5 =	vadd.s32 v8, v5  }
0x81: {  	v15 =	vnsel vm10, $0x0, v54;
	v56 =	vbroadcast v55, $0xF;
	v16 =	vadd.s32 $0xFFFFFFFF, v55  }
0x82: {  	vm10 =	veq.s32 v53, $0x2;
	v5 =	vadd.s32 v12, v5;
	v13 =	vnsel vm4, $0x0, v13  }
0x83: {  	v16 =	vnsel vm9, $0x0, v16;
	v4 =	vadd.s32 v15, v4;
	v15 =	vsel vm10, $0x1, v0  }
0x84: {  	vm9 =	veq.s32 v53, $0x3;
	v57, _, _ =	vpop (xrf0);
	v17 =	vnsel vm5, $0x0, v56;
	(xrf0) =	vadd.scan.msk.s32 $0xffff, v62;
	v4 =	vadd.s32 v16, v4  }
0x85: {  	v5 =	vadd.s32 v13, v5;
	v58 =	vadd.s32 $0xFFFFFFFF, v57;
	v18 =	vbroadcast v57, $0xF;
	v60, _, _ =	vpop (xrf0)  }
0x86: {  	(xrf0) =	vadd.scan.msk.s32 $0xffff, v11;
	v5 =	vadd.s32 v17, v5;
	v19 =	vnsel vm11, $0x0, v58;
	v61 =	vbroadcast v60, $0xF  }
0x87: {  	v21 =	vadd.s32 $0xFFFFFFFF, v60;
	(xrf0) =	vadd.scan.msk.s32 $0xffff, v15;
	vm11 =	veq.s32 v53, $0x4;
	v18 =	vnsel vm6, $0x0, v18  }
0x88: {  	v63 =	vnsel vm12, $0x0, v21;
	v4 =	vadd.s32 v19, v4;
	v19 =	vsel vm9, $0x1, v0  }
0x89: {  	v21 =	vsel vm11, $0x1, v0;
	vm12 =	veq.s32 v53, $0x6;
	v9 =	vnsel vm7, $0x0, v61  }
0x8a: {  	(xrf0) =	vadd.scan.msk.s32 $0xffff, v19;
	v5 =	vadd.s32 v18, v5;
	v4 =	vadd.s32 v63, v4;
	v24 =	vsel vm12, $0x1, v0;
	v16, _, _ =	vpop (xrf0)  }
0x8b: {  	v5 =	vadd.s32 v9, v5;
	[tilespmem:$0x900] =	vst v4;
	(xrf0) =	vadd.scan.msk.s32 $0xffff, v21;
	v20 =	vadd.s32 $0xFFFFFFFF, v16  }
0x8c: {  	[tilespmem:$0x880] =	vst v5;
	v7 =	vbroadcast v16, $0xF;
	v23, _, _ =	vpop (xrf0);
	v10 =	vnsel vm14, $0x0, v20;
	vm14 =	veq.s32 v53, $0x5  }
0x8d: {  	v31 =	vld.idx.msk [tilespmem:v53+s19+$0x0], $0xffff;
	v25 =	vadd.s32 $0xFFFFFFFF, v23;
	v6 =	vbroadcast v23, $0xF;
	v26, _, _ =	vpop (xrf0);
	v22 =	vsel vm14, $0x1, v0  }
0x8e: {  	v40 =	vld [tilespmem:$0x880];
	v7 =	vnsel vm0, $0x0, v7;
	v4 =	vnsel vm13, $0x0, v25;
	v27 =	vbroadcast v26, $0xF  }
0x8f: {  	vm13 =	veq.s32 v53, $0x7;
	v28 =	vadd.s32 $0xFFFFFFFF, v26;
	v5 =	vnsel vm1, $0x0, v6  }
0x90: {  	(xrf0) =	vadd.scan.msk.s32 $0xffff, v22;
	v29, _, _ =	vpop (xrf0);
	v30 =	vsel vm13, $0x1, v0;
	v6 =	vnsel vm10, $0x0, v28;
	vm10 =	veq.s32 v35, $0x3  }
0x91: {  	(xrf0) =	vadd.scan.msk.s32 $0xffff, v24;
	v8 =	vnsel vm2, $0x0, v27;
	v32 =	vbroadcast v29, $0xF;
	v9 =	vadd.s32 $0xFFFFFFFF, v29  }
0x92: {  	v48 =	vsel vm10, $0x1, v0;
	v33, _, _ =	vpop (xrf0);
	v9 =	vnsel vm9, $0x0, v9;
	v4 =	vadd.s32 v31, v4  }
0x93: {  	v5 =	vadd.s32 v40, v5;
	vm9 =	veq.s32 v35, $0x4;
	v34 =	vadd.s32 $0xFFFFFFFF, v33  }
0x94: {  	v14 =	vbroadcast v33, $0xF;
	v13 =	vnsel vm3, $0x0, v32;
	v4 =	vadd.s32 v10, v4  }
0x95: {  	(xrf0) =	vadd.scan.msk.s32 $0xffff, v30;
	v5 =	vadd.s32 v7, v5;
	v50 =	vsel vm9, $0x1, v0;
	v11 =	vnsel vm11, $0x0, v34  }
0x96: {  	v4 =	vadd.s32 v6, v4;
	v5 =	vadd.s32 v8, v5;
	vm11 =	veq.s32 v35, $0x5;
	v36, _, _ =	vpop (xrf0)  }
0x97: {  	v14 =	vnsel vm4, $0x0, v14;
	v4 =	vadd.s32 v9, v4;
	v5 =	vadd.s32 v13, v5;
	v38, _, _ =	vpop (xrf0)  }
0x98: {  	v54 =	vsel vm11, $0x1, v0;
	v4 =	vadd.s32 v11, v4;
	v39 =	vadd.s32 $0xFFFFFFFF, v38  }
0x99: {  	(xrf0) =	vadd.scan.msk.s32 $0xffff, v43;
	v5 =	vadd.s32 v14, v5;
	v19 =	vnsel vm12, $0x0, v39;
	vm12 =	veq.s32 v35, $0x1  }
0x9a: {  	v37 =	vadd.s32 $0xFFFFFFFF, v36;
	v16 =	vbroadcast v36, $0xF;
	v45 =	vsel vm12, $0x1, v0  }
0x9b: {  	v17 =	vnsel vm14, $0x0, v37;
	v18 =	vbroadcast v38, $0xF;
	v41, _, _ =	vpop (xrf0);
	vm14 =	veq.s32 v35, $0x2;
	(xrf0) =	vadd.scan.msk.s32 $0xffff, v45  }
0x9c: {  	v16 =	vnsel vm5, $0x0, v16;
	v42 =	vadd.s32 $0xFFFFFFFF, v41;
	v47 =	vsel vm14, $0x1, v0  }
0x9d: {  	v26 =	vld [tilespmem:$0x30];
	v20 =	vbroadcast v41, $0xF;
	v4 =	vadd.s32 v17, v4;
	v18 =	vnsel vm6, $0x0, v18;
	(xrf0) =	vadd.scan.msk.s32 $0xffff, v47  }
0x9e: {  	v44 =	vnsel vm13, $0x0, v42;
	v4 =	vadd.s32 v19, v4;
	v5 =	vadd.s32 v16, v5  }
0x9f: {  	v49, _, _ =	vpop (xrf0);
	v46 =	vnsel vm7, $0x0, v20;
	v4 =	vadd.s32 v44, v4;
	v5 =	vadd.s32 v18, v5;
	(xrf0) =	vadd.scan.msk.s32 $0xffff, v48  }
0xa0: {  	v51 =	vadd.s32 $0xFFFFFFFF, v49;
	vm13 =	veq.s32 v35, $0x6;
	[tilespmem:$0x910] =	vst v4;
	v4 =	vadd.s32 v46, v5  }
0xa1: {  	v6 =	vbroadcast v49, $0xF;
	v52 =	vnsel vm15, $0x0, v51;
	[tilespmem:$0x880] =	vst v4;
	(xrf0) =	vadd.scan.msk.s32 $0xffff, v50;
	v53, _, _ =	vpop (xrf0)  }
0xa2: {  	v56 =	vsel vm13, $0x1, v0;
	vm15 =	veq.s32 v26, $0x0;
	v63 =	vld.idx.msk [tilespmem:v35+s19+$0x0], $0xffff;
	v55 =	vadd.s32 $0xFFFFFFFF, v53  }
0xa3: {  	v6 =	vnsel vm0, $0x0, v6;
	v57, _, _ =	vpop (xrf0);
	v5 =	vbroadcast v53, $0xF;
	v11 =	vnsel vm12, $0x0, v55  }
0xa4: {  	v31 =	vld [tilespmem:$0x880];
	(xrf0) =	vadd.scan.msk.s32 $0xffff, v54;
	vm12 =	veq.s32 v35, $0x7;
	v59 =	vadd.s32 $0xFFFFFFFF, v57;
	v9 =	vbroadcast v57, $0xF  }
0xa5: {  	v60, _, _ =	vpop (xrf0);
	v35 =	vsel vm15, $0x1, v0;
	v58 =	vsel vm12, $0x1, v0;
	v4 =	vnsel vm1, $0x0, v5  }
0xa6: {  	v5 =	vnsel vm14, $0x0, v59;
	v61 =	vbroadcast v60, $0xF;
	v12 =	vadd.s32 $0xFFFFFFFF, v60  }
0xa7: {  	v62, _, _ =	vpop (xrf0);
	v11 =	vadd.s32 v63, v11;
	vm14 =	veq.s32 v26, $0x1;
	v9 =	vnsel vm2, $0x0, v9  }
0xa8: {  	(xrf0) =	vadd.scan.msk.s32 $0xffff, v56;
	v24 =	vbroadcast v62, $0xF;
	v12 =	vnsel vm10, $0x0, v12;
	v10 =	vadd.s32 $0xFFFFFFFF, v62  }
0xa9: {  	v7 =	vadd.s32 v52, v11;
	v4 =	vadd.s32 v31, v4;
	v36 =	vsel vm14, $0x1, v0  }
0xaa: {  	v25, _, _ =	vpop (xrf0);
	vm10 =	veq.s32 v26, $0x3;
	v8 =	vnsel vm3, $0x0, v61;
	v10 =	vnsel vm9, $0x0, v10  }
0xab: {  	v27 =	vbroadcast v25, $0xF;
	v15 =	vadd.s32 $0xFFFFFFFF, v25;
	v5 =	vadd.s32 v5, v7  }
0xac: {  	(xrf0) =	vadd.scan.msk.s32 $0xffff, v58;
	v4 =	vadd.s32 v6, v4;
	v38 =	vsel vm10, $0x1, v0;
	vm9 =	veq.s32 v26, $0x4  }
0xad: {  	v14 =	vnsel vm4, $0x0, v24;
	v15 =	vnsel vm11, $0x0, v15;
	v5 =	vadd.s32 v12, v5  }
0xae: {  	(xrf0) =	vadd.scan.msk.s32 $0xffff, v35;
	v28, _, _ =	vpop (xrf0);
	v4 =	vadd.s32 v9, v4;
	v40 =	vsel vm9, $0x1, v0;
	vm11 =	veq.s32 v26, $0x5  }
0xaf: {  	v29 =	vadd.s32 $0xFFFFFFFF, v28;
	v18 =	vbroadcast v28, $0xF;
	v17 =	vnsel vm5, $0x0, v27  }
0xb0: {  	(xrf0) =	vadd.scan.msk.s32 $0xffff, v36;
	v5 =	vadd.s32 v10, v5;
	v19 =	vnsel vm13, $0x0, v29;
	vm13 =	veq.s32 v26, $0x2  }
0xb1: {  	v4 =	vadd.s32 v8, v4;
	v42 =	vsel vm11, $0x1, v0;
	v37 =	vsel vm13, $0x1, v0  }
0xb2: {  	v5 =	vadd.s32 v15, v5;
	v4 =	vadd.s32 v14, v4;
	v18 =	vnsel vm6, $0x0, v18;
	v30, _, _ =	vpop (xrf0);
	(xrf0) =	vadd.scan.msk.s32 $0xffff, v37  }
0xb3: {  	v5 =	vadd.s32 v19, v5;
	v4 =	vadd.s32 v17, v4;
	v32 =	vadd.s32 $0xFFFFFFFF, v30;
	(xrf0) =	vadd.scan.msk.s32 $0xffff, v38  }
0xb4: {  	v4 =	vadd.s32 v18, v4;
	v33 =	vbroadcast v30, $0xF;
	v39, _, _ =	vpop (xrf0);
	v34 =	vnsel vm12, $0x0, v32  }
0xb5: {  	v41 =	vadd.s32 $0xFFFFFFFF, v39;
	(xrf0) =	vadd.scan.msk.s32 $0xffff, v40;
	v6 =	vbroadcast v39, $0xF;
	vm12 =	veq.s32 v26, $0x6  }
0xb6: {  	v43, _, _ =	vpop (xrf0);
	v13 =	vnsel vm7, $0x0, v33;
	v5 =	vadd.s32 v34, v5;
	v8 =	vnsel vm15, $0x0, v41;
	(xrf0) =	vadd.scan.msk.s32 $0xffff, v42  }
0xb7: {  	v44 =	vbroadcast v43, $0xF;
	[tilespmem:$0x980] =	vst v5;
	v5 =	vadd.s32 $0xFFFFFFFF, v43;
	v4 =	vadd.s32 v13, v4  }
0xb8: {  	v45 =	vsel vm12, $0x1, v0;
	v6 =	vnsel vm0, $0x0, v6;
	v5 =	vnsel vm14, $0x0, v5;
	[tilespmem:$0x880] =	vst v4;
	v46, _, _ =	vpop (xrf0)  }
0xb9: {  	v4 =	vnsel vm1, $0x0, v44;
	(xrf0) =	vadd.scan.msk.s32 $0xffff, v45;
	v49 =	vld.idx.msk [tilespmem:v26+s19+$0x0], $0xffff;
	v47, _, _ =	vpop (xrf0);
	v48 =	vadd.s32 $0xFFFFFFFF, v46;
	v10 =	vbroadcast v46, $0xF  }
0xba: {  	v53 =	vld [tilespmem:$0x880];
	v7 =	vnsel vm13, $0x0, v48;
	v50 =	vbroadcast v47, $0xF;
	vm13 =	veq.s32 v26, $0x7  }
0xbb: {  	v51, _, _ =	vpop (xrf0);
	v9 =	vadd.s32 $0xFFFFFFFF, v47;
	v10 =	vnsel vm2, $0x0, v10;
	v52 =	vsel vm13, $0x1, v0  }
0xbc: {  	v9 =	vnsel vm10, $0x0, v9;
	v54 =	vbroadcast v51, $0xF;
	v55, _, _ =	vpop (xrf0);
	v13 =	vadd.s32 $0xFFFFFFFF, v51  }
0xbd: {  	v12 =	vnsel vm3, $0x0, v50;
	(xrf0) =	vadd.scan.msk.s32 $0xffff, v52;
	v56 =	vadd.s32 $0xFFFFFFFF, v55;
	v17 =	vbroadcast v55, $0xF  }
0xbe: {  	v13 =	vnsel vm9, $0x0, v13;
	v16 =	vnsel vm4, $0x0, v54;
	v14 =	vnsel vm11, $0x0, v56  }
0xbf: {  	v5 =	vadd.s32 v49, v5;
	v4 =	vadd.s32 v53, v4;
	v57, _, _ =	vpop (xrf0);
	v17 =	vnsel vm5, $0x0, v17  }
0xc0: {  	v5 =	vadd.s32 v8, v5;
	v4 =	vadd.s32 v6, v4;
	v58 =	vadd.s32 $0xFFFFFFFF, v57  }
0xc1: {  	v59 =	vbroadcast v57, $0xF;
	v5 =	vadd.s32 v7, v5;
	v4 =	vadd.s32 v10, v4  }
0xc2: {  	v60 =	vnsel vm12, $0x0, v58;
	v5 =	vadd.s32 v9, v5;
	v4 =	vadd.s32 v12, v4  }
0xc3: {  	v61 =	vnsel vm6, $0x0, v59;
	v5 =	vadd.s32 v13, v5;
	v4 =	vadd.s32 v16, v4;
	v62, _, _ =	vpop (xrf0)  }
0xc4: {  	v5 =	vadd.s32 v14, v5;
	v63 =	vadd.s32 $0xFFFFFFFF, v62;
	v7 =	vbroadcast v62, $0xF  }
0xc5: {  	v4 =	vadd.s32 v17, v4;
	v5 =	vadd.s32 v60, v5;
	v9 =	vnsel vm13, $0x0, v63  }
0xc6: {  	v4 =	vadd.s32 v61, v4;
	v7 =	vnsel vm7, $0x0, v7;
	v5 =	vadd.s32 v9, v5  }
0xc7: {  	[tilespmem:$0x990] =	vst v5;
	v4 =	vadd.s32 v7, v4  }
0xc8: {  	s3 =	simm.s32 $0x900;
	[tilespmem:$0x880] =	vst v4  }
0xc9: {  	[hbm4b:s10+s4] =	stream.linear.scatter [tilespmem:s3], [sflag:$0x5], $0x20, $0x38;
	[tilespmem:$0x10A80] =	vst v63  }
0xca: {  	_ =	swait.ge [sflag:s18], $0x20  }
0xcb: {  	[sflag:s18] =	ssyncset.done $0x0  }
0xcc: {  	s20 =	simm.s32 $0x980;
	[sflag:s18] =	ssyncadd.s32 $0xFFFFFFE0  }
0xcd: {  	[hbm4b:s11+s4] =	stream.linear.scatter [tilespmem:s20], [sflag:$0x5], $0x20, $0x38;
	[tilespmem:$0x10A80] =	vst v63  }
0xce: {  	_ =	swait.ge [sflag:s18], $0x20  }
0xcf: {  	[sflag:s18] =	ssyncset.done $0x0  }
0xd0: {  	[sflag:s18] =	ssyncadd.s32 $0xFFFFFFE0  }
0xd1: {  	_ =	swait.ge [sflag:s22], $0x8000  }
0xd2: {  	[sflag:s22] =	ssyncset.done $0x0  }
0xd3: {  	[sflag:s22] =	ssyncadd.s32 $0xFFFF8000  }
0xd4: {  	v4 =	vld [tilespmem:$0x900];
	_ =	sdelay $0x4  }
0xd5: {  	v5 =	vshll.u32 v4, $0x3  }
0xd6: {  	v4 =	vand.u32 $0x7, v4;
	v5 =	vand.u32 $0xFFFFFFC0, v5  }
0xd7: {  	v4 =	vor.u32 v4, v5  }
0xd8: {  	v5 =	vperm.xlane v4, v1;
	_ =	sdelay $0x1  }
0xd9: {  	v5 =	vadd.s32 v2, v5;
	_ =	sdelay $0x4  }
0xda: {  	[hbm4b:s2+s4] =	stream.indirect_vreg.scatter [tilespmem:s16], [sflag:$0x3], $0x80, v5, vm8, $0xb8;
	[tilespmem:$0x10A80] =	vst v63  }
0xdb: {  	s3 =	simm.s32 $0x1280;
	v4 =	vperm.xlane v4, v3  }
0xdc: {  	[hbm4b:s12+s4] =	stream.indirect_vreg.scatter [tilespmem:s3], [sflag:$0x3], $0x80, v5, vm8, $0xb8;
	[tilespmem:$0x10A80] =	vst v63  }
0xdd: {  	s20 =	simm.s32 $0x1A80;
	v4 =	vadd.s32 v2, v4  }
0xde: {  	[hbm4b:s13+s4] =	stream.indirect_vreg.scatter [tilespmem:s20], [sflag:$0x3], $0x80, v5, vm8, $0xb8;
	[tilespmem:$0x10A80] =	vst v63  }
0xdf: {  	s3 =	simm.s32 $0x2280  }
0xe0: {  	[hbm4b:s14+s4] =	stream.indirect_vreg.scatter [tilespmem:s3], [sflag:$0x3], $0x80, v5, vm8, $0xb8;
	[tilespmem:$0x10A80] =	vst v63  }
0xe1: {  	s20 =	simm.s32 $0x2A80  }
0xe2: {  	[hbm4b:s2+s4] =	stream.indirect_vreg.scatter [tilespmem:s20], [sflag:$0x3], $0x80, v4, vm8, $0xb8;
	[tilespmem:$0x10A80] =	vst v63  }
0xe3: {  	s3 =	simm.s32 $0x3280  }
0xe4: {  	[hbm4b:s12+s4] =	stream.indirect_vreg.scatter [tilespmem:s3], [sflag:$0x3], $0x80, v4, vm8, $0xb8;
	[tilespmem:$0x10A80] =	vst v63  }
0xe5: {  	s20 =	simm.s32 $0x3A80  }
0xe6: {  	[hbm4b:s13+s4] =	stream.indirect_vreg.scatter [tilespmem:s20], [sflag:$0x3], $0x80, v4, vm8, $0xb8;
	[tilespmem:$0x10A80] =	vst v63  }
0xe7: {  	s3 =	simm.s32 $0x4280  }
0xe8: {  	[hbm4b:s14+s4] =	stream.indirect_vreg.scatter [tilespmem:s3], [sflag:$0x3], $0x80, v4, vm8, $0xb8;
	[tilespmem:$0x10A80] =	vst v63  }
0xe9: {  	v4 =	vld [tilespmem:$0x910];
	_ =	sdelay $0x4  }
0xea: {  	v5 =	vshll.u32 v4, $0x3  }
0xeb: {  	v4 =	vand.u32 $0x7, v4;
	v5 =	vand.u32 $0xFFFFFFC0, v5  }
0xec: {  	v4 =	vor.u32 v4, v5  }
0xed: {  	v5 =	vperm.xlane v4, v1;
	_ =	sdelay $0x1  }
0xee: {  	v5 =	vadd.s32 v2, v5;
	_ =	sdelay $0x3  }
0xef: {  	s20 =	simm.s32 $0x4A80  }
0xf0: {  	[hbm4b:s2+s4] =	stream.indirect_vreg.scatter [tilespmem:s20], [sflag:$0x3], $0x80, v5, vm8, $0xb8;
	[tilespmem:$0x10A80] =	vst v63  }
0xf1: {  	s3 =	simm.s32 $0x5280;
	v4 =	vperm.xlane v4, v3  }
0xf2: {  	[hbm4b:s12+s4] =	stream.indirect_vreg.scatter [tilespmem:s3], [sflag:$0x3], $0x80, v5, vm8, $0xb8;
	[tilespmem:$0x10A80] =	vst v63  }
0xf3: {  	v4 =	vadd.s32 v2, v4;
	s20 =	simm.s32 $0x5A80  }
0xf4: {  	[hbm4b:s13+s4] =	stream.indirect_vreg.scatter [tilespmem:s20], [sflag:$0x3], $0x80, v5, vm8, $0xb8;
	[tilespmem:$0x10A80] =	vst v63  }
0xf5: {  	s3 =	simm.s32 $0x6280  }
0xf6: {  	[hbm4b:s14+s4] =	stream.indirect_vreg.scatter [tilespmem:s3], [sflag:$0x3], $0x80, v5, vm8, $0xb8;
	[tilespmem:$0x10A80] =	vst v63  }
0xf7: {  	s20 =	simm.s32 $0x6A80  }
0xf8: {  	[hbm4b:s2+s4] =	stream.indirect_vreg.scatter [tilespmem:s20], [sflag:$0x3], $0x80, v4, vm8, $0xb8;
	[tilespmem:$0x10A80] =	vst v63  }
0xf9: {  	s3 =	simm.s32 $0x7280  }
0xfa: {  	[hbm4b:s12+s4] =	stream.indirect_vreg.scatter [tilespmem:s3], [sflag:$0x3], $0x80, v4, vm8, $0xb8;
	[tilespmem:$0x10A80] =	vst v63  }
0xfb: {  	s20 =	simm.s32 $0x7A80  }
0xfc: {  	[hbm4b:s13+s4] =	stream.indirect_vreg.scatter [tilespmem:s20], [sflag:$0x3], $0x80, v4, vm8, $0xb8;
	[tilespmem:$0x10A80] =	vst v63  }
0xfd: {  	s3 =	simm.s32 $0x8280  }
0xfe: {  	[hbm4b:s14+s4] =	stream.indirect_vreg.scatter [tilespmem:s3], [sflag:$0x3], $0x80, v4, vm8, $0xb8;
	[tilespmem:$0x10A80] =	vst v63  }
0xff: {  	_ =	swait.ge [sflag:s25], $0x8000  }
0x100: {  	[sflag:s25] =	ssyncset.done $0x0  }
0x101: {  	[sflag:s25] =	ssyncadd.s32 $0xFFFF8000  }
0x102: {  	v4 =	vld [tilespmem:$0x980];
	_ =	sdelay $0x4  }
0x103: {  	v5 =	vshll.u32 v4, $0x3  }
0x104: {  	v4 =	vand.u32 $0x7, v4;
	v5 =	vand.u32 $0xFFFFFFC0, v5  }
0x105: {  	v4 =	vor.u32 v4, v5  }
0x106: {  	v5 =	vperm.xlane v4, v1;
	_ =	sdelay $0x1  }
0x107: {  	v5 =	vadd.s32 v2, v5;
	_ =	sdelay $0x4  }
0x108: {  	[hbm4b:s2+s4] =	stream.indirect_vreg.scatter [tilespmem:s17], [sflag:$0x4], $0x80, v5, vm8, $0xb8;
	[tilespmem:$0x10A80] =	vst v63  }
0x109: {  	s20 =	simm.s32 $0x9280;
	v4 =	vperm.xlane v4, v3  }
0x10a: {  	[hbm4b:s12+s4] =	stream.indirect_vreg.scatter [tilespmem:s20], [sflag:$0x4], $0x80, v5, vm8, $0xb8;
	[tilespmem:$0x10A80] =	vst v63  }
0x10b: {  	s3 =	simm.s32 $0x9A80;
	v4 =	vadd.s32 v2, v4  }
0x10c: {  	[hbm4b:s13+s4] =	stream.indirect_vreg.scatter [tilespmem:s3], [sflag:$0x4], $0x80, v5, vm8, $0xb8;
	[tilespmem:$0x10A80] =	vst v63  }
0x10d: {  	s20 =	simm.s32 $0xA280  }
0x10e: {  	[hbm4b:s14+s4] =	stream.indirect_vreg.scatter [tilespmem:s20], [sflag:$0x4], $0x80, v5, vm8, $0xb8;
	[tilespmem:$0x10A80] =	vst v63  }
0x10f: {  	s3 =	simm.s32 $0xAA80  }
0x110: {  	[hbm4b:s2+s4] =	stream.indirect_vreg.scatter [tilespmem:s3], [sflag:$0x4], $0x80, v4, vm8, $0xb8;
	[tilespmem:$0x10A80] =	vst v63  }
0x111: {  	s20 =	simm.s32 $0xB280  }
0x112: {  	[hbm4b:s12+s4] =	stream.indirect_vreg.scatter [tilespmem:s20], [sflag:$0x4], $0x80, v4, vm8, $0xb8;
	[tilespmem:$0x10A80] =	vst v63  }
0x113: {  	s3 =	simm.s32 $0xBA80  }
0x114: {  	[hbm4b:s13+s4] =	stream.indirect_vreg.scatter [tilespmem:s3], [sflag:$0x4], $0x80, v4, vm8, $0xb8;
	[tilespmem:$0x10A80] =	vst v63  }
0x115: {  	s20 =	simm.s32 $0xC280  }
0x116: {  	[hbm4b:s14+s4] =	stream.indirect_vreg.scatter [tilespmem:s20], [sflag:$0x4], $0x80, v4, vm8, $0xb8;
	[tilespmem:$0x10A80] =	vst v63  }
0x117: {  	v4 =	vld [tilespmem:$0x990];
	_ =	sdelay $0x4  }
0x118: {  	v5 =	vshll.u32 v4, $0x3  }
0x119: {  	v4 =	vand.u32 $0x7, v4;
	v5 =	vand.u32 $0xFFFFFFC0, v5  }
0x11a: {  	v4 =	vor.u32 v4, v5  }
0x11b: {  	v5 =	vperm.xlane v4, v1;
	_ =	sdelay $0x1  }
0x11c: {  	v5 =	vadd.s32 v2, v5;
	_ =	sdelay $0x3  }
0x11d: {  	s3 =	simm.s32 $0xCA80  }
0x11e: {  	[hbm4b:s2+s4] =	stream.indirect_vreg.scatter [tilespmem:s3], [sflag:$0x4], $0x80, v5, vm8, $0xb8;
	[tilespmem:$0x10A80] =	vst v63  }
0x11f: {  	s20 =	simm.s32 $0xD280;
	v4 =	vperm.xlane v4, v3  }
0x120: {  	[hbm4b:s12+s4] =	stream.indirect_vreg.scatter [tilespmem:s20], [sflag:$0x4], $0x80, v5, vm8, $0xb8;
	[tilespmem:$0x10A80] =	vst v63  }
0x121: {  	v4 =	vadd.s32 v2, v4  }
0x122: {  	[hbm4b:s13+s4] =	stream.indirect_vreg.scatter [tilespmem:s21], [sflag:$0x4], $0x80, v5, vm8, $0xb8;
	[tilespmem:$0x10A80] =	vst v63  }
0x123: {  	_ = 	snop  }
0x124: {  	[hbm4b:s14+s4] =	stream.indirect_vreg.scatter [tilespmem:s23], [sflag:$0x4], $0x80, v5, vm8, $0xb8;
	[tilespmem:$0x10A80] =	vst v63  }
0x125: {  	_ = 	snop  }
0x126: {  	[hbm4b:s2+s4] =	stream.indirect_vreg.scatter [tilespmem:s24], [sflag:$0x4], $0x80, v4, vm8, $0xb8;
	[tilespmem:$0x10A80] =	vst v63  }
0x127: {  	_ = 	snop  }
0x128: {  	[hbm4b:s12+s4] =	stream.indirect_vreg.scatter [tilespmem:s26], [sflag:$0x4], $0x80, v4, vm8, $0xb8;
	[tilespmem:$0x10A80] =	vst v63  }
0x129: {  	_ = 	snop  }
0x12a: {  	[hbm4b:s13+s4] =	stream.indirect_vreg.scatter [tilespmem:s28], [sflag:$0x4], $0x80, v4, vm8, $0xb8;
	[tilespmem:$0x10A80] =	vst v63  }
0x12b: {  	s0 =	sadd.s32 $0x1, s0  }
0x12c: {  	[hbm4b:s14+s4] =	stream.indirect_vreg.scatter [tilespmem:s29], [sflag:$0x4], $0x80, v4, vm8, $0xb8;
	[tilespmem:$0x10A80] =	vst v63  }
0x12d: {  	p1 =	sne.s32 s0, s15;
	_ =	swait.ge [sflag:s30], $0x8000  }
.Ltmp1:
0x12e: {  	[sflag:s30] =	ssyncset.done $0x0;
	(pc) =	sbr.rel @p1 .LBB2_1-.Ltmp1, $4  }
0x12f: {  	[sflag:s30] =	ssyncadd.s32 $0xFFFF8000  }
0x130: {  	_ =	swait.ge [sflag:s31], $0x8000  }
0x131: {  	[sflag:s31] =	ssyncset.done $0x0  }
0x132: {  	[sflag:s31] =	ssyncadd.s32 $0xFFFF8000  }
0x133: {  	_ =	sfence.sel $0x180000  }
0x134: {  	[bflag:$0x0] =	sbarrier.arrive $0xFFFF  }
0x135: {  	_ =	strace $0x90000047  }
0x136: {  	s0 =	stileid.u32;
	[bflag:$0x2] =	sbarrier.arrive $0xFFFF  }
0x137: {  	p0 =	sne.s32 s0, $0x0;
	s0 =	rddreg [dreg:$0x5]  }
0x138: {  	s0 =	sadd.s32 @!p0 $0x100000, s0  }
0x139: {  	[sflag:s0] =	ssyncadd.tile.s32 @!p0 $0x1;
	_ =	shalt  }
.Lfunc_end2:
_tile_overlayer_lowered:
.L_overlay_start_2:
0x13a: {  	(tag) =	ssettag $0x2  }
0x13b: {  	s0 =	rddreg [dreg:$0x0];
	s2 =	stileid.u32  }
0x13c: {  	s1 =	rddreg [dreg:$0x1];
	p0 =	sne.s32 s2, $0x0  }
0x13d: {  	s3 =	rddreg [dreg:$0x2];
	[bflag:$0x3] =	sbarrier.arrive $0xFFFF;
	s2 =	simm.s32 @!p0 $0x1C05  }
0x13e: {  	[timem:s3], [sflag:s2] =	dma.local @!p0 [hbm:s0], s1  }
0x13f: {  	s0 =	simm.s32 @!p0 $0x5  }
0x140: {  	_ =	swait.ge @!p0 [sflag:s0], s1  }
0x141: {  	s1 =	ssub.s32 @!p0 $0x0, s1;
	[sflag:s0] =	ssyncset.done @!p0 $0x0  }
0x142: {  	[sflag:s0] =	ssyncadd.s32 @!p0 s1  }
0x143: {  	[bflag:$0x3] =	sbarrier.arrive $0xFFFF  }
0x144: {  	_ =	shalt  }

// kernel: kernel.8.cloned.1.call-start
scs
__scs_entry_jumppad:
0x0: {  	(pc) =	sbr.rel $0x88, $3  }
0x1: {  	(tag) =	ssettag $0x0;
	lr =	simm.s32 $0x1  }
0x2: {  	[smem:$0x3F9D] =	sst lr;
	_ =	strace $0xD0000000  }
0x3: {  	_ = 	snop  }
0x4: {  	_ = 	snop  }
0x5: {  	_ = 	snop  }
0x6: {  	_ = 	snop  }
0x7: {  	_ = 	snop  }
__scs_overlays_trampoline_lowered:
0x8: {  	[smem:$0x3FAC] =	sst s0  }
0x9: {  	[smem:$0x3FAD] =	sst s1  }
0xa: {  	[smem:$0x3FAE] =	sst s2  }
0xb: {  	[smem:$0x3FAF] =	sst s3  }
0xc: {  	[smem:$0x3FB0] =	sst s4  }
0xd: {  	[smem:$0x3FB1] =	sst s5  }
0xe: {  	[smem:$0x3FB2] =	sst s6  }
0xf: {  	[smem:$0x3FB3] =	sst s7  }
0x10: {  	[smem:$0x3FB4] =	sst s8  }
0x11: {  	[smem:$0x3FB5] =	sst s9;
	s0 =	simm.s32 @!p0 $0x0  }
0x12: {  	s1 =	sld [smem:$0x3F9B];
	s0 =	simm.s32 @p0 $0x1  }
0x13: {  	[smem:$0x3FB6] =	sst s0;
	s0 =	simm.s32 @!p1 $0x0  }
0x14: {  	s2 =	sld [smem:$0x3F9A];
	s0 =	simm.s32 @p1 $0x1  }
0x15: {  	[smem:$0x3FB7] =	sst s0;
	s0 =	simm.s32 @!p2 $0x0  }
0x16: {  	s3 =	sld [smem:$0x3FDB];
	s0 =	simm.s32 @p2 $0x1  }
0x17: {  	s4 =	simm.s32 $0x1BF5;
	[smem:$0x3FB9] =	sst s0  }
0x18: {  	s0 =	sld [smem:$0x3F9C];
	_ =	swait.ge [sflag:s4], $0x0  }
0x19: {  	s7 =	sld [smem:$0x3F9D]  }
0x1a: {  	s8 =	sadd.s32 $0xFFFFE003, lr  }
0x1b: {  	s9 =	sadd.s32 $0xFFFFFEF7, lr;
	s5 =	simm.s32 $0xFFFFFFFF;
	p2 =	slt.u32 s8, $0xFFFFF086  }
0x1c: {  	p1 =	slt.u32 s9, $0xF7A;
	s5 =	simm.s32 @!p2 $0x0  }
0x1d: {  	s5 =	simm.s32 @p1 $0x1;
	p0 =	seq.s32 s7, s2  }
0x1e: {  	s7 =	smul.u32 @!p0 $0xF7A, s2;
	p2 =	seq.s32 @!p0 s5, $0x0  }
0x1f: {  	s9 =	smul.u32 $0xF7A, s1;
	s8 =	simm.s32 @!p0 $0x1BF5;
	p2 =	por !p2, p0  }
0x20: {  	[sflag:s8] =	ssyncset.s32 @!p0 $0xFFFFF086;
	s6 =	sadd.s32 @!p0 s3, s7;
	s7 =	simm.s32 @!p0 $0x108  }
0x21: {  	s3 =	sadd.s32 s3, s9;
	s6 =	sadd.s32 @!p0 $0x88, s6;
	s7 =	simm.s32 @p2 $0x1082  }
0x22: {  	[simem:s7], [sflag:s8] =	dma.local @!p0 [hbm:s6], $0xF7A  }
0x23: {  	s9 =	sor.u32 $0xD0000000, s2;
	s6 =	simm.s32 $0x108;
	_ =	swait.ge @!p0 [sflag:s8], $0x0  }
0x24: {  	s3 =	sadd.s32 $0x88, s3;
	s6 =	simm.s32 @!p1 $0x1082;
	[sflag:s4] =	ssyncset.s32 $0xFFFFF086  }
0x25: {  	[simem:s6], [sflag:s4] =	dma.local [hbm:s3], $0xF7A  }
0x26: {  	[smem:$0x3F9D] =	sst s1;
	(tag) =	ssettag s2;
	_ =	strace s9  }
0x27: {  	s1 =	sld [smem:$0x3FAD]  }
0x28: {  	s2 =	sld [smem:$0x3FAE]  }
0x29: {  	s4 =	sld [smem:$0x3FB0]  }
0x2a: {  	p0 =	seq.s32 s5, $0x0;
	s5 =	sld [smem:$0x3FB1]  }
0x2b: {  	s6 =	sld [smem:$0x3FB2]  }
0x2c: {  	s7 =	sld [smem:$0x3FB3]  }
0x2d: {  	s3 =	simm.s32 $0x108;
	s8 =	sld [smem:$0x3FB4]  }
0x2e: {  	s3 =	simm.s32 @!p0 $0x1082;
	s9 =	sld [smem:$0x3FB5]  }
0x2f: {  	lr =	sadd.s32 s0, s3;
	s0 =	sld [smem:$0x3FAC]  }
0x30: {  	s3 =	sld [smem:$0x3FAF]  }
0x31: {  	[smem:$0x3FB8] =	sst s10  }
0x32: {  	s10 =	sld [smem:$0x3FB6];
	_ =	sdelay $0x3  }
0x33: {  	p0 =	seq.s32 s10, $0x1;
	s10 =	sld [smem:$0x3FB8];
	_ =	sdelay $0x3  }
0x34: {  	[smem:$0x3FB8] =	sst s10  }
0x35: {  	s10 =	sld [smem:$0x3FB7];
	_ =	sdelay $0x3  }
0x36: {  	p1 =	seq.s32 s10, $0x1;
	s10 =	sld [smem:$0x3FB8];
	_ =	sdelay $0x3  }
0x37: {  	[smem:$0x3FB8] =	sst s10  }
0x38: {  	s10 =	sld [smem:$0x3FB9]  }
0x39: {  	_ = 	snop;
	(pc) =	sbr.ind lr, $3  }
0x3a: {  	_ = 	snop  }
0x3b: {  	_ = 	snop  }
0x3c: {  	p2 =	seq.s32 s10, $0x1;
	s10 =	sld [smem:$0x3FB8]  }
0x3d: {  	_ =	shalt  }
0x3e: {  	_ =	shalt  }
0x3f: {  	_ =	shalt  }
0x40: {  	_ =	shalt  }
0x41: {  	_ =	shalt  }
0x42: {  	_ =	shalt  }
0x43: {  	_ =	shalt  }
0x44: {  	_ =	shalt  }
0x45: {  	_ =	shalt  }
0x46: {  	_ =	shalt  }
0x47: {  	_ =	shalt  }
0x48: {  	_ =	shalt  }
0x49: {  	_ =	shalt  }
0x4a: {  	_ =	shalt  }
0x4b: {  	_ =	shalt  }
0x4c: {  	_ =	shalt  }
0x4d: {  	_ =	shalt  }
0x4e: {  	_ =	shalt  }
0x4f: {  	_ =	shalt  }
0x50: {  	_ =	shalt  }
0x51: {  	_ =	shalt  }
0x52: {  	_ =	shalt  }
0x53: {  	_ =	shalt  }
0x54: {  	_ =	shalt  }
0x55: {  	_ =	shalt  }
0x56: {  	_ =	shalt  }
0x57: {  	_ =	shalt  }
0x58: {  	_ =	shalt  }
0x59: {  	_ =	shalt  }
0x5a: {  	_ =	shalt  }
0x5b: {  	_ =	shalt  }
0x5c: {  	_ =	shalt  }
0x5d: {  	_ =	shalt  }
0x5e: {  	_ =	shalt  }
0x5f: {  	_ =	shalt  }
0x60: {  	_ =	shalt  }
0x61: {  	_ =	shalt  }
0x62: {  	_ =	shalt  }
0x63: {  	_ =	shalt  }
0x64: {  	_ =	shalt  }
0x65: {  	_ =	shalt  }
0x66: {  	_ =	shalt  }
0x67: {  	_ =	shalt  }
0x68: {  	_ =	shalt  }
0x69: {  	_ =	shalt  }
0x6a: {  	_ =	shalt  }
0x6b: {  	_ =	shalt  }
0x6c: {  	_ =	shalt  }
0x6d: {  	_ =	shalt  }
0x6e: {  	_ =	shalt  }
0x6f: {  	_ =	shalt  }
0x70: {  	_ =	shalt  }
0x71: {  	_ =	shalt  }
0x72: {  	_ =	shalt  }
0x73: {  	_ =	shalt  }
0x74: {  	_ =	shalt  }
0x75: {  	_ =	shalt  }
0x76: {  	_ =	shalt  }
0x77: {  	_ =	shalt  }
0x78: {  	_ =	shalt  }
0x79: {  	_ =	shalt  }
0x7a: {  	_ =	shalt  }
0x7b: {  	_ =	shalt  }
0x7c: {  	_ =	shalt  }
0x7d: {  	_ =	shalt  }
0x7e: {  	_ =	shalt  }
0x7f: {  	_ =	shalt  }
0x80: {  	_ =	shalt  }
0x81: {  	_ =	shalt  }
0x82: {  	_ =	shalt  }
0x83: {  	_ =	shalt  }
0x84: {  	_ =	shalt  }
0x85: {  	_ =	shalt  }
0x86: {  	_ =	shalt  }
0x87: {  	_ =	shalt  }
.Lfunc_end0:
.L_simem_size_0:
called_computation.1_lowered:
.L_overlay_start_0:
0x88: {  	s2 =	sld [smem:$0x3FD9]  }
0x89: {  	s3 =	sld [smem:$0x3FFE];
	_ =	sdelay $0x1  }
0x8a: {  	s1 =	srdreg.scid  }
0x8b: {  	s0 =	sand.u32 $0x1, s1  }
0x8c: {  	s14 =	sshll.u32 s0, $0xA;
	s2 =	sadd.s32 s3, s2  }
0x8d: {  	s2 =	sadd.s32 s2, s14  }
0x8e: {  	[smem:$0x3FC4] =	sst s2  }
0x8f: {  	_ = 	snop  }
0x90: {  	s2 =	sld [smem:$0x3FD0];
	_ =	sdelay $0x2  }
0x91: {  	s15 =	simm.s32 $0xA;
	s4 =	simm.s32 $0x10  }
0x92: {  	[smem:s4], [sflag:s15] =	dma.local [hbm:s2], $0x1  }
0x93: {  	_ =	swait.eq [sflag:s15], $0x1  }
0x94: {  	[sflag:s15] =	ssyncset.done $0x0  }
0x95: {  	s16 =	sld [smem:$0x10];
	[sflag:s15] =	ssyncadd.s32 $0xFFFFFFFF  }
0x96: {  	s17 =	sld [smem:$0x11];
	(tm) =	ssettm $0x1  }
0x97: {  	s18 =	sld [smem:$0x3FFB];
	_ =	sdelay $0x3  }
0x98: {  	_ =	strace s18  }
0x99: {  	s4 =	sld [smem:$0x3FFC];
	_ =	sdelay $0x3  }
0x9a: {  	_ =	strace s4  }
0x9b: {  	s4 =	sld [smem:$0x3FFD];
	_ =	sdelay $0x3  }
0x9c: {  	_ =	strace s4  }
0x9d: {  	_ =	strace $0x8FFFFFFF  }
0x9e: {  	s19 =	sld [smem:$0x3FDB];
	_ =	sdelay $0x1  }
0x9f: {  	s5 =	simm.s32 $_scs_section_size  }
0xa0: {  	s6 =	simm.s32 $_size__tile_overlayer_lowered;
	s7 =	simm.s32 $_tile_overlayer_lowered  }
0xa1: {  	s22 =	simm.s32 $0x1BFF;
	s21 =	sshll.u32 s7, $0x1;
	s4 =	sadd.s32 s5, s19  }
0xa2: {  	s8 =	simm.s32 $0x0;
	s20 =	sshll.u32 s6, $0x1;
	s6 =	sadd.s32 s21, s4  }
0xa3: {  	[timem:s8], [sflag:s22] =	dma.local [hbm:s6], s20  }
0xa4: {  	_ =	swait.ge [sflag:s22], s20  }
0xa5: {  	s5 =	ssub.s32 $0x0, s20;
	[sflag:s22] =	ssyncset.done $0x0  }
0xa6: {  	[sflag:s22] =	ssyncadd.s32 s5;
	_ =	sdelay $0x1  }
0xa7: {  	s23 =	simm.s32 $0x1B8B  }
0xa8: {  	_ =	swait.ge [sflag:s23], $0x1  }
0xa9: {  	[sflag:s23] =	ssyncset.done $0x0  }
0xaa: {  	s25 =	simm.s32 $0x1B8E;
	s24 =	sld [smem:$0x3FFE];
	[sflag:s23] =	ssyncadd.s32 $0xFFFFFFFF  }
0xab: {  	s26 =	simm.s32 $execute0_lowered;
	[smem:$0x3FD2] =	sst s25  }
0xac: {  	s6 =	sshll.u32 s26, $0x1;
	_ =	strace $0x80000049;
	[dreg:$0x1] =	wrdreg $0xFFFFFFFF  }
0xad: {  	s28 =	simm.s32 $_size_execute0_lowered;
	s4 =	sadd.s32 s4, s6;
	[dreg:$0x0] =	wrdreg $0x0  }
0xae: {  	s6 =	sshll.u32 s28, $0x1;
	[dreg:$0x2] =	wrdreg s4  }
0xaf: {  	[dreg:$0x3] =	wrdreg s6  }
0xb0: {  	[dreg:$0x4] =	wrdreg $0xC0  }
0xb1: {  	_ =	task [dreg:s8], $0x5FFFF  }
0xb2: {  	[dreg:$0x1] =	wrdreg $0xFFFFFFFF  }
0xb3: {  	[dreg:$0x0] =	wrdreg $0x60  }
0xb4: {  	[dreg:$0x2] =	wrdreg s24  }
0xb5: {  	[dreg:$0x3] =	wrdreg s17  }
0xb6: {  	[dreg:$0x4] =	wrdreg s16  }
0xb7: {  	[dreg:$0x5] =	wrdreg $0x9  }
0xb8: {  	_ =	task.clear_ibuf [dreg:s8], $0x6FFFF;
	_ =	strace $0x90000049  }
0xb9: {  	s29 =	simm.s32 $0x9;
	_ =	strace $0x8000004B  }
0xba: {  	_ =	swait.ge [sflag:s29], $0x1  }
0xbb: {  	[sflag:s29] =	ssyncadd.s32 $0xFFFFFFFF  }
0xbc: {  	_ =	strace $0x9000004B  }
0xbd: {  	_ =	sfence  }
0xbe: {  	s30 =	sld [smem:$0x0];
	_ =	sdelay $0x2  }
0xbf: {  	s31 =	sshll.u32 s1, $0xD;
	s1 =	sshrl.u32 s1, $0x2  }
0xc0: {  	s3 =	sand.u32 $0x4000, s31;
	s1 =	sadd.s32 s1, s30  }
0xc1: {  	s0 =	sor.u32 s3, s0;
	s1 =	sshll.u32 s1, $0x11  }
0xc2: {  	s0 =	sor.u32 s1, s0  }
0xc3: {  	s0 =	sadd.s32 $0x8F2B, s0  }
0xc4: {  	[sflag:s0] =	ssyncadd.remote.s32 $0x1  }
0xc5: {  	_ =	sfence.sel $0xFFFF  }
0xc6: {  	[dreg:$0x0] =	wrdreg $0xFFFFFFFF;
	(pc) =	sbr.abs _section_cstart, $3  }
0xc7: {  	[dreg:$0x1] =	wrdreg $0xFFFFFFFF  }
0xc8: {  	_ =	task.clear_ibuf [dreg:s8], $0x2FFFF;
	_ =	strace $0x9FFFFFFF  }
0xc9: {  	(tm) =	ssettm $0x7FFFFFFF  }
tec
execute0_lowered:
.L_overlay_start_1:
0x0: {  	(tag) =	ssettag $0x1  }
0x1: {  	s1 =	rddreg [dreg:$0x0]  }
0x2: {  	s2 =	srdreg.scid;
	s3 =	rddreg [dreg:$0x1]  }
0x3: {  	s5 =	rddreg [dreg:$0x2];
	s4 =	sand.u32 $0x1, s2;
	s2 =	simm.s32 $0x0  }
0x4: {  	s11 =	simm.s32 $0x80;
	[smem:$0x7FF] =	sst s2  }
0x5: {  	s12 =	simm.s32 $0x900;
	_ =	strace $0x8000004A;
	[dreg:$0x8] =	wrdreg s11  }
0x6: {  	s13 =	simm.s32 $0x1100;
	[dreg:$0x9] =	wrdreg s12  }
0x7: {  	s14 =	simm.s32 $0x1900;
	[dreg:$0xa] =	wrdreg s13  }
0x8: {  	s0 =	stileid.u32;
	s15 =	simm.s32 $0x2100;
	[dreg:$0xb] =	wrdreg s14  }
0x9: {  	s16 =	simm.s32 $0x2900;
	s17 =	simm.s32 $0x3100;
	[dreg:$0xc] =	wrdreg s15  }
0xa: {  	s19 =	simm.s32 $0x3900;
	s21 =	simm.s32 $0x4100;
	[dreg:$0xd] =	wrdreg s16  }
0xb: {  	s22 =	simm.s32 $0x4900;
	s23 =	simm.s32 $0x5100;
	[dreg:$0xe] =	wrdreg s17  }
0xc: {  	s24 =	simm.s32 $0x5900;
	s25 =	simm.s32 $0x6100;
	[dreg:$0xf] =	wrdreg s19  }
0xd: {  	s26 =	simm.s32 $0x6900;
	s28 =	simm.s32 $0xF900;
	[dreg:$0x10] =	wrdreg s21  }
0xe: {  	s29 =	simm.s32 $0x1;
	s30 =	simm.s32 $0x2;
	[dreg:$0x11] =	wrdreg s22  }
0xf: {  	s31 =	simm.s32 $0x3;
	s6 =	sshll.u32 s0, $0x7;
	[dreg:$0x12] =	wrdreg s23  }
0x10: {  	s7 =	sshll.u32 s4, $0x6;
	s4 =	ssub.s32 $0x2, s4;
	[dreg:$0x13] =	wrdreg s24  }
0x11: {  	s6 =	sor.u32 s7, s6;
	s18 =	sshrl.u32 s4, $0x1;
	[dreg:$0x14] =	wrdreg s25  }
0x12: {  	[dreg:$0x15] =	wrdreg s26;
	s11 =	simm.s32 $0x7900;
	s12 =	simm.s32 $0x8100  }
0x13: {  	s13 =	simm.s32 $0x8900;
	s14 =	simm.s32 $0x9100;
	s15 =	simm.s32 $0x9900  }
0x14: {  	s16 =	simm.s32 $0xA100;
	s17 =	simm.s32 $0xA900;
	s19 =	simm.s32 $0xB900  }
0x15: {  	s21 =	simm.s32 $0xC900;
	s22 =	simm.s32 $0xD100;
	s23 =	simm.s32 $0xD900  }
0x16: {  	s24 =	simm.s32 $0xE100;
	s25 =	simm.s32 $0xE900;
	s26 =	simm.s32 $0xF100  }
0x17: {  	s7 =	sshrl.u32 s6, $0x3;
	s8 =	sor.u32 $0x20, s6;
	s6 =	sshll.u32 s6, $0x7  }
0x18: {  	s20 =	ssub.s32 s4, s18;
	s4 =	sadd.s32 $0x1700, s1;
	s7 =	sadd.s32 s3, s7  }
0x19: {  	s18 =	simm.s32 $0xB100;
	s9 =	sshrl.u32 s8, $0x3;
	[dreg:$0x4] =	wrdreg s7  }
0x1a: {  	s3 =	sadd.s32 s3, s9;
	s7 =	sadd.s32 s5, s6;
	s9 =	sshll.u32 s8, $0x7  }
0x1b: {  	s6 =	sadd.s32 $0x1900, s1;
	s8 =	simm.s32 $0x5;
	[dreg:$0x5] =	wrdreg s3  }
0x1c: {  	v2 =	vlaneseq.u32;
	[dreg:$0x6] =	wrdreg s7;
	s10 =	sadd.s32 s5, s9;
	s3 =	sadd.s32 $0x1600, s1  }
0x1d: {  	vm0 =	vmmov $0xffff;
	v1 =	vshrl.u32 v2, $0x3;
	s5 =	sadd.s32 $0x1800, s1;
	s7 =	smax.u32 s20, $0x1;
	s9 =	simm.s32 $0x100  }
0x1e: {  	v0 =	vand.u32 $0x7, v2;
	v2 =	vor.u32 $0x8, v2;
	v1 =	vmul.u32 $0x8, v1;
	s20 =	simm.s32 $0xC100;
	s1 =	simm.s32 $0x4;
	[dreg:$0x7] =	wrdreg s10  }
.LBB2_1:
0x1f: {  	s0 =	rddreg [dreg:$0x4]  }
0x20: {  	[tilespmem:s2], [sflag:$0x5] =	stream.linear.gather [hbm4b:s0+s2], $0x20, $0x38;
	[tilespmem:$0x10100] =	vst v63  }
0x21: {  	_ =	swait.ge [sflag:s8], $0x20  }
0x22: {  	s0 =	rddreg [dreg:$0x5];
	[sflag:s8] =	ssyncset.done $0x0  }
0x23: {  	s10 =	rddreg [dreg:$0x8];
	[sflag:s8] =	ssyncadd.s32 $0xFFFFFFE0  }
0x24: {  	[tilespmem:s10], [sflag:$0x5] =	stream.linear.gather [hbm4b:s0+s2], $0x20, $0x38;
	[tilespmem:$0x10100] =	vst v63  }
0x25: {  	_ =	swait.ge [sflag:s8], $0x20  }
0x26: {  	[sflag:s8] =	ssyncset.done $0x0  }
0x27: {  	[sflag:s8] =	ssyncadd.s32 $0xFFFFFFE0  }
0x28: {  	v3 =	vld [tilespmem:$0x0];
	_ =	sdelay $0x4  }
0x29: {  	v4 =	vshll.u32 v3, $0x3  }
0x2a: {  	v3 =	vand.u32 $0x7, v3;
	v4 =	vand.u32 $0xFFFFFFC0, v4  }
0x2b: {  	v3 =	vor.u32 v3, v4  }
0x2c: {  	v4 =	vperm.xlane v3, v0;
	_ =	sdelay $0x1  }
0x2d: {  	v4 =	vadd.s32 v1, v4;
	_ =	sdelay $0x4  }
0x2e: {  	[tilespmem:s9], [sflag:$0x1] =	stream.indirect_vreg.gather [hbm4b:s3+s2], $0x80, v4, vm0, $0xb8;
	[tilespmem:$0x10100] =	vst v63  }
0x2f: {  	s0 =	rddreg [dreg:$0x9];
	v3 =	vperm.xlane v3, v2  }
0x30: {  	[tilespmem:s0], [sflag:$0x1] =	stream.indirect_vreg.gather [hbm4b:s4+s2], $0x80, v4, vm0, $0xb8;
	[tilespmem:$0x10100] =	vst v63  }
0x31: {  	s10 =	rddreg [dreg:$0xa];
	v3 =	vadd.s32 v1, v3  }
0x32: {  	[tilespmem:s10], [sflag:$0x1] =	stream.indirect_vreg.gather [hbm4b:s5+s2], $0x80, v4, vm0, $0xb8;
	[tilespmem:$0x10100] =	vst v63  }
0x33: {  	s0 =	rddreg [dreg:$0xb]  }
0x34: {  	[tilespmem:s0], [sflag:$0x1] =	stream.indirect_vreg.gather [hbm4b:s6+s2], $0x80, v4, vm0, $0xb8;
	[tilespmem:$0x10100] =	vst v63  }
0x35: {  	s10 =	rddreg [dreg:$0xc]  }
0x36: {  	[tilespmem:s10], [sflag:$0x1] =	stream.indirect_vreg.gather [hbm4b:s3+s2], $0x80, v3, vm0, $0xb8;
	[tilespmem:$0x10100] =	vst v63  }
0x37: {  	s0 =	rddreg [dreg:$0xd]  }
0x38: {  	[tilespmem:s0], [sflag:$0x1] =	stream.indirect_vreg.gather [hbm4b:s4+s2], $0x80, v3, vm0, $0xb8;
	[tilespmem:$0x10100] =	vst v63  }
0x39: {  	s10 =	rddreg [dreg:$0xe]  }
0x3a: {  	[tilespmem:s10], [sflag:$0x1] =	stream.indirect_vreg.gather [hbm4b:s5+s2], $0x80, v3, vm0, $0xb8;
	[tilespmem:$0x10100] =	vst v63  }
0x3b: {  	s0 =	rddreg [dreg:$0xf]  }
0x3c: {  	[tilespmem:s0], [sflag:$0x1] =	stream.indirect_vreg.gather [hbm4b:s6+s2], $0x80, v3, vm0, $0xb8;
	[tilespmem:$0x10100] =	vst v63  }
0x3d: {  	v3 =	vld [tilespmem:$0x10];
	_ =	sdelay $0x4  }
0x3e: {  	v61 =	vshll.u32 v3, $0x3  }
0x3f: {  	v3 =	vand.u32 $0x7, v3;
	v4 =	vand.u32 $0xFFFFFFC0, v61  }
0x40: {  	v3 =	vor.u32 v3, v4  }
0x41: {  	v4 =	vperm.xlane v3, v0;
	_ =	sdelay $0x1  }
0x42: {  	v4 =	vadd.s32 v1, v4;
	_ =	sdelay $0x3  }
0x43: {  	s0 =	rddreg [dreg:$0x10]  }
0x44: {  	[tilespmem:s0], [sflag:$0x1] =	stream.indirect_vreg.gather [hbm4b:s3+s2], $0x80, v4, vm0, $0xb8;
	[tilespmem:$0x10100] =	vst v63  }
0x45: {  	s10 =	rddreg [dreg:$0x11];
	v3 =	vperm.xlane v3, v2  }
0x46: {  	[tilespmem:s10], [sflag:$0x1] =	stream.indirect_vreg.gather [hbm4b:s4+s2], $0x80, v4, vm0, $0xb8;
	[tilespmem:$0x10100] =	vst v63  }
0x47: {  	v3 =	vadd.s32 v1, v3;
	s0 =	rddreg [dreg:$0x12]  }
0x48: {  	[tilespmem:s0], [sflag:$0x1] =	stream.indirect_vreg.gather [hbm4b:s5+s2], $0x80, v4, vm0, $0xb8;
	[tilespmem:$0x10100] =	vst v63  }
0x49: {  	s10 =	rddreg [dreg:$0x13]  }
0x4a: {  	[tilespmem:s10], [sflag:$0x1] =	stream.indirect_vreg.gather [hbm4b:s6+s2], $0x80, v4, vm0, $0xb8;
	[tilespmem:$0x10100] =	vst v63  }
0x4b: {  	s0 =	rddreg [dreg:$0x14]  }
0x4c: {  	[tilespmem:s0], [sflag:$0x1] =	stream.indirect_vreg.gather [hbm4b:s3+s2], $0x80, v3, vm0, $0xb8;
	[tilespmem:$0x10100] =	vst v63  }
0x4d: {  	s10 =	rddreg [dreg:$0x15]  }
0x4e: {  	[tilespmem:s10], [sflag:$0x1] =	stream.indirect_vreg.gather [hbm4b:s4+s2], $0x80, v3, vm0, $0xb8;
	[tilespmem:$0x10100] =	vst v63  }
0x4f: {  	s10 =	simm.s32 $0x7100  }
0x50: {  	[tilespmem:s10], [sflag:$0x1] =	stream.indirect_vreg.gather [hbm4b:s5+s2], $0x80, v3, vm0, $0xb8;
	[tilespmem:$0x10100] =	vst v63  }
0x51: {  	_ = 	snop  }
0x52: {  	[tilespmem:s11], [sflag:$0x1] =	stream.indirect_vreg.gather [hbm4b:s6+s2], $0x80, v3, vm0, $0xb8;
	[tilespmem:$0x10100] =	vst v63  }
0x53: {  	v3 =	vld [tilespmem:$0x80];
	_ =	sdelay $0x4  }
0x54: {  	v62 =	vshll.u32 v3, $0x3  }
0x55: {  	v3 =	vand.u32 $0x7, v3;
	v4 =	vand.u32 $0xFFFFFFC0, v62  }
0x56: {  	v3 =	vor.u32 v3, v4  }
0x57: {  	v4 =	vperm.xlane v3, v0;
	_ =	sdelay $0x1  }
0x58: {  	v4 =	vadd.s32 v1, v4;
	_ =	sdelay $0x4  }
0x59: {  	[tilespmem:s12], [sflag:$0x2] =	stream.indirect_vreg.gather [hbm4b:s3+s2], $0x80, v4, vm0, $0xb8;
	[tilespmem:$0x10100] =	vst v63  }
0x5a: {  	v3 =	vperm.xlane v3, v2  }
0x5b: {  	[tilespmem:s13], [sflag:$0x2] =	stream.indirect_vreg.gather [hbm4b:s4+s2], $0x80, v4, vm0, $0xb8;
	[tilespmem:$0x10100] =	vst v63  }
0x5c: {  	v3 =	vadd.s32 v1, v3  }
0x5d: {  	[tilespmem:s14], [sflag:$0x2] =	stream.indirect_vreg.gather [hbm4b:s5+s2], $0x80, v4, vm0, $0xb8;
	[tilespmem:$0x10100] =	vst v63  }
0x5e: {  	_ = 	snop  }
0x5f: {  	[tilespmem:s15], [sflag:$0x2] =	stream.indirect_vreg.gather [hbm4b:s6+s2], $0x80, v4, vm0, $0xb8;
	[tilespmem:$0x10100] =	vst v63  }
0x60: {  	_ = 	snop  }
0x61: {  	[tilespmem:s16], [sflag:$0x2] =	stream.indirect_vreg.gather [hbm4b:s3+s2], $0x80, v3, vm0, $0xb8;
	[tilespmem:$0x10100] =	vst v63  }
0x62: {  	_ = 	snop  }
0x63: {  	[tilespmem:s17], [sflag:$0x2] =	stream.indirect_vreg.gather [hbm4b:s4+s2], $0x80, v3, vm0, $0xb8;
	[tilespmem:$0x10100] =	vst v63  }
0x64: {  	_ = 	snop  }
0x65: {  	[tilespmem:s18], [sflag:$0x2] =	stream.indirect_vreg.gather [hbm4b:s5+s2], $0x80, v3, vm0, $0xb8;
	[tilespmem:$0x10100] =	vst v63  }
0x66: {  	_ = 	snop  }
0x67: {  	[tilespmem:s19], [sflag:$0x2] =	stream.indirect_vreg.gather [hbm4b:s6+s2], $0x80, v3, vm0, $0xb8;
	[tilespmem:$0x10100] =	vst v63  }
0x68: {  	v3 =	vld [tilespmem:$0x90];
	_ =	sdelay $0x4  }
0x69: {  	v63 =	vshll.u32 v3, $0x3  }
0x6a: {  	v3 =	vand.u32 $0x7, v3;
	v4 =	vand.u32 $0xFFFFFFC0, v63  }
0x6b: {  	v3 =	vor.u32 v3, v4  }
0x6c: {  	v4 =	vperm.xlane v3, v0;
	_ =	sdelay $0x1  }
0x6d: {  	v4 =	vadd.s32 v1, v4;
	_ =	sdelay $0x4  }
0x6e: {  	[tilespmem:s20], [sflag:$0x2] =	stream.indirect_vreg.gather [hbm4b:s3+s2], $0x80, v4, vm0, $0xb8;
	[tilespmem:$0x10100] =	vst v63  }
0x6f: {  	v3 =	vperm.xlane v3, v2  }
0x70: {  	[tilespmem:s21], [sflag:$0x2] =	stream.indirect_vreg.gather [hbm4b:s4+s2], $0x80, v4, vm0, $0xb8;
	[tilespmem:$0x10100] =	vst v63  }
0x71: {  	v3 =	vadd.s32 v1, v3  }
0x72: {  	[tilespmem:s22], [sflag:$0x2] =	stream.indirect_vreg.gather [hbm4b:s5+s2], $0x80, v4, vm0, $0xb8;
	[tilespmem:$0x10100] =	vst v63  }
0x73: {  	_ = 	snop  }
0x74: {  	[tilespmem:s23], [sflag:$0x2] =	stream.indirect_vreg.gather [hbm4b:s6+s2], $0x80, v4, vm0, $0xb8;
	[tilespmem:$0x10100] =	vst v63  }
0x75: {  	_ = 	snop  }
0x76: {  	[tilespmem:s24], [sflag:$0x2] =	stream.indirect_vreg.gather [hbm4b:s3+s2], $0x80, v3, vm0, $0xb8;
	[tilespmem:$0x10100] =	vst v63  }
0x77: {  	_ = 	snop  }
0x78: {  	[tilespmem:s25], [sflag:$0x2] =	stream.indirect_vreg.gather [hbm4b:s4+s2], $0x80, v3, vm0, $0xb8;
	[tilespmem:$0x10100] =	vst v63  }
0x79: {  	_ = 	snop  }
0x7a: {  	[tilespmem:s26], [sflag:$0x2] =	stream.indirect_vreg.gather [hbm4b:s5+s2], $0x80, v3, vm0, $0xb8;
	[tilespmem:$0x10100] =	vst v63  }
0x7b: {  	_ = 	snop  }
0x7c: {  	[tilespmem:s28], [sflag:$0x2] =	stream.indirect_vreg.gather [hbm4b:s6+s2], $0x80, v3, vm0, $0xb8;
	[tilespmem:$0x10100] =	vst v63  }
0x7d: {  	_ =	swait.ge [sflag:s29], $0x8000  }
0x7e: {  	[sflag:s29] =	ssyncset.done $0x0  }
0x7f: {  	s10 =	rddreg [dreg:$0x6];
	[sflag:s29] =	ssyncadd.s32 $0xFFFF8000  }
0x80: {  	[hbm4b:s10+s2] =	stream.linear.scatter [tilespmem:s9], [sflag:$0x3], $0x8000, $0x38;
	[tilespmem:$0x10100] =	vst v63  }
0x81: {  	_ =	swait.ge [sflag:s30], $0x8000  }
0x82: {  	[sflag:s30] =	ssyncset.done $0x0  }
0x83: {  	s10 =	rddreg [dreg:$0x7];
	[sflag:s30] =	ssyncadd.s32 $0xFFFF8000  }
0x84: {  	[hbm4b:s10+s2] =	stream.linear.scatter [tilespmem:s12], [sflag:$0x4], $0x8000, $0x38;
	[tilespmem:$0x10100] =	vst v63  }
0x85: {  	p0 =	sne.s32 s7, $0x1;
	_ =	swait.ge [sflag:s31], $0x8000  }
.Ltmp0:
0x86: {  	[sflag:s31] =	ssyncset.done $0x0;
	(pc) =	sbr.rel @p0 .LBB2_1-.Ltmp0, $4  }
0x87: {  	[sflag:s31] =	ssyncadd.s32 $0xFFFF8000  }
0x88: {  	_ =	swait.ge [sflag:s1], $0x8000  }
0x89: {  	[sflag:s1] =	ssyncset.done $0x0  }
0x8a: {  	s7 =	sadd.s32 $0xFFFFFFFF, s7;
	[sflag:s1] =	ssyncadd.s32 $0xFFFF8000  }
0x8b: {  	_ =	sfence.sel $0x180000  }
0x8c: {  	[bflag:$0x0] =	sbarrier.arrive $0xFFFF  }
0x8d: {  	_ =	strace $0x9000004A  }
0x8e: {  	s0 =	stileid.u32;
	[bflag:$0x2] =	sbarrier.arrive $0xFFFF  }
0x8f: {  	p0 =	sne.s32 s0, $0x0;
	s0 =	rddreg [dreg:$0x3]  }
0x90: {  	s0 =	sadd.s32 @!p0 $0x100000, s0  }
0x91: {  	[sflag:s0] =	ssyncadd.tile.s32 @!p0 $0x1;
	_ =	shalt  }
.Lfunc_end2:
_tile_overlayer_lowered:
.L_overlay_start_2:
0x92: {  	(tag) =	ssettag $0x2  }
0x93: {  	s0 =	rddreg [dreg:$0x0];
	s2 =	stileid.u32  }
0x94: {  	s1 =	rddreg [dreg:$0x1];
	p0 =	sne.s32 s2, $0x0  }
0x95: {  	s3 =	rddreg [dreg:$0x2];
	[bflag:$0x3] =	sbarrier.arrive $0xFFFF;
	s2 =	simm.s32 @!p0 $0x1C05  }
0x96: {  	[timem:s3], [sflag:s2] =	dma.local @!p0 [hbm:s0], s1  }
0x97: {  	s0 =	simm.s32 @!p0 $0x5  }
0x98: {  	_ =	swait.ge @!p0 [sflag:s0], s1  }
0x99: {  	s1 =	ssub.s32 @!p0 $0x0, s1;
	[sflag:s0] =	ssyncset.done @!p0 $0x0  }
0x9a: {  	[sflag:s0] =	ssyncadd.s32 @!p0 s1  }
0x9b: {  	[bflag:$0x3] =	sbarrier.arrive $0xFFFF  }
0x9c: {  	_ =	shalt  }

</sc_bundles>
